<compile_context>
chip_gen: v7x
topology: tpu7x:2x2x1
jax: 0.10.2.dev20260603
libtpu: 0.0.44.dev20260713+nightly
codegen_flags: <defaults>
</compile_context>

<pallas_src>
import dataclasses
import functools

import jax
import jax.numpy as jnp
from jax import lax
from jax.experimental import pallas as pl
from jax.experimental.pallas import tpu as pltpu
from jax.experimental.pallas import tpu_sc as plsc

D = 128
H = D // 2
NC = 2
NS = 16
NW = NC * NS



def _pack(feat):
    hi = jax.lax.bitcast_convert_type(feat[:, 0:H], jnp.uint16)
    lo = jax.lax.bitcast_convert_type(feat[:, H:2 * H], jnp.uint16)
    word = (hi.astype(jnp.uint32) << 16) | lo.astype(jnp.uint32)
    return jax.lax.bitcast_convert_type(word, jnp.int32)


def _prep_body(s1, s2, p1, p2, x, w, tsrc, tdst):
    xb = _pack(x[...].astype(jnp.bfloat16))
    wb = _pack(w[...].astype(jnp.bfloat16))
    zero = jnp.zeros_like(xb)
    tsrc[:, 0:H] = _pack((s1[...] + s2[...]).astype(jnp.bfloat16))
    tsrc[:, H:2 * H] = xb
    tsrc[:, 2 * H:3 * H] = wb
    tsrc[:, 3 * H:4 * H] = zero
    tdst[:, 0:H] = _pack((p1[...] + p2[...]).astype(jnp.bfloat16))
    tdst[:, H:2 * H] = xb
    tdst[:, 2 * H:3 * H] = wb
    tdst[:, 3 * H:4 * H] = zero


def _build_tables(s1, s2, p1, p2, x, w):
    n = s1.shape[0]
    blk = 2000
    grid = (n // blk,)
    in_spec = pl.BlockSpec((blk, D), lambda i: (i, 0))
    out_spec = pl.BlockSpec((blk, 4 * H), lambda i: (i, 0))
    return pl.pallas_call(
        _prep_body,
        grid=grid,
        in_specs=[in_spec] * 6,
        out_specs=[out_spec, out_spec],
        out_shape=[jax.ShapeDtypeStruct((n, 4 * H), jnp.int32)] * 2,
    )(s1, s2, p1, p2, x, w)



def _sc_gather_combine(tsrc32, tdst32, ei_flat):
    e = ei_flat.shape[0] // 2
    dtin = tsrc32.shape[1]
    dt = 3 * H
    ew = e // NW
    wnd = 40
    nch = ew // wnd
    mesh = plsc.VectorSubcoreMesh(core_axis_name="c", subcore_axis_name="s")
    cp = pltpu.CompilerParams()
    if "needs_layout_passes" in pltpu.CompilerParams.__dataclass_fields__:
        cp = dataclasses.replace(cp, needs_layout_passes=False)

    nbuf = 4
    scr = [pltpu.VMEM((ew,), jnp.int32), pltpu.VMEM((ew,), jnp.int32)]
    scr += [pltpu.VMEM((wnd, dtin), jnp.int32)] * (2 * nbuf)
    scr += [pltpu.VMEM((wnd, dt), jnp.int32)] * 2
    scr += [pltpu.SemaphoreType.DMA] * (2 * nbuf + 2)

    @functools.partial(
        pl.kernel,
        out_type=jax.ShapeDtypeStruct((e, dt), jnp.int32),
        mesh=mesh,
        compiler_params=cp,
        scratch_types=scr,
    )
    def k(tsrc_hbm, tdst_hbm, ei_hbm, u_hbm, si_v, di_v, *rest):
        a_bufs = rest[0:nbuf]
        b_bufs = rest[nbuf:2 * nbuf]
        u_bufs = rest[2 * nbuf:2 * nbuf + 2]
        sa = rest[2 * nbuf + 2:3 * nbuf + 2]
        sb = rest[3 * nbuf + 2:4 * nbuf + 2]
        su = rest[4 * nbuf + 2:4 * nbuf + 4]
        wid = lax.axis_index("s") * NC + lax.axis_index("c")
        base = wid * ew
        pltpu.sync_copy(ei_hbm.at[pl.ds(base, ew)], si_v)
        pltpu.sync_copy(ei_hbm.at[pl.ds(e + base, ew)], di_v)

        def fire(g, pb):
            off = g * wnd
            pltpu.async_copy(tsrc_hbm.at[si_v.at[pl.ds(off, wnd)]],
                             a_bufs[pb], sa[pb])
            pltpu.async_copy(tdst_hbm.at[di_v.at[pl.ds(off, wnd)]],
                             b_bufs[pb], sb[pb])

        for pb in range(nbuf):
            fire(pb, pb)

        def do_chunk(g, pb, ub, tail=False):
            pltpu.make_async_copy(tsrc_hbm.at[pl.ds(0, wnd)],
                                  a_bufs[pb], sa[pb]).wait()
            pltpu.make_async_copy(tsrc_hbm.at[pl.ds(0, wnd)],
                                  b_bufs[pb], sb[pb]).wait()

            def drain_u():
                pltpu.make_async_copy(u_bufs[ub],
                                      u_hbm.at[pl.ds(base, wnd)],
                                      su[ub]).wait()

            if tail:
                drain_u()
            else:
                pl.when(g >= 2)(drain_u)

            a_v, b_v, u_v = a_bufs[pb], b_bufs[pb], u_bufs[ub]

            @pl.loop(0, wnd)
            def _row(r):
                for j in range(dt // 16):
                    slc = (r, pl.ds(j * 16, 16))
                    av = plsc.bitcast(a_v.at[*slc][...], jnp.bfloat16)
                    bv = plsc.bitcast(b_v.at[*slc][...], jnp.bfloat16)
                    if j < 4:
                        cv = av + bv
                        res = jnp.maximum(cv, jnp.bfloat16(0.01) * cv)
                    else:
                        res = av * bv
                    u_v.at[*slc][...] = plsc.bitcast(res, jnp.int32)

            pltpu.async_copy(u_v, u_hbm.at[pl.ds(base + g * wnd, wnd)],
                             su[ub])

            if not tail:
                pl.when(g + nbuf < nch)(lambda: fire(g + nbuf, pb))

        body = nch - (nch % nbuf)

        @pl.loop(0, body, step=nbuf)
        def _chunk(i):
            for pb in range(nbuf):
                do_chunk(i + pb, pb, pb % 2)

        for g in range(body, nch):
            do_chunk(g, g % nbuf, g % 2, tail=True)

        for ub in range(2):
            pltpu.make_async_copy(u_bufs[ub], u_hbm.at[pl.ds(base, wnd)],
                                  su[ub]).wait()

    return k(tsrc32, tdst32, ei_flat)



def _leaky(v):
    return jnp.maximum(v, 0.01 * v)


def _unpack(sec):
    hi = jax.lax.bitcast_convert_type(sec & jnp.uint32(0xFFFF0000),
                                      jnp.float32)
    lo = jax.lax.bitcast_convert_type(sec << 16, jnp.float32)
    return jnp.concatenate([hi, lo], axis=1)


def _mlp_body(u, w1, b1, wcat, cst, o):
    uu = jax.lax.bitcast_convert_type(u[...], jnp.uint32)
    c = _unpack(uu[:, 0:H])
    xp = _unpack(uu[:, H:2 * H])
    wp = _unpack(uu[:, 2 * H:3 * H])
    z = jnp.dot(c.astype(jnp.bfloat16), w1[...],
                preferred_element_type=jnp.float32) + b1[...]
    a2 = jnp.concatenate([_leaky(z), xp, wp], axis=1).astype(jnp.bfloat16)
    blk = u.shape[0]
    i = pl.program_id(0)
    o[pl.ds(i * blk, blk)] = (jnp.dot(a2, wcat[...],
                                      preferred_element_type=jnp.float32)
                              + cst[...])[:, 0]


def _tc_mlp(u, w1, b1, wcat, cst):
    e = u.shape[0]
    blk = 6400
    grid = (e // blk,)
    full = lambda i: (0, 0)
    return pl.pallas_call(
        _mlp_body,
        grid=grid,
        in_specs=[
            pl.BlockSpec((blk, 3 * H), lambda i: (i, 0)),
            pl.BlockSpec((D, D), full),
            pl.BlockSpec((1, D), full),
            pl.BlockSpec((3 * D, 1), full),
            pl.BlockSpec((1, 1), full),
        ],
        out_specs=pl.BlockSpec((e,), lambda i: (0,)),
        out_shape=jax.ShapeDtypeStruct((e,), jnp.float32),
    )(u, w1, b1, wcat, cst)



def kernel(s1, s2, p1, p2, x, w, edge_index, W1, b1, WL, bL, Wh1, bh1, Wh2, bh2):
    tsrc32, tdst32 = _build_tables(s1, s2, p1, p2, x, w)
    cst = (bL + bh1 + bh2).reshape(1, 1).astype(jnp.float32)
    bf = jnp.bfloat16
    wcat = jnp.concatenate([WL, Wh1, Wh2], axis=0).astype(bf)
    u32 = _sc_gather_combine(tsrc32, tdst32,
                             edge_index.astype(jnp.int32).reshape(-1))
    out = _tc_mlp(u32, W1.astype(bf), b1.reshape(1, D), wcat, cst)
    return out.reshape(-1, 1)

# --- scband reference (transcript-rebuilt; emitter-appended) ---
"""Pipeline reference for scband-neural-trust-network-13503377179004 (READ-ONLY COPY).

The authoritative reference and input builder live on the scoring server;
editing this copy changes nothing except your own understanding.
"""

import jax, jax.numpy as jnp
import numpy as np

D = 128
N = 10000
E = 320000

def _leaky(v):
    return jax.nn.leaky_relu(v, negative_slope=0.01)

def setup_inputs(seed: int = 0) -> dict:
    key = jax.random.key(seed)
    ks = [jax.random.fold_in(key, i) for i in range(16)]
    s1 = jax.random.normal(ks[0], (N, D), dtype=jnp.float32)
    s2 = jax.random.normal(ks[1], (N, D), dtype=jnp.float32)
    p1 = jax.random.normal(ks[2], (N, D), dtype=jnp.float32)
    p2 = jax.random.normal(ks[3], (N, D), dtype=jnp.float32)
    x = jax.random.normal(ks[4], (N, D), dtype=jnp.float32)
    w = jax.random.normal(ks[5], (N, D), dtype=jnp.float32)
    edge_index = jax.random.randint(ks[6], (2, E), 0, N, dtype=jnp.int64)
    sc = 1.0 / np.sqrt(D)
    W1 = jax.random.uniform(ks[7], (D, D), dtype=jnp.float32, minval=-sc, maxval=sc)
    b1 = jax.random.uniform(ks[8], (D,), dtype=jnp.float32, minval=-sc, maxval=sc)
    WL = jax.random.uniform(ks[9], (D, 1), dtype=jnp.float32, minval=-sc, maxval=sc)
    bL = jax.random.uniform(ks[10], (1,), dtype=jnp.float32, minval=-sc, maxval=sc)
    Wh1 = jax.random.uniform(ks[11], (D, 1), dtype=jnp.float32, minval=-sc, maxval=sc)
    bh1 = jax.random.uniform(ks[12], (1,), dtype=jnp.float32, minval=-sc, maxval=sc)
    Wh2 = jax.random.uniform(ks[13], (D, 1), dtype=jnp.float32, minval=-sc, maxval=sc)
    bh2 = jax.random.uniform(ks[14], (1,), dtype=jnp.float32, minval=-sc, maxval=sc)
    return {"s1": s1, "s2": s2, "p1": p1, "p2": p2, "x": x, "w": w,
            "edge_index": edge_index,
            "W1": W1, "b1": b1, "WL": WL, "bL": bL,
            "Wh1": Wh1, "bh1": bh1, "Wh2": Wh2, "bh2": bh2}

def reference(s1, s2, p1, p2, x, w, edge_index, W1, b1, WL, bL, Wh1, bh1, Wh2, bh2):
    src = edge_index[0]
    dst = edge_index[1]
    s = s1 + s2
    p = p1 + p2
    # apply_edges u_add_v('s','p','c')
    c = jnp.take(s, src, axis=0) + jnp.take(p, dst, axis=0)
    # trust_mlp = LeakyReLU -> Linear -> LeakyReLU
    h_L = _leaky(_leaky(c) @ W1 + b1)
    # apply_edges u_mul_v('x','x','h1')
    h1 = jnp.take(x, src, axis=0) * jnp.take(x, dst, axis=0)
    # apply_edges u_mul_v('w','w','h2')
    h2 = jnp.take(w, src, axis=0) * jnp.take(w, dst, axis=0)
    output = (h_L @ WL + bL) + (h1 @ Wh1 + bh1) + (h2 @ Wh2 + bh2)
    return output

if __name__ == "__main__":
    import jax
    _d = setup_inputs()
    print(jax.jit(kernel)(*tuple(_d.values())))

</pallas_src>

<mosaic_0001>
#map = affine_map<(d0, d1) -> (0, 0)>
#map1 = affine_map<(d0, d1) -> (0)>
module attributes {stable_mosaic.version = 14 : i64} {
  func.func @k(%arg0: i32, %arg1: i32, %arg2: memref<10000x256xi32, #tpu.memory_space<hbm>>, %arg3: memref<10000x256xi32, #tpu.memory_space<hbm>>, %arg4: memref<640000xi32, #tpu.memory_space<hbm>>, %arg5: memref<320000x192xi32, #tpu.memory_space<hbm>>, %arg6: memref<10000xi32, #tpu.memory_space<vmem>>, %arg7: memref<10000xi32, #tpu.memory_space<vmem>>, %arg8: memref<40x256xi32, #tpu.memory_space<vmem>>, %arg9: memref<40x256xi32, #tpu.memory_space<vmem>>, %arg10: memref<40x256xi32, #tpu.memory_space<vmem>>, %arg11: memref<40x256xi32, #tpu.memory_space<vmem>>, %arg12: memref<40x256xi32, #tpu.memory_space<vmem>>, %arg13: memref<40x256xi32, #tpu.memory_space<vmem>>, %arg14: memref<40x256xi32, #tpu.memory_space<vmem>>, %arg15: memref<40x256xi32, #tpu.memory_space<vmem>>, %arg16: memref<40x192xi32, #tpu.memory_space<vmem>>, %arg17: memref<40x192xi32, #tpu.memory_space<vmem>>, %arg18: memref<!tpu.dma_semaphore, #tpu.memory_space<semaphore_mem>>, %arg19: memref<!tpu.dma_semaphore, #tpu.memory_space<semaphore_mem>>, %arg20: memref<!tpu.dma_semaphore, #tpu.memory_space<semaphore_mem>>, %arg21: memref<!tpu.dma_semaphore, #tpu.memory_space<semaphore_mem>>, %arg22: memref<!tpu.dma_semaphore, #tpu.memory_space<semaphore_mem>>, %arg23: memref<!tpu.dma_semaphore, #tpu.memory_space<semaphore_mem>>, %arg24: memref<!tpu.dma_semaphore, #tpu.memory_space<semaphore_mem>>, %arg25: memref<!tpu.dma_semaphore, #tpu.memory_space<semaphore_mem>>, %arg26: memref<!tpu.dma_semaphore, #tpu.memory_space<semaphore_mem>>, %arg27: memref<!tpu.dma_semaphore, #tpu.memory_space<semaphore_mem>>) attributes {dimension_semantics = [#tpu.dimension_semantics<core_parallel>, #tpu.dimension_semantics<subcore_parallel>], iteration_bounds = array<i64: 2, 16>, scalar_prefetch = 0 : i64, scratch_operands = 22 : i64, tpu.core_type = #tpu.core_type<sc_vector_subcore>, window_params = [{transform_indices = #map}, {transform_indices = #map}, {transform_indices = #map1}, {transform_indices = #map}]} {
    %mul3A = arith.constant 2 : i32
    %mul3A_0 = arith.muli %arg1, %mul3A : i32
    %add3A = arith.addi %mul3A_0, %arg0 : i32
    %mul3A_1 = arith.constant 10000 : i32
    %mul3A_2 = arith.muli %add3A, %mul3A_1 : i32
    "tpu.region"() ({
      %run_scoped3A = tpu.sem_alloc : memref<!tpu.dma_semaphore, #tpu.memory_space<semaphore_mem>>
      %dma_start3A_109 = tpu.memref_slice %arg4[%mul3A_2] : memref<640000xi32, #tpu.memory_space<hbm>> -> memref<10000xi32, #tpu.memory_space<hbm>>
      %dma_start3A_110 = tpu.memref_slice %arg4[%mul3A_2] : memref<640000xi32, #tpu.memory_space<hbm>> -> memref<10000xi32, #tpu.memory_space<hbm>>
      tpu.enqueue_dma source(%dma_start3A_110 : memref<10000xi32, #tpu.memory_space<hbm>>) target(%arg6 : memref<10000xi32, #tpu.memory_space<vmem>>) target_semaphore(%run_scoped3A : memref<!tpu.dma_semaphore, #tpu.memory_space<semaphore_mem>>)
      %dma_wait3A_111 = tpu.memref_slice %arg4[%mul3A_2] : memref<640000xi32, #tpu.memory_space<hbm>> -> memref<10000xi32, #tpu.memory_space<hbm>>
      %dma_wait3A_112 = tpu.memref_slice %arg4[%mul3A_2] : memref<640000xi32, #tpu.memory_space<hbm>> -> memref<10000xi32, #tpu.memory_space<hbm>>
      tpu.wait_dma2 semaphore(%run_scoped3A : memref<!tpu.dma_semaphore, #tpu.memory_space<semaphore_mem>>) src(%dma_wait3A_112 : memref<10000xi32, #tpu.memory_space<hbm>>) dst(%arg6 : memref<10000xi32, #tpu.memory_space<vmem>>)
      tpu.yield
    }) : () -> ()
    %add3A_3 = arith.constant 320000 : i32
    %add3A_4 = arith.addi %add3A_3, %mul3A_2 : i32
    "tpu.region"() ({
      %run_scoped3A = tpu.sem_alloc : memref<!tpu.dma_semaphore, #tpu.memory_space<semaphore_mem>>
      %dma_start3A_109 = tpu.memref_slice %arg4[%add3A_4] : memref<640000xi32, #tpu.memory_space<hbm>> -> memref<10000xi32, #tpu.memory_space<hbm>>
      %dma_start3A_110 = tpu.memref_slice %arg4[%add3A_4] : memref<640000xi32, #tpu.memory_space<hbm>> -> memref<10000xi32, #tpu.memory_space<hbm>>
      tpu.enqueue_dma source(%dma_start3A_110 : memref<10000xi32, #tpu.memory_space<hbm>>) target(%arg7 : memref<10000xi32, #tpu.memory_space<vmem>>) target_semaphore(%run_scoped3A : memref<!tpu.dma_semaphore, #tpu.memory_space<semaphore_mem>>)
      %dma_wait3A_111 = tpu.memref_slice %arg4[%add3A_4] : memref<640000xi32, #tpu.memory_space<hbm>> -> memref<10000xi32, #tpu.memory_space<hbm>>
      %dma_wait3A_112 = tpu.memref_slice %arg4[%add3A_4] : memref<640000xi32, #tpu.memory_space<hbm>> -> memref<10000xi32, #tpu.memory_space<hbm>>
      tpu.wait_dma2 semaphore(%run_scoped3A : memref<!tpu.dma_semaphore, #tpu.memory_space<semaphore_mem>>) src(%dma_wait3A_112 : memref<10000xi32, #tpu.memory_space<hbm>>) dst(%arg7 : memref<10000xi32, #tpu.memory_space<vmem>>)
      tpu.yield
    }) : () -> ()
    %dma_start3A = arith.constant 0 : i32
    %dma_start3A_5 = tpu.memref_slice %arg6[%dma_start3A] : memref<10000xi32, #tpu.memory_space<vmem>> -> memref<40xi32, #tpu.memory_space<vmem>>
    %dma_start3A_6 = arith.constant 0 : i32
    %dma_start3A_7 = arith.constant 0 : i32
    %dma_start3A_8 = tpu.memref_slice %arg2[%dma_start3A_6, %dma_start3A_7] : memref<10000x256xi32, #tpu.memory_space<hbm>> -> memref<10000x256xi32, #tpu.memory_space<hbm>>
    tpu.enqueue_indirect_dma source(%dma_start3A_8 : memref<10000x256xi32, #tpu.memory_space<hbm>>) target(%arg8 : memref<40x256xi32, #tpu.memory_space<vmem>>) offsets(%dma_start3A_5 : memref<40xi32, #tpu.memory_space<vmem>>) semaphore(%arg18 : memref<!tpu.dma_semaphore, #tpu.memory_space<semaphore_mem>>)
    %dma_start3A_9 = arith.constant 0 : i32
    %dma_start3A_10 = tpu.memref_slice %arg7[%dma_start3A_9] : memref<10000xi32, #tpu.memory_space<vmem>> -> memref<40xi32, #tpu.memory_space<vmem>>
    %dma_start3A_11 = arith.constant 0 : i32
    %dma_start3A_12 = arith.constant 0 : i32
    %dma_start3A_13 = tpu.memref_slice %arg3[%dma_start3A_11, %dma_start3A_12] : memref<10000x256xi32, #tpu.memory_space<hbm>> -> memref<10000x256xi32, #tpu.memory_space<hbm>>
    tpu.enqueue_indirect_dma source(%dma_start3A_13 : memref<10000x256xi32, #tpu.memory_space<hbm>>) target(%arg12 : memref<40x256xi32, #tpu.memory_space<vmem>>) offsets(%dma_start3A_10 : memref<40xi32, #tpu.memory_space<vmem>>) semaphore(%arg22 : memref<!tpu.dma_semaphore, #tpu.memory_space<semaphore_mem>>)
    %dma_start3A_14 = arith.constant 40 : i32
    %dma_start3A_15 = tpu.memref_slice %arg6[%dma_start3A_14] : memref<10000xi32, #tpu.memory_space<vmem>> -> memref<40xi32, #tpu.memory_space<vmem>>
    %dma_start3A_16 = arith.constant 0 : i32
    %dma_start3A_17 = arith.constant 0 : i32
    %dma_start3A_18 = tpu.memref_slice %arg2[%dma_start3A_16, %dma_start3A_17] : memref<10000x256xi32, #tpu.memory_space<hbm>> -> memref<10000x256xi32, #tpu.memory_space<hbm>>
    tpu.enqueue_indirect_dma source(%dma_start3A_18 : memref<10000x256xi32, #tpu.memory_space<hbm>>) target(%arg9 : memref<40x256xi32, #tpu.memory_space<vmem>>) offsets(%dma_start3A_15 : memref<40xi32, #tpu.memory_space<vmem>>) semaphore(%arg19 : memref<!tpu.dma_semaphore, #tpu.memory_space<semaphore_mem>>)
    %dma_start3A_19 = arith.constant 40 : i32
    %dma_start3A_20 = tpu.memref_slice %arg7[%dma_start3A_19] : memref<10000xi32, #tpu.memory_space<vmem>> -> memref<40xi32, #tpu.memory_space<vmem>>
    %dma_start3A_21 = arith.constant 0 : i32
    %dma_start3A_22 = arith.constant 0 : i32
    %dma_start3A_23 = tpu.memref_slice %arg3[%dma_start3A_21, %dma_start3A_22] : memref<10000x256xi32, #tpu.memory_space<hbm>> -> memref<10000x256xi32, #tpu.memory_space<hbm>>
    tpu.enqueue_indirect_dma source(%dma_start3A_23 : memref<10000x256xi32, #tpu.memory_space<hbm>>) target(%arg13 : memref<40x256xi32, #tpu.memory_space<vmem>>) offsets(%dma_start3A_20 : memref<40xi32, #tpu.memory_space<vmem>>) semaphore(%arg23 : memref<!tpu.dma_semaphore, #tpu.memory_space<semaphore_mem>>)
    %dma_start3A_24 = arith.constant 80 : i32
    %dma_start3A_25 = tpu.memref_slice %arg6[%dma_start3A_24] : memref<10000xi32, #tpu.memory_space<vmem>> -> memref<40xi32, #tpu.memory_space<vmem>>
    %dma_start3A_26 = arith.constant 0 : i32
    %dma_start3A_27 = arith.constant 0 : i32
    %dma_start3A_28 = tpu.memref_slice %arg2[%dma_start3A_26, %dma_start3A_27] : memref<10000x256xi32, #tpu.memory_space<hbm>> -> memref<10000x256xi32, #tpu.memory_space<hbm>>
    tpu.enqueue_indirect_dma source(%dma_start3A_28 : memref<10000x256xi32, #tpu.memory_space<hbm>>) target(%arg10 : memref<40x256xi32, #tpu.memory_space<vmem>>) offsets(%dma_start3A_25 : memref<40xi32, #tpu.memory_space<vmem>>) semaphore(%arg20 : memref<!tpu.dma_semaphore, #tpu.memory_space<semaphore_mem>>)
    %dma_start3A_29 = arith.constant 80 : i32
    %dma_start3A_30 = tpu.memref_slice %arg7[%dma_start3A_29] : memref<10000xi32, #tpu.memory_space<vmem>> -> memref<40xi32, #tpu.memory_space<vmem>>
    %dma_start3A_31 = arith.constant 0 : i32
    %dma_start3A_32 = arith.constant 0 : i32
    %dma_start3A_33 = tpu.memref_slice %arg3[%dma_start3A_31, %dma_start3A_32] : memref<10000x256xi32, #tpu.memory_space<hbm>> -> memref<10000x256xi32, #tpu.memory_space<hbm>>
    tpu.enqueue_indirect_dma source(%dma_start3A_33 : memref<10000x256xi32, #tpu.memory_space<hbm>>) target(%arg14 : memref<40x256xi32, #tpu.memory_space<vmem>>) offsets(%dma_start3A_30 : memref<40xi32, #tpu.memory_space<vmem>>) semaphore(%arg24 : memref<!tpu.dma_semaphore, #tpu.memory_space<semaphore_mem>>)
    %dma_start3A_34 = arith.constant 120 : i32
    %dma_start3A_35 = tpu.memref_slice %arg6[%dma_start3A_34] : memref<10000xi32, #tpu.memory_space<vmem>> -> memref<40xi32, #tpu.memory_space<vmem>>
    %dma_start3A_36 = arith.constant 0 : i32
    %dma_start3A_37 = arith.constant 0 : i32
    %dma_start3A_38 = tpu.memref_slice %arg2[%dma_start3A_36, %dma_start3A_37] : memref<10000x256xi32, #tpu.memory_space<hbm>> -> memref<10000x256xi32, #tpu.memory_space<hbm>>
    tpu.enqueue_indirect_dma source(%dma_start3A_38 : memref<10000x256xi32, #tpu.memory_space<hbm>>) target(%arg11 : memref<40x256xi32, #tpu.memory_space<vmem>>) offsets(%dma_start3A_35 : memref<40xi32, #tpu.memory_space<vmem>>) semaphore(%arg21 : memref<!tpu.dma_semaphore, #tpu.memory_space<semaphore_mem>>)
    %dma_start3A_39 = arith.constant 120 : i32
    %dma_start3A_40 = tpu.memref_slice %arg7[%dma_start3A_39] : memref<10000xi32, #tpu.memory_space<vmem>> -> memref<40xi32, #tpu.memory_space<vmem>>
    %dma_start3A_41 = arith.constant 0 : i32
    %dma_start3A_42 = arith.constant 0 : i32
    %dma_start3A_43 = tpu.memref_slice %arg3[%dma_start3A_41, %dma_start3A_42] : memref<10000x256xi32, #tpu.memory_space<hbm>> -> memref<10000x256xi32, #tpu.memory_space<hbm>>
    tpu.enqueue_indirect_dma source(%dma_start3A_43 : memref<10000x256xi32, #tpu.memory_space<hbm>>) target(%arg15 : memref<40x256xi32, #tpu.memory_space<vmem>>) offsets(%dma_start3A_40 : memref<40xi32, #tpu.memory_space<vmem>>) semaphore(%arg25 : memref<!tpu.dma_semaphore, #tpu.memory_space<semaphore_mem>>)
    %scan3A = arith.constant 0 : i32
    %scan3A_44 = arith.constant 62 : i32
    %scan3A_45 = arith.addi %scan3A, %scan3A_44 : i32
    %scan3A_46 = arith.constant 1 : i32
    scf.for %scan3A_109 = %scan3A to %scan3A_45 step %scan3A_46  : i32 {
      %mul3A_110 = arith.constant 4 : i32
      %mul3A_111 = arith.muli %scan3A_109, %mul3A_110 : i32
      %add3A_112 = arith.constant 0 : i32
      %add3A_113 = arith.addi %add3A_112, %mul3A_111 : i32
      %add3A_114 = arith.constant 0 : i32
      %add3A_115 = arith.addi %add3A_113, %add3A_114 : i32
      %dma_wait3A_116 = arith.constant 0 : i32
      %dma_wait3A_117 = arith.constant 0 : i32
      %dma_wait3A_118 = tpu.memref_slice %arg2[%dma_wait3A_116, %dma_wait3A_117] : memref<10000x256xi32, #tpu.memory_space<hbm>> -> memref<40x256xi32, #tpu.memory_space<hbm>>
      %dma_wait3A_119 = arith.constant 0 : i32
      %dma_wait3A_120 = arith.constant 0 : i32
      %dma_wait3A_121 = tpu.memref_slice %arg2[%dma_wait3A_119, %dma_wait3A_120] : memref<10000x256xi32, #tpu.memory_space<hbm>> -> memref<40x256xi32, #tpu.memory_space<hbm>>
      tpu.wait_dma2 semaphore(%arg18 : memref<!tpu.dma_semaphore, #tpu.memory_space<semaphore_mem>>) src(%dma_wait3A_121 : memref<40x256xi32, #tpu.memory_space<hbm>>) dst(%arg8 : memref<40x256xi32, #tpu.memory_space<vmem>>)
      %dma_wait3A_122 = arith.constant 0 : i32
      %dma_wait3A_123 = arith.constant 0 : i32
      %dma_wait3A_124 = tpu.memref_slice %arg2[%dma_wait3A_122, %dma_wait3A_123] : memref<10000x256xi32, #tpu.memory_space<hbm>> -> memref<40x256xi32, #tpu.memory_space<hbm>>
      %dma_wait3A_125 = arith.constant 0 : i32
      %dma_wait3A_126 = arith.constant 0 : i32
      %dma_wait3A_127 = tpu.memref_slice %arg2[%dma_wait3A_125, %dma_wait3A_126] : memref<10000x256xi32, #tpu.memory_space<hbm>> -> memref<40x256xi32, #tpu.memory_space<hbm>>
      tpu.wait_dma2 semaphore(%arg22 : memref<!tpu.dma_semaphore, #tpu.memory_space<semaphore_mem>>) src(%dma_wait3A_127 : memref<40x256xi32, #tpu.memory_space<hbm>>) dst(%arg12 : memref<40x256xi32, #tpu.memory_space<vmem>>)
      %ge3A = arith.constant 2 : i32
      %ge3A_128 = arith.cmpi sge, %add3A_115, %ge3A : i32
      %convert_element_type3A = arith.extui %ge3A_128 : i1 to i32
      %cond3A = arith.constant 0 : i32
      %cond3A_129 = arith.cmpi ne, %convert_element_type3A, %cond3A : i32
      scf.if %cond3A_129 {
        %dma_wait3A_262 = arith.constant 0 : i32
        %dma_wait3A_263 = tpu.memref_slice %arg5[%mul3A_2, %dma_wait3A_262] : memref<320000x192xi32, #tpu.memory_space<hbm>> -> memref<40x192xi32, #tpu.memory_space<hbm>>
        %dma_wait3A_264 = arith.constant 0 : i32
        %dma_wait3A_265 = tpu.memref_slice %arg5[%mul3A_2, %dma_wait3A_264] : memref<320000x192xi32, #tpu.memory_space<hbm>> -> memref<40x192xi32, #tpu.memory_space<hbm>>
        tpu.wait_dma2 semaphore(%arg26 : memref<!tpu.dma_semaphore, #tpu.memory_space<semaphore_mem>>) src(%arg16 : memref<40x192xi32, #tpu.memory_space<vmem>>) dst(%dma_wait3A_265 : memref<40x192xi32, #tpu.memory_space<hbm>>)
      } else {
      }
      %scan3A_130 = arith.constant 0 : i32
      %scan3A_131 = arith.constant 40 : i32
      %scan3A_132 = arith.addi %scan3A_130, %scan3A_131 : i32
      %scan3A_133 = arith.constant 1 : i32
      scf.for %scan3A_262 = %scan3A_130 to %scan3A_132 step %scan3A_133  : i32 {
        %mul3A_263 = arith.constant 1 : i32
        %mul3A_264 = arith.muli %scan3A_262, %mul3A_263 : i32
        %add3A_265 = arith.constant 0 : i32
        %add3A_266 = arith.addi %add3A_265, %mul3A_264 : i32
        %get3A = arith.index_cast %add3A_266 : i32 to index
        %get3A_267 = arith.constant 0 : index
        %get3A_268 = tpu.vector_load %arg8[%get3A, %get3A_267] {strides = array<i32>} : memref<40x256xi32, #tpu.memory_space<vmem>>, vector<16xi32>,
        %bitcast3A = vector.bitcast %get3A_268 : vector<16xi32> to vector<32xbf16>
        %get3A_269 = arith.index_cast %add3A_266 : i32 to index
        %get3A_270 = arith.constant 0 : index
        %get3A_271 = tpu.vector_load %arg12[%get3A_269, %get3A_270] {strides = array<i32>} : memref<40x256xi32, #tpu.memory_space<vmem>>, vector<16xi32>,
        %bitcast3A_272 = vector.bitcast %get3A_271 : vector<16xi32> to vector<32xbf16>
        %add3A_273 = arith.addf %bitcast3A, %bitcast3A_272 : vector<32xbf16>
        %mul3A_274 = arith.constant 1.000980e-02 : bf16
        %mul3A_275 = vector.broadcast %mul3A_274 : bf16 to vector<32xbf16>
        %mul3A_276 = arith.mulf %mul3A_275, %add3A_273 : vector<32xbf16>
        %max3A = arith.maximumf %add3A_273, %mul3A_276 : vector<32xbf16>
        %bitcast3A_277 = vector.bitcast %max3A : vector<32xbf16> to vector<16xi32>
        %swap3A = arith.index_cast %add3A_266 : i32 to index
        %swap3A_278 = arith.constant 0 : index
        %swap3A_279 = tpu.vector_load %arg16[%swap3A, %swap3A_278] {strides = array<i32>} : memref<40x192xi32, #tpu.memory_space<vmem>>, vector<16xi32>,
        tpu.vector_store %arg16[%swap3A, %swap3A_278], %bitcast3A_277 {strides = array<i32>} : memref<40x192xi32, #tpu.memory_space<vmem>>, vector<16xi32>,
        %get3A_280 = arith.index_cast %add3A_266 : i32 to index
        %get3A_281 = arith.constant 16 : index
        %get3A_282 = tpu.vector_load %arg8[%get3A_280, %get3A_281] {strides = array<i32>} : memref<40x256xi32, #tpu.memory_space<vmem>>, vector<16xi32>,
        %bitcast3A_283 = vector.bitcast %get3A_282 : vector<16xi32> to vector<32xbf16>
        %get3A_284 = arith.index_cast %add3A_266 : i32 to index
        %get3A_285 = arith.constant 16 : index
        %get3A_286 = tpu.vector_load %arg12[%get3A_284, %get3A_285] {strides = array<i32>} : memref<40x256xi32, #tpu.memory_space<vmem>>, vector<16xi32>,
        %bitcast3A_287 = vector.bitcast %get3A_286 : vector<16xi32> to vector<32xbf16>
        %add3A_288 = arith.addf %bitcast3A_283, %bitcast3A_287 : vector<32xbf16>
        %mul3A_289 = arith.constant 1.000980e-02 : bf16
        %mul3A_290 = vector.broadcast %mul3A_289 : bf16 to vector<32xbf16>
        %mul3A_291 = arith.mulf %mul3A_290, %add3A_288 : vector<32xbf16>
        %max3A_292 = arith.maximumf %add3A_288, %mul3A_291 : vector<32xbf16>
        %bitcast3A_293 = vector.bitcast %max3A_292 : vector<32xbf16> to vector<16xi32>
        %swap3A_294 = arith.index_cast %add3A_266 : i32 to index
        %swap3A_295 = arith.constant 16 : index
        %swap3A_296 = tpu.vector_load %arg16[%swap3A_294, %swap3A_295] {strides = array<i32>} : memref<40x192xi32, #tpu.memory_space<vmem>>, vector<16xi32>,
        tpu.vector_store %arg16[%swap3A_294, %swap3A_295], %bitcast3A_293 {strides = array<i32>} : memref<40x192xi32, #tpu.memory_space<vmem>>, vector<16xi32>,
        %get3A_297 = arith.index_cast %add3A_266 : i32 to index
        %get3A_298 = arith.constant 32 : index
        %get3A_299 = tpu.vector_load %arg8[%get3A_297, %get3A_298] {strides = array<i32>} : memref<40x256xi32, #tpu.memory_space<vmem>>, vector<16xi32>,
        %bitcast3A_300 = vector.bitcast %get3A_299 : vector<16xi32> to vector<32xbf16>
        %get3A_301 = arith.index_cast %add3A_266 : i32 to index
        %get3A_302 = arith.constant 32 : index
        %get3A_303 = tpu.vector_load %arg12[%get3A_301, %get3A_302] {strides = array<i32>} : memref<40x256xi32, #tpu.memory_space<vmem>>, vector<16xi32>,
        %bitcast3A_304 = vector.bitcast %get3A_303 : vector<16xi32> to vector<32xbf16>
        %add3A_305 = arith.addf %bitcast3A_300, %bitcast3A_304 : vector<32xbf16>
        %mul3A_306 = arith.constant 1.000980e-02 : bf16
        %mul3A_307 = vector.broadcast %mul3A_306 : bf16 to vector<32xbf16>
        %mul3A_308 = arith.mulf %mul3A_307, %add3A_305 : vector<32xbf16>
        %max3A_309 = arith.maximumf %add3A_305, %mul3A_308 : vector<32xbf16>
        %bitcast3A_310 = vector.bitcast %max3A_309 : vector<32xbf16> to vector<16xi32>
        %swap3A_311 = arith.index_cast %add3A_266 : i32 to index
        %swap3A_312 = arith.constant 32 : index
        %swap3A_313 = tpu.vector_load %arg16[%swap3A_311, %swap3A_312] {strides = array<i32>} : memref<40x192xi32, #tpu.memory_space<vmem>>, vector<16xi32>,
        tpu.vector_store %arg16[%swap3A_311, %swap3A_312], %bitcast3A_310 {strides = array<i32>} : memref<40x192xi32, #tpu.memory_space<vmem>>, vector<16xi32>,
        %get3A_314 = arith.index_cast %add3A_266 : i32 to index
        %get3A_315 = arith.constant 48 : index
        %get3A_316 = tpu.vector_load %arg8[%get3A_314, %get3A_315] {strides = array<i32>} : memref<40x256xi32, #tpu.memory_space<vmem>>, vector<16xi32>,
        %bitcast3A_317 = vector.bitcast %get3A_316 : vector<16xi32> to vector<32xbf16>
        %get3A_318 = arith.index_cast %add3A_266 : i32 to index
        %get3A_319 = arith.constant 48 : index
        %get3A_320 = tpu.vector_load %arg12[%get3A_318, %get3A_319] {strides = array<i32>} : memref<40x256xi32, #tpu.memory_space<vmem>>, vector<16xi32>,
        %bitcast3A_321 = vector.bitcast %get3A_320 : vector<16xi32> to vector<32xbf16>
        %add3A_322 = arith.addf %bitcast3A_317, %bitcast3A_321 : vector<32xbf16>
        %mul3A_323 = arith.constant 1.000980e-02 : bf16
        %mul3A_324 = vector.broadcast %mul3A_323 : bf16 to vector<32xbf16>
        %mul3A_325 = arith.mulf %mul3A_324, %add3A_322 : vector<32xbf16>
        %max3A_326 = arith.maximumf %add3A_322, %mul3A_325 : vector<32xbf16>
        %bitcast3A_327 = vector.bitcast %max3A_326 : vector<32xbf16> to vector<16xi32>
        %swap3A_328 = arith.index_cast %add3A_266 : i32 to index
        %swap3A_329 = arith.constant 48 : index
        %swap3A_330 = tpu.vector_load %arg16[%swap3A_328, %swap3A_329] {strides = array<i32>} : memref<40x192xi32, #tpu.memory_space<vmem>>, vector<16xi32>,
        tpu.vector_store %arg16[%swap3A_328, %swap3A_329], %bitcast3A_327 {strides = array<i32>} : memref<40x192xi32, #tpu.memory_space<vmem>>, vector<16xi32>,
        %get3A_331 = arith.index_cast %add3A_266 : i32 to index
        %get3A_332 = arith.constant 64 : index
        %get3A_333 = tpu.vector_load %arg8[%get3A_331, %get3A_332] {strides = array<i32>} : memref<40x256xi32, #tpu.memory_space<vmem>>, vector<16xi32>,
        %bitcast3A_334 = vector.bitcast %get3A_333 : vector<16xi32> to vector<32xbf16>
        %get3A_335 = arith.index_cast %add3A_266 : i32 to index
        %get3A_336 = arith.constant 64 : index
        %get3A_337 = tpu.vector_load %arg12[%get3A_335, %get3A_336] {strides = array<i32>} : memref<40x256xi32, #tpu.memory_space<vmem>>, vector<16xi32>,
        %bitcast3A_338 = vector.bitcast %get3A_337 : vector<16xi32> to vector<32xbf16>
        %mul3A_339 = arith.mulf %bitcast3A_334, %bitcast3A_338 : vector<32xbf16>
        %bitcast3A_340 = vector.bitcast %mul3A_339 : vector<32xbf16> to vector<16xi32>
        %swap3A_341 = arith.index_cast %add3A_266 : i32 to index
        %swap3A_342 = arith.constant 64 : index
        %swap3A_343 = tpu.vector_load %arg16[%swap3A_341, %swap3A_342] {strides = array<i32>} : memref<40x192xi32, #tpu.memory_space<vmem>>, vector<16xi32>,
        tpu.vector_store %arg16[%swap3A_341, %swap3A_342], %bitcast3A_340 {strides = array<i32>} : memref<40x192xi32, #tpu.memory_space<vmem>>, vector<16xi32>,
        %get3A_344 = arith.index_cast %add3A_266 : i32 to index
        %get3A_345 = arith.constant 80 : index
        %get3A_346 = tpu.vector_load %arg8[%get3A_344, %get3A_345] {strides = array<i32>} : memref<40x256xi32, #tpu.memory_space<vmem>>, vector<16xi32>,
        %bitcast3A_347 = vector.bitcast %get3A_346 : vector<16xi32> to vector<32xbf16>
        %get3A_348 = arith.index_cast %add3A_266 : i32 to index
        %get3A_349 = arith.constant 80 : index
        %get3A_350 = tpu.vector_load %arg12[%get3A_348, %get3A_349] {strides = array<i32>} : memref<40x256xi32, #tpu.memory_space<vmem>>, vector<16xi32>,
        %bitcast3A_351 = vector.bitcast %get3A_350 : vector<16xi32> to vector<32xbf16>
        %mul3A_352 = arith.mulf %bitcast3A_347, %bitcast3A_351 : vector<32xbf16>
        %bitcast3A_353 = vector.bitcast %mul3A_352 : vector<32xbf16> to vector<16xi32>
        %swap3A_354 = arith.index_cast %add3A_266 : i32 to index
        %swap3A_355 = arith.constant 80 : index
        %swap3A_356 = tpu.vector_load %arg16[%swap3A_354, %swap3A_355] {strides = array<i32>} : memref<40x192xi32, #tpu.memory_space<vmem>>, vector<16xi32>,
        tpu.vector_store %arg16[%swap3A_354, %swap3A_355], %bitcast3A_353 {strides = array<i32>} : memref<40x192xi32, #tpu.memory_space<vmem>>, vector<16xi32>,
        %get3A_357 = arith.index_cast %add3A_266 : i32 to index
        %get3A_358 = arith.constant 96 : index
        %get3A_359 = tpu.vector_load %arg8[%get3A_357, %get3A_358] {strides = array<i32>} : memref<40x256xi32, #tpu.memory_space<vmem>>, vector<16xi32>,
        %bitcast3A_360 = vector.bitcast %get3A_359 : vector<16xi32> to vector<32xbf16>
        %get3A_361 = arith.index_cast %add3A_266 : i32 to index
        %get3A_362 = arith.constant 96 : index
        %get3A_363 = tpu.vector_load %arg12[%get3A_361, %get3A_362] {strides = array<i32>} : memref<40x256xi32, #tpu.memory_space<vmem>>, vector<16xi32>,
        %bitcast3A_364 = vector.bitcast %get3A_363 : vector<16xi32> to vector<32xbf16>
        %mul3A_365 = arith.mulf %bitcast3A_360, %bitcast3A_364 : vector<32xbf16>
        %bitcast3A_366 = vector.bitcast %mul3A_365 : vector<32xbf16> to vector<16xi32>
        %swap3A_367 = arith.index_cast %add3A_266 : i32 to index
        %swap3A_368 = arith.constant 96 : index
        %swap3A_369 = tpu.vector_load %arg16[%swap3A_367, %swap3A_368] {strides = array<i32>} : memref<40x192xi32, #tpu.memory_space<vmem>>, vector<16xi32>,
        tpu.vector_store %arg16[%swap3A_367, %swap3A_368], %bitcast3A_366 {strides = array<i32>} : memref<40x192xi32, #tpu.memory_space<vmem>>, vector<16xi32>,
        %get3A_370 = arith.index_cast %add3A_266 : i32 to index
        %get3A_371 = arith.constant 112 : index
        %get3A_372 = tpu.vector_load %arg8[%get3A_370, %get3A_371] {strides = array<i32>} : memref<40x256xi32, #tpu.memory_space<vmem>>, vector<16xi32>,
        %bitcast3A_373 = vector.bitcast %get3A_372 : vector<16xi32> to vector<32xbf16>
        %get3A_374 = arith.index_cast %add3A_266 : i32 to index
        %get3A_375 = arith.constant 112 : index
        %get3A_376 = tpu.vector_load %arg12[%get3A_374, %get3A_375] {strides = array<i32>} : memref<40x256xi32, #tpu.memory_space<vmem>>, vector<16xi32>,
        %bitcast3A_377 = vector.bitcast %get3A_376 : vector<16xi32> to vector<32xbf16>
        %mul3A_378 = arith.mulf %bitcast3A_373, %bitcast3A_377 : vector<32xbf16>
        %bitcast3A_379 = vector.bitcast %mul3A_378 : vector<32xbf16> to vector<16xi32>
        %swap3A_380 = arith.index_cast %add3A_266 : i32 to index
        %swap3A_381 = arith.constant 112 : index
        %swap3A_382 = tpu.vector_load %arg16[%swap3A_380, %swap3A_381] {strides = array<i32>} : memref<40x192xi32, #tpu.memory_space<vmem>>, vector<16xi32>,
        tpu.vector_store %arg16[%swap3A_380, %swap3A_381], %bitcast3A_379 {strides = array<i32>} : memref<40x192xi32, #tpu.memory_space<vmem>>, vector<16xi32>,
        %get3A_383 = arith.index_cast %add3A_266 : i32 to index
        %get3A_384 = arith.constant 128 : index
        %get3A_385 = tpu.vector_load %arg8[%get3A_383, %get3A_384] {strides = array<i32>} : memref<40x256xi32, #tpu.memory_space<vmem>>, vector<16xi32>,
        %bitcast3A_386 = vector.bitcast %get3A_385 : vector<16xi32> to vector<32xbf16>
        %get3A_387 = arith.index_cast %add3A_266 : i32 to index
        %get3A_388 = arith.constant 128 : index
        %get3A_389 = tpu.vector_load %arg12[%get3A_387, %get3A_388] {strides = array<i32>} : memref<40x256xi32, #tpu.memory_space<vmem>>, vector<16xi32>,
        %bitcast3A_390 = vector.bitcast %get3A_389 : vector<16xi32> to vector<32xbf16>
        %mul3A_391 = arith.mulf %bitcast3A_386, %bitcast3A_390 : vector<32xbf16>
        %bitcast3A_392 = vector.bitcast %mul3A_391 : vector<32xbf16> to vector<16xi32>
        %swap3A_393 = arith.index_cast %add3A_266 : i32 to index
        %swap3A_394 = arith.constant 128 : index
        %swap3A_395 = tpu.vector_load %arg16[%swap3A_393, %swap3A_394] {strides = array<i32>} : memref<40x192xi32, #tpu.memory_space<vmem>>, vector<16xi32>,
        tpu.vector_store %arg16[%swap3A_393, %swap3A_394], %bitcast3A_392 {strides = array<i32>} : memref<40x192xi32, #tpu.memory_space<vmem>>, vector<16xi32>,
        %get3A_396 = arith.index_cast %add3A_266 : i32 to index
        %get3A_397 = arith.constant 144 : index
        %get3A_398 = tpu.vector_load %arg8[%get3A_396, %get3A_397] {strides = array<i32>} : memref<40x256xi32, #tpu.memory_space<vmem>>, vector<16xi32>,
        %bitcast3A_399 = vector.bitcast %get3A_398 : vector<16xi32> to vector<32xbf16>
        %get3A_400 = arith.index_cast %add3A_266 : i32 to index
        %get3A_401 = arith.constant 144 : index
        %get3A_402 = tpu.vector_load %arg12[%get3A_400, %get3A_401] {strides = array<i32>} : memref<40x256xi32, #tpu.memory_space<vmem>>, vector<16xi32>,
        %bitcast3A_403 = vector.bitcast %get3A_402 : vector<16xi32> to vector<32xbf16>
        %mul3A_404 = arith.mulf %bitcast3A_399, %bitcast3A_403 : vector<32xbf16>
        %bitcast3A_405 = vector.bitcast %mul3A_404 : vector<32xbf16> to vector<16xi32>
        %swap3A_406 = arith.index_cast %add3A_266 : i32 to index
        %swap3A_407 = arith.constant 144 : index
        %swap3A_408 = tpu.vector_load %arg16[%swap3A_406, %swap3A_407] {strides = array<i32>} : memref<40x192xi32, #tpu.memory_space<vmem>>, vector<16xi32>,
        tpu.vector_store %arg16[%swap3A_406, %swap3A_407], %bitcast3A_405 {strides = array<i32>} : memref<40x192xi32, #tpu.memory_space<vmem>>, vector<16xi32>,
        %get3A_409 = arith.index_cast %add3A_266 : i32 to index
        %get3A_410 = arith.constant 160 : index
        %get3A_411 = tpu.vector_load %arg8[%get3A_409, %get3A_410] {strides = array<i32>} : memref<40x256xi32, #tpu.memory_space<vmem>>, vector<16xi32>,
        %bitcast3A_412 = vector.bitcast %get3A_411 : vector<16xi32> to vector<32xbf16>
        %get3A_413 = arith.index_cast %add3A_266 : i32 to index
        %get3A_414 = arith.constant 160 : index
        %get3A_415 = tpu.vector_load %arg12[%get3A_413, %get3A_414] {strides = array<i32>} : memref<40x256xi32, #tpu.memory_space<vmem>>, vector<16xi32>,
        %bitcast3A_416 = vector.bitcast %get3A_415 : vector<16xi32> to vector<32xbf16>
        %mul3A_417 = arith.mulf %bitcast3A_412, %bitcast3A_416 : vector<32xbf16>
        %bitcast3A_418 = vector.bitcast %mul3A_417 : vector<32xbf16> to vector<16xi32>
        %swap3A_419 = arith.index_cast %add3A_266 : i32 to index
        %swap3A_420 = arith.constant 160 : index
        %swap3A_421 = tpu.vector_load %arg16[%swap3A_419, %swap3A_420] {strides = array<i32>} : memref<40x192xi32, #tpu.memory_space<vmem>>, vector<16xi32>,
        tpu.vector_store %arg16[%swap3A_419, %swap3A_420], %bitcast3A_418 {strides = array<i32>} : memref<40x192xi32, #tpu.memory_space<vmem>>, vector<16xi32>,
        %get3A_422 = arith.index_cast %add3A_266 : i32 to index
        %get3A_423 = arith.constant 176 : index
        %get3A_424 = tpu.vector_load %arg8[%get3A_422, %get3A_423] {strides = array<i32>} : memref<40x256xi32, #tpu.memory_space<vmem>>, vector<16xi32>,
        %bitcast3A_425 = vector.bitcast %get3A_424 : vector<16xi32> to vector<32xbf16>
        %get3A_426 = arith.index_cast %add3A_266 : i32 to index
        %get3A_427 = arith.constant 176 : index
        %get3A_428 = tpu.vector_load %arg12[%get3A_426, %get3A_427] {strides = array<i32>} : memref<40x256xi32, #tpu.memory_space<vmem>>, vector<16xi32>,
        %bitcast3A_429 = vector.bitcast %get3A_428 : vector<16xi32> to vector<32xbf16>
        %mul3A_430 = arith.mulf %bitcast3A_425, %bitcast3A_429 : vector<32xbf16>
        %bitcast3A_431 = vector.bitcast %mul3A_430 : vector<32xbf16> to vector<16xi32>
        %swap3A_432 = arith.index_cast %add3A_266 : i32 to index
        %swap3A_433 = arith.constant 176 : index
        %swap3A_434 = tpu.vector_load %arg16[%swap3A_432, %swap3A_433] {strides = array<i32>} : memref<40x192xi32, #tpu.memory_space<vmem>>, vector<16xi32>,
        tpu.vector_store %arg16[%swap3A_432, %swap3A_433], %bitcast3A_431 {strides = array<i32>} : memref<40x192xi32, #tpu.memory_space<vmem>>, vector<16xi32>,
      }
      %scan3A_134 = arith.constant 40 : i32
      %mul3A_135 = arith.constant 40 : i32
      %mul3A_136 = arith.muli %add3A_115, %mul3A_135 : i32
      %add3A_137 = arith.addi %mul3A_2, %mul3A_136 : i32
      %dma_start3A_138 = arith.constant 0 : i32
      %dma_start3A_139 = tpu.memref_slice %arg5[%add3A_137, %dma_start3A_138] : memref<320000x192xi32, #tpu.memory_space<hbm>> -> memref<40x192xi32, #tpu.memory_space<hbm>>
      %dma_start3A_140 = arith.constant 0 : i32
      %dma_start3A_141 = tpu.memref_slice %arg5[%add3A_137, %dma_start3A_140] : memref<320000x192xi32, #tpu.memory_space<hbm>> -> memref<40x192xi32, #tpu.memory_space<hbm>>
      tpu.enqueue_dma source(%arg16 : memref<40x192xi32, #tpu.memory_space<vmem>>) target(%dma_start3A_141 : memref<40x192xi32, #tpu.memory_space<hbm>>) target_semaphore(%arg26 : memref<!tpu.dma_semaphore, #tpu.memory_space<semaphore_mem>>)
      %add3A_142 = arith.constant 4 : i32
      %add3A_143 = arith.addi %add3A_115, %add3A_142 : i32
      %lt3A = arith.constant 250 : i32
      %lt3A_144 = arith.cmpi slt, %add3A_143, %lt3A : i32
      %convert_element_type3A_145 = arith.extui %lt3A_144 : i1 to i32
      %cond3A_146 = arith.constant 0 : i32
      %cond3A_147 = arith.cmpi ne, %convert_element_type3A_145, %cond3A_146 : i32
      scf.if %cond3A_147 {
        %add3A_262 = arith.constant 4 : i32
        %add3A_263 = arith.addi %add3A_115, %add3A_262 : i32
        %mul3A_264 = arith.constant 40 : i32
        %mul3A_265 = arith.muli %add3A_263, %mul3A_264 : i32
        %dma_start3A_266 = tpu.memref_slice %arg6[%mul3A_265] : memref<10000xi32, #tpu.memory_space<vmem>> -> memref<40xi32, #tpu.memory_space<vmem>>
        %dma_start3A_267 = arith.constant 0 : i32
        %dma_start3A_268 = arith.constant 0 : i32
        %dma_start3A_269 = tpu.memref_slice %arg2[%dma_start3A_267, %dma_start3A_268] : memref<10000x256xi32, #tpu.memory_space<hbm>> -> memref<10000x256xi32, #tpu.memory_space<hbm>>
        tpu.enqueue_indirect_dma source(%dma_start3A_269 : memref<10000x256xi32, #tpu.memory_space<hbm>>) target(%arg8 : memref<40x256xi32, #tpu.memory_space<vmem>>) offsets(%dma_start3A_266 : memref<40xi32, #tpu.memory_space<vmem>>) semaphore(%arg18 : memref<!tpu.dma_semaphore, #tpu.memory_space<semaphore_mem>>)
        %dma_start3A_270 = tpu.memref_slice %arg7[%mul3A_265] : memref<10000xi32, #tpu.memory_space<vmem>> -> memref<40xi32, #tpu.memory_space<vmem>>
        %dma_start3A_271 = arith.constant 0 : i32
        %dma_start3A_272 = arith.constant 0 : i32
        %dma_start3A_273 = tpu.memref_slice %arg3[%dma_start3A_271, %dma_start3A_272] : memref<10000x256xi32, #tpu.memory_space<hbm>> -> memref<10000x256xi32, #tpu.memory_space<hbm>>
        tpu.enqueue_indirect_dma source(%dma_start3A_273 : memref<10000x256xi32, #tpu.memory_space<hbm>>) target(%arg12 : memref<40x256xi32, #tpu.memory_space<vmem>>) offsets(%dma_start3A_270 : memref<40xi32, #tpu.memory_space<vmem>>) semaphore(%arg22 : memref<!tpu.dma_semaphore, #tpu.memory_space<semaphore_mem>>)
      } else {
      }
      %add3A_148 = arith.constant 1 : i32
      %add3A_149 = arith.addi %add3A_113, %add3A_148 : i32
      %dma_wait3A_150 = arith.constant 0 : i32
      %dma_wait3A_151 = arith.constant 0 : i32
      %dma_wait3A_152 = tpu.memref_slice %arg2[%dma_wait3A_150, %dma_wait3A_151] : memref<10000x256xi32, #tpu.memory_space<hbm>> -> memref<40x256xi32, #tpu.memory_space<hbm>>
      %dma_wait3A_153 = arith.constant 0 : i32
      %dma_wait3A_154 = arith.constant 0 : i32
      %dma_wait3A_155 = tpu.memref_slice %arg2[%dma_wait3A_153, %dma_wait3A_154] : memref<10000x256xi32, #tpu.memory_space<hbm>> -> memref<40x256xi32, #tpu.memory_space<hbm>>
      tpu.wait_dma2 semaphore(%arg19 : memref<!tpu.dma_semaphore, #tpu.memory_space<semaphore_mem>>) src(%dma_wait3A_155 : memref<40x256xi32, #tpu.memory_space<hbm>>) dst(%arg9 : memref<40x256xi32, #tpu.memory_space<vmem>>)
      %dma_wait3A_156 = arith.constant 0 : i32
      %dma_wait3A_157 = arith.constant 0 : i32
      %dma_wait3A_158 = tpu.memref_slice %arg2[%dma_wait3A_156, %dma_wait3A_157] : memref<10000x256xi32, #tpu.memory_space<hbm>> -> memref<40x256xi32, #tpu.memory_space<hbm>>
      %dma_wait3A_159 = arith.constant 0 : i32
      %dma_wait3A_160 = arith.constant 0 : i32
      %dma_wait3A_161 = tpu.memref_slice %arg2[%dma_wait3A_159, %dma_wait3A_160] : memref<10000x256xi32, #tpu.memory_space<hbm>> -> memref<40x256xi32, #tpu.memory_space<hbm>>
      tpu.wait_dma2 semaphore(%arg23 : memref<!tpu.dma_semaphore, #tpu.memory_space<semaphore_mem>>) src(%dma_wait3A_161 : memref<40x256xi32, #tpu.memory_space<hbm>>) dst(%arg13 : memref<40x256xi32, #tpu.memory_space<vmem>>)
      %ge3A_162 = arith.constant 2 : i32
      %ge3A_163 = arith.cmpi sge, %add3A_149, %ge3A_162 : i32
      %convert_element_type3A_164 = arith.extui %ge3A_163 : i1 to i32
      %cond3A_165 = arith.constant 0 : i32
      %cond3A_166 = arith.cmpi ne, %convert_element_type3A_164, %cond3A_165 : i32
      scf.if %cond3A_166 {
        %dma_wait3A_262 = arith.constant 0 : i32
        %dma_wait3A_263 = tpu.memref_slice %arg5[%mul3A_2, %dma_wait3A_262] : memref<320000x192xi32, #tpu.memory_space<hbm>> -> memref<40x192xi32, #tpu.memory_space<hbm>>
        %dma_wait3A_264 = arith.constant 0 : i32
        %dma_wait3A_265 = tpu.memref_slice %arg5[%mul3A_2, %dma_wait3A_264] : memref<320000x192xi32, #tpu.memory_space<hbm>> -> memref<40x192xi32, #tpu.memory_space<hbm>>
        tpu.wait_dma2 semaphore(%arg27 : memref<!tpu.dma_semaphore, #tpu.memory_space<semaphore_mem>>) src(%arg17 : memref<40x192xi32, #tpu.memory_space<vmem>>) dst(%dma_wait3A_265 : memref<40x192xi32, #tpu.memory_space<hbm>>)
      } else {
      }
      %scan3A_167 = arith.constant 0 : i32
      %scan3A_168 = arith.constant 40 : i32
      %scan3A_169 = arith.addi %scan3A_167, %scan3A_168 : i32
      %scan3A_170 = arith.constant 1 : i32
      scf.for %scan3A_262 = %scan3A_167 to %scan3A_169 step %scan3A_170  : i32 {
        %mul3A_263 = arith.constant 1 : i32
        %mul3A_264 = arith.muli %scan3A_262, %mul3A_263 : i32
        %add3A_265 = arith.constant 0 : i32
        %add3A_266 = arith.addi %add3A_265, %mul3A_264 : i32
        %get3A = arith.index_cast %add3A_266 : i32 to index
        %get3A_267 = arith.constant 0 : index
        %get3A_268 = tpu.vector_load %arg9[%get3A, %get3A_267] {strides = array<i32>} : memref<40x256xi32, #tpu.memory_space<vmem>>, vector<16xi32>,
        %bitcast3A = vector.bitcast %get3A_268 : vector<16xi32> to vector<32xbf16>
        %get3A_269 = arith.index_cast %add3A_266 : i32 to index
        %get3A_270 = arith.constant 0 : index
        %get3A_271 = tpu.vector_load %arg13[%get3A_269, %get3A_270] {strides = array<i32>} : memref<40x256xi32, #tpu.memory_space<vmem>>, vector<16xi32>,
        %bitcast3A_272 = vector.bitcast %get3A_271 : vector<16xi32> to vector<32xbf16>
        %add3A_273 = arith.addf %bitcast3A, %bitcast3A_272 : vector<32xbf16>
        %mul3A_274 = arith.constant 1.000980e-02 : bf16
        %mul3A_275 = vector.broadcast %mul3A_274 : bf16 to vector<32xbf16>
        %mul3A_276 = arith.mulf %mul3A_275, %add3A_273 : vector<32xbf16>
        %max3A = arith.maximumf %add3A_273, %mul3A_276 : vector<32xbf16>
        %bitcast3A_277 = vector.bitcast %max3A : vector<32xbf16> to vector<16xi32>
        %swap3A = arith.index_cast %add3A_266 : i32 to index
        %swap3A_278 = arith.constant 0 : index
        %swap3A_279 = tpu.vector_load %arg17[%swap3A, %swap3A_278] {strides = array<i32>} : memref<40x192xi32, #tpu.memory_space<vmem>>, vector<16xi32>,
        tpu.vector_store %arg17[%swap3A, %swap3A_278], %bitcast3A_277 {strides = array<i32>} : memref<40x192xi32, #tpu.memory_space<vmem>>, vector<16xi32>,
        %get3A_280 = arith.index_cast %add3A_266 : i32 to index
        %get3A_281 = arith.constant 16 : index
        %get3A_282 = tpu.vector_load %arg9[%get3A_280, %get3A_281] {strides = array<i32>} : memref<40x256xi32, #tpu.memory_space<vmem>>, vector<16xi32>,
        %bitcast3A_283 = vector.bitcast %get3A_282 : vector<16xi32> to vector<32xbf16>
        %get3A_284 = arith.index_cast %add3A_266 : i32 to index
        %get3A_285 = arith.constant 16 : index
        %get3A_286 = tpu.vector_load %arg13[%get3A_284, %get3A_285] {strides = array<i32>} : memref<40x256xi32, #tpu.memory_space<vmem>>, vector<16xi32>,
        %bitcast3A_287 = vector.bitcast %get3A_286 : vector<16xi32> to vector<32xbf16>
        %add3A_288 = arith.addf %bitcast3A_283, %bitcast3A_287 : vector<32xbf16>
        %mul3A_289 = arith.constant 1.000980e-02 : bf16
        %mul3A_290 = vector.broadcast %mul3A_289 : bf16 to vector<32xbf16>
        %mul3A_291 = arith.mulf %mul3A_290, %add3A_288 : vector<32xbf16>
        %max3A_292 = arith.maximumf %add3A_288, %mul3A_291 : vector<32xbf16>
        %bitcast3A_293 = vector.bitcast %max3A_292 : vector<32xbf16> to vector<16xi32>
        %swap3A_294 = arith.index_cast %add3A_266 : i32 to index
        %swap3A_295 = arith.constant 16 : index
        %swap3A_296 = tpu.vector_load %arg17[%swap3A_294, %swap3A_295] {strides = array<i32>} : memref<40x192xi32, #tpu.memory_space<vmem>>, vector<16xi32>,
        tpu.vector_store %arg17[%swap3A_294, %swap3A_295], %bitcast3A_293 {strides = array<i32>} : memref<40x192xi32, #tpu.memory_space<vmem>>, vector<16xi32>,
        %get3A_297 = arith.index_cast %add3A_266 : i32 to index
        %get3A_298 = arith.constant 32 : index
        %get3A_299 = tpu.vector_load %arg9[%get3A_297, %get3A_298] {strides = array<i32>} : memref<40x256xi32, #tpu.memory_space<vmem>>, vector<16xi32>,
        %bitcast3A_300 = vector.bitcast %get3A_299 : vector<16xi32> to vector<32xbf16>
        %get3A_301 = arith.index_cast %add3A_266 : i32 to index
        %get3A_302 = arith.constant 32 : index
        %get3A_303 = tpu.vector_load %arg13[%get3A_301, %get3A_302] {strides = array<i32>} : memref<40x256xi32, #tpu.memory_space<vmem>>, vector<16xi32>,
        %bitcast3A_304 = vector.bitcast %get3A_303 : vector<16xi32> to vector<32xbf16>
        %add3A_305 = arith.addf %bitcast3A_300, %bitcast3A_304 : vector<32xbf16>
        %mul3A_306 = arith.constant 1.000980e-02 : bf16
        %mul3A_307 = vector.broadcast %mul3A_306 : bf16 to vector<32xbf16>
        %mul3A_308 = arith.mulf %mul3A_307, %add3A_305 : vector<32xbf16>
        %max3A_309 = arith.maximumf %add3A_305, %mul3A_308 : vector<32xbf16>
        %bitcast3A_310 = vector.bitcast %max3A_309 : vector<32xbf16> to vector<16xi32>
        %swap3A_311 = arith.index_cast %add3A_266 : i32 to index
        %swap3A_312 = arith.constant 32 : index
        %swap3A_313 = tpu.vector_load %arg17[%swap3A_311, %swap3A_312] {strides = array<i32>} : memref<40x192xi32, #tpu.memory_space<vmem>>, vector<16xi32>,
        tpu.vector_store %arg17[%swap3A_311, %swap3A_312], %bitcast3A_310 {strides = array<i32>} : memref<40x192xi32, #tpu.memory_space<vmem>>, vector<16xi32>,
        %get3A_314 = arith.index_cast %add3A_266 : i32 to index
        %get3A_315 = arith.constant 48 : index
        %get3A_316 = tpu.vector_load %arg9[%get3A_314, %get3A_315] {strides = array<i32>} : memref<40x256xi32, #tpu.memory_space<vmem>>, vector<16xi32>,
        %bitcast3A_317 = vector.bitcast %get3A_316 : vector<16xi32> to vector<32xbf16>
        %get3A_318 = arith.index_cast %add3A_266 : i32 to index
        %get3A_319 = arith.constant 48 : index
        %get3A_320 = tpu.vector_load %arg13[%get3A_318, %get3A_319] {strides = array<i32>} : memref<40x256xi32, #tpu.memory_space<vmem>>, vector<16xi32>,
        %bitcast3A_321 = vector.bitcast %get3A_320 : vector<16xi32> to vector<32xbf16>
        %add3A_322 = arith.addf %bitcast3A_317, %bitcast3A_321 : vector<32xbf16>
        %mul3A_323 = arith.constant 1.000980e-02 : bf16
        %mul3A_324 = vector.broadcast %mul3A_323 : bf16 to vector<32xbf16>
        %mul3A_325 = arith.mulf %mul3A_324, %add3A_322 : vector<32xbf16>
        %max3A_326 = arith.maximumf %add3A_322, %mul3A_325 : vector<32xbf16>
        %bitcast3A_327 = vector.bitcast %max3A_326 : vector<32xbf16> to vector<16xi32>
        %swap3A_328 = arith.index_cast %add3A_266 : i32 to index
        %swap3A_329 = arith.constant 48 : index
        %swap3A_330 = tpu.vector_load %arg17[%swap3A_328, %swap3A_329] {strides = array<i32>} : memref<40x192xi32, #tpu.memory_space<vmem>>, vector<16xi32>,
        tpu.vector_store %arg17[%swap3A_328, %swap3A_329], %bitcast3A_327 {strides = array<i32>} : memref<40x192xi32, #tpu.memory_space<vmem>>, vector<16xi32>,
        %get3A_331 = arith.index_cast %add3A_266 : i32 to index
        %get3A_332 = arith.constant 64 : index
        %get3A_333 = tpu.vector_load %arg9[%get3A_331, %get3A_332] {strides = array<i32>} : memref<40x256xi32, #tpu.memory_space<vmem>>, vector<16xi32>,
        %bitcast3A_334 = vector.bitcast %get3A_333 : vector<16xi32> to vector<32xbf16>
        %get3A_335 = arith.index_cast %add3A_266 : i32 to index
        %get3A_336 = arith.constant 64 : index
        %get3A_337 = tpu.vector_load %arg13[%get3A_335, %get3A_336] {strides = array<i32>} : memref<40x256xi32, #tpu.memory_space<vmem>>, vector<16xi32>,
        %bitcast3A_338 = vector.bitcast %get3A_337 : vector<16xi32> to vector<32xbf16>
        %mul3A_339 = arith.mulf %bitcast3A_334, %bitcast3A_338 : vector<32xbf16>
        %bitcast3A_340 = vector.bitcast %mul3A_339 : vector<32xbf16> to vector<16xi32>
        %swap3A_341 = arith.index_cast %add3A_266 : i32 to index
        %swap3A_342 = arith.constant 64 : index
        %swap3A_343 = tpu.vector_load %arg17[%swap3A_341, %swap3A_342] {strides = array<i32>} : memref<40x192xi32, #tpu.memory_space<vmem>>, vector<16xi32>,
        tpu.vector_store %arg17[%swap3A_341, %swap3A_342], %bitcast3A_340 {strides = array<i32>} : memref<40x192xi32, #tpu.memory_space<vmem>>, vector<16xi32>,
        %get3A_344 = arith.index_cast %add3A_266 : i32 to index
        %get3A_345 = arith.constant 80 : index
        %get3A_346 = tpu.vector_load %arg9[%get3A_344, %get3A_345] {strides = array<i32>} : memref<40x256xi32, #tpu.memory_space<vmem>>, vector<16xi32>,
        %bitcast3A_347 = vector.bitcast %get3A_346 : vector<16xi32> to vector<32xbf16>
        %get3A_348 = arith.index_cast %add3A_266 : i32 to index
        %get3A_349 = arith.constant 80 : index
        %get3A_350 = tpu.vector_load %arg13[%get3A_348, %get3A_349] {strides = array<i32>} : memref<40x256xi32, #tpu.memory_space<vmem>>, vector<16xi32>,
        %bitcast3A_351 = vector.bitcast %get3A_350 : vector<16xi32> to vector<32xbf16>
        %mul3A_352 = arith.mulf %bitcast3A_347, %bitcast3A_351 : vector<32xbf16>
        %bitcast3A_353 = vector.bitcast %mul3A_352 : vector<32xbf16> to vector<16xi32>
        %swap3A_354 = arith.index_cast %add3A_266 : i32 to index
        %swap3A_355 = arith.constant 80 : index
        %swap3A_356 = tpu.vector_load %arg17[%swap3A_354, %swap3A_355] {strides = array<i32>} : memref<40x192xi32, #tpu.memory_space<vmem>>, vector<16xi32>,
        tpu.vector_store %arg17[%swap3A_354, %swap3A_355], %bitcast3A_353 {strides = array<i32>} : memref<40x192xi32, #tpu.memory_space<vmem>>, vector<16xi32>,
        %get3A_357 = arith.index_cast %add3A_266 : i32 to index
        %get3A_358 = arith.constant 96 : index
        %get3A_359 = tpu.vector_load %arg9[%get3A_357, %get3A_358] {strides = array<i32>} : memref<40x256xi32, #tpu.memory_space<vmem>>, vector<16xi32>,
        %bitcast3A_360 = vector.bitcast %get3A_359 : vector<16xi32> to vector<32xbf16>
        %get3A_361 = arith.index_cast %add3A_266 : i32 to index
        %get3A_362 = arith.constant 96 : index
        %get3A_363 = tpu.vector_load %arg13[%get3A_361, %get3A_362] {strides = array<i32>} : memref<40x256xi32, #tpu.memory_space<vmem>>, vector<16xi32>,
        %bitcast3A_364 = vector.bitcast %get3A_363 : vector<16xi32> to vector<32xbf16>
        %mul3A_365 = arith.mulf %bitcast3A_360, %bitcast3A_364 : vector<32xbf16>
        %bitcast3A_366 = vector.bitcast %mul3A_365 : vector<32xbf16> to vector<16xi32>
        %swap3A_367 = arith.index_cast %add3A_266 : i32 to index
        %swap3A_368 = arith.constant 96 : index
        %swap3A_369 = tpu.vector_load %arg17[%swap3A_367, %swap3A_368] {strides = array<i32>} : memref<40x192xi32, #tpu.memory_space<vmem>>, vector<16xi32>,
        tpu.vector_store %arg17[%swap3A_367, %swap3A_368], %bitcast3A_366 {strides = array<i32>} : memref<40x192xi32, #tpu.memory_space<vmem>>, vector<16xi32>,
        %get3A_370 = arith.index_cast %add3A_266 : i32 to index
        %get3A_371 = arith.constant 112 : index
        %get3A_372 = tpu.vector_load %arg9[%get3A_370, %get3A_371] {strides = array<i32>} : memref<40x256xi32, #tpu.memory_space<vmem>>, vector<16xi32>,
        %bitcast3A_373 = vector.bitcast %get3A_372 : vector<16xi32> to vector<32xbf16>
        %get3A_374 = arith.index_cast %add3A_266 : i32 to index
        %get3A_375 = arith.constant 112 : index
        %get3A_376 = tpu.vector_load %arg13[%get3A_374, %get3A_375] {strides = array<i32>} : memref<40x256xi32, #tpu.memory_space<vmem>>, vector<16xi32>,
        %bitcast3A_377 = vector.bitcast %get3A_376 : vector<16xi32> to vector<32xbf16>
        %mul3A_378 = arith.mulf %bitcast3A_373, %bitcast3A_377 : vector<32xbf16>
        %bitcast3A_379 = vector.bitcast %mul3A_378 : vector<32xbf16> to vector<16xi32>
        %swap3A_380 = arith.index_cast %add3A_266 : i32 to index
        %swap3A_381 = arith.constant 112 : index
        %swap3A_382 = tpu.vector_load %arg17[%swap3A_380, %swap3A_381] {strides = array<i32>} : memref<40x192xi32, #tpu.memory_space<vmem>>, vector<16xi32>,
        tpu.vector_store %arg17[%swap3A_380, %swap3A_381], %bitcast3A_379 {strides = array<i32>} : memref<40x192xi32, #tpu.memory_space<vmem>>, vector<16xi32>,
        %get3A_383 = arith.index_cast %add3A_266 : i32 to index
        %get3A_384 = arith.constant 128 : index
        %get3A_385 = tpu.vector_load %arg9[%get3A_383, %get3A_384] {strides = array<i32>} : memref<40x256xi32, #tpu.memory_space<vmem>>, vector<16xi32>,
        %bitcast3A_386 = vector.bitcast %get3A_385 : vector<16xi32> to vector<32xbf16>
        %get3A_387 = arith.index_cast %add3A_266 : i32 to index
        %get3A_388 = arith.constant 128 : index
        %get3A_389 = tpu.vector_load %arg13[%get3A_387, %get3A_388] {strides = array<i32>} : memref<40x256xi32, #tpu.memory_space<vmem>>, vector<16xi32>,
        %bitcast3A_390 = vector.bitcast %get3A_389 : vector<16xi32> to vector<32xbf16>
        %mul3A_391 = arith.mulf %bitcast3A_386, %bitcast3A_390 : vector<32xbf16>
        %bitcast3A_392 = vector.bitcast %mul3A_391 : vector<32xbf16> to vector<16xi32>
        %swap3A_393 = arith.index_cast %add3A_266 : i32 to index
        %swap3A_394 = arith.constant 128 : index
        %swap3A_395 = tpu.vector_load %arg17[%swap3A_393, %swap3A_394] {strides = array<i32>} : memref<40x192xi32, #tpu.memory_space<vmem>>, vector<16xi32>,
        tpu.vector_store %arg17[%swap3A_393, %swap3A_394], %bitcast3A_392 {strides = array<i32>} : memref<40x192xi32, #tpu.memory_space<vmem>>, vector<16xi32>,
        %get3A_396 = arith.index_cast %add3A_266 : i32 to index
        %get3A_397 = arith.constant 144 : index
        %get3A_398 = tpu.vector_load %arg9[%get3A_396, %get3A_397] {strides = array<i32>} : memref<40x256xi32, #tpu.memory_space<vmem>>, vector<16xi32>,
        %bitcast3A_399 = vector.bitcast %get3A_398 : vector<16xi32> to vector<32xbf16>
        %get3A_400 = arith.index_cast %add3A_266 : i32 to index
        %get3A_401 = arith.constant 144 : index
        %get3A_402 = tpu.vector_load %arg13[%get3A_400, %get3A_401] {strides = array<i32>} : memref<40x256xi32, #tpu.memory_space<vmem>>, vector<16xi32>,
        %bitcast3A_403 = vector.bitcast %get3A_402 : vector<16xi32> to vector<32xbf16>
        %mul3A_404 = arith.mulf %bitcast3A_399, %bitcast3A_403 : vector<32xbf16>
        %bitcast3A_405 = vector.bitcast %mul3A_404 : vector<32xbf16> to vector<16xi32>
        %swap3A_406 = arith.index_cast %add3A_266 : i32 to index
        %swap3A_407 = arith.constant 144 : index
        %swap3A_408 = tpu.vector_load %arg17[%swap3A_406, %swap3A_407] {strides = array<i32>} : memref<40x192xi32, #tpu.memory_space<vmem>>, vector<16xi32>,
        tpu.vector_store %arg17[%swap3A_406, %swap3A_407], %bitcast3A_405 {strides = array<i32>} : memref<40x192xi32, #tpu.memory_space<vmem>>, vector<16xi32>,
        %get3A_409 = arith.index_cast %add3A_266 : i32 to index
        %get3A_410 = arith.constant 160 : index
        %get3A_411 = tpu.vector_load %arg9[%get3A_409, %get3A_410] {strides = array<i32>} : memref<40x256xi32, #tpu.memory_space<vmem>>, vector<16xi32>,
        %bitcast3A_412 = vector.bitcast %get3A_411 : vector<16xi32> to vector<32xbf16>
        %get3A_413 = arith.index_cast %add3A_266 : i32 to index
        %get3A_414 = arith.constant 160 : index
        %get3A_415 = tpu.vector_load %arg13[%get3A_413, %get3A_414] {strides = array<i32>} : memref<40x256xi32, #tpu.memory_space<vmem>>, vector<16xi32>,
        %bitcast3A_416 = vector.bitcast %get3A_415 : vector<16xi32> to vector<32xbf16>
        %mul3A_417 = arith.mulf %bitcast3A_412, %bitcast3A_416 : vector<32xbf16>
        %bitcast3A_418 = vector.bitcast %mul3A_417 : vector<32xbf16> to vector<16xi32>
        %swap3A_419 = arith.index_cast %add3A_266 : i32 to index
        %swap3A_420 = arith.constant 160 : index
        %swap3A_421 = tpu.vector_load %arg17[%swap3A_419, %swap3A_420] {strides = array<i32>} : memref<40x192xi32, #tpu.memory_space<vmem>>, vector<16xi32>,
        tpu.vector_store %arg17[%swap3A_419, %swap3A_420], %bitcast3A_418 {strides = array<i32>} : memref<40x192xi32, #tpu.memory_space<vmem>>, vector<16xi32>,
        %get3A_422 = arith.index_cast %add3A_266 : i32 to index
        %get3A_423 = arith.constant 176 : index
        %get3A_424 = tpu.vector_load %arg9[%get3A_422, %get3A_423] {strides = array<i32>} : memref<40x256xi32, #tpu.memory_space<vmem>>, vector<16xi32>,
        %bitcast3A_425 = vector.bitcast %get3A_424 : vector<16xi32> to vector<32xbf16>
        %get3A_426 = arith.index_cast %add3A_266 : i32 to index
        %get3A_427 = arith.constant 176 : index
        %get3A_428 = tpu.vector_load %arg13[%get3A_426, %get3A_427] {strides = array<i32>} : memref<40x256xi32, #tpu.memory_space<vmem>>, vector<16xi32>,
        %bitcast3A_429 = vector.bitcast %get3A_428 : vector<16xi32> to vector<32xbf16>
        %mul3A_430 = arith.mulf %bitcast3A_425, %bitcast3A_429 : vector<32xbf16>
        %bitcast3A_431 = vector.bitcast %mul3A_430 : vector<32xbf16> to vector<16xi32>
        %swap3A_432 = arith.index_cast %add3A_266 : i32 to index
        %swap3A_433 = arith.constant 176 : index
        %swap3A_434 = tpu.vector_load %arg17[%swap3A_432, %swap3A_433] {strides = array<i32>} : memref<40x192xi32, #tpu.memory_space<vmem>>, vector<16xi32>,
        tpu.vector_store %arg17[%swap3A_432, %swap3A_433], %bitcast3A_431 {strides = array<i32>} : memref<40x192xi32, #tpu.memory_space<vmem>>, vector<16xi32>,
      }
      %scan3A_171 = arith.constant 40 : i32
      %mul3A_172 = arith.constant 40 : i32
      %mul3A_173 = arith.muli %add3A_149, %mul3A_172 : i32
      %add3A_174 = arith.addi %mul3A_2, %mul3A_173 : i32
      %dma_start3A_175 = arith.constant 0 : i32
      %dma_start3A_176 = tpu.memref_slice %arg5[%add3A_174, %dma_start3A_175] : memref<320000x192xi32, #tpu.memory_space<hbm>> -> memref<40x192xi32, #tpu.memory_space<hbm>>
      %dma_start3A_177 = arith.constant 0 : i32
      %dma_start3A_178 = tpu.memref_slice %arg5[%add3A_174, %dma_start3A_177] : memref<320000x192xi32, #tpu.memory_space<hbm>> -> memref<40x192xi32, #tpu.memory_space<hbm>>
      tpu.enqueue_dma source(%arg17 : memref<40x192xi32, #tpu.memory_space<vmem>>) target(%dma_start3A_178 : memref<40x192xi32, #tpu.memory_space<hbm>>) target_semaphore(%arg27 : memref<!tpu.dma_semaphore, #tpu.memory_space<semaphore_mem>>)
      %add3A_179 = arith.constant 4 : i32
      %add3A_180 = arith.addi %add3A_149, %add3A_179 : i32
      %lt3A_181 = arith.constant 250 : i32
      %lt3A_182 = arith.cmpi slt, %add3A_180, %lt3A_181 : i32
      %convert_element_type3A_183 = arith.extui %lt3A_182 : i1 to i32
      %cond3A_184 = arith.constant 0 : i32
      %cond3A_185 = arith.cmpi ne, %convert_element_type3A_183, %cond3A_184 : i32
      scf.if %cond3A_185 {
        %add3A_262 = arith.constant 4 : i32
        %add3A_263 = arith.addi %add3A_149, %add3A_262 : i32
        %mul3A_264 = arith.constant 40 : i32
        %mul3A_265 = arith.muli %add3A_263, %mul3A_264 : i32
        %dma_start3A_266 = tpu.memref_slice %arg6[%mul3A_265] : memref<10000xi32, #tpu.memory_space<vmem>> -> memref<40xi32, #tpu.memory_space<vmem>>
        %dma_start3A_267 = arith.constant 0 : i32
        %dma_start3A_268 = arith.constant 0 : i32
        %dma_start3A_269 = tpu.memref_slice %arg2[%dma_start3A_267, %dma_start3A_268] : memref<10000x256xi32, #tpu.memory_space<hbm>> -> memref<10000x256xi32, #tpu.memory_space<hbm>>
        tpu.enqueue_indirect_dma source(%dma_start3A_269 : memref<10000x256xi32, #tpu.memory_space<hbm>>) target(%arg9 : memref<40x256xi32, #tpu.memory_space<vmem>>) offsets(%dma_start3A_266 : memref<40xi32, #tpu.memory_space<vmem>>) semaphore(%arg19 : memref<!tpu.dma_semaphore, #tpu.memory_space<semaphore_mem>>)
        %dma_start3A_270 = tpu.memref_slice %arg7[%mul3A_265] : memref<10000xi32, #tpu.memory_space<vmem>> -> memref<40xi32, #tpu.memory_space<vmem>>
        %dma_start3A_271 = arith.constant 0 : i32
        %dma_start3A_272 = arith.constant 0 : i32
        %dma_start3A_273 = tpu.memref_slice %arg3[%dma_start3A_271, %dma_start3A_272] : memref<10000x256xi32, #tpu.memory_space<hbm>> -> memref<10000x256xi32, #tpu.memory_space<hbm>>
        tpu.enqueue_indirect_dma source(%dma_start3A_273 : memref<10000x256xi32, #tpu.memory_space<hbm>>) target(%arg13 : memref<40x256xi32, #tpu.memory_space<vmem>>) offsets(%dma_start3A_270 : memref<40xi32, #tpu.memory_space<vmem>>) semaphore(%arg23 : memref<!tpu.dma_semaphore, #tpu.memory_space<semaphore_mem>>)
      } else {
      }
      %add3A_186 = arith.constant 2 : i32
      %add3A_187 = arith.addi %add3A_113, %add3A_186 : i32
      %dma_wait3A_188 = arith.constant 0 : i32
      %dma_wait3A_189 = arith.constant 0 : i32
      %dma_wait3A_190 = tpu.memref_slice %arg2[%dma_wait3A_188, %dma_wait3A_189] : memref<10000x256xi32, #tpu.memory_space<hbm>> -> memref<40x256xi32, #tpu.memory_space<hbm>>
      %dma_wait3A_191 = arith.constant 0 : i32
      %dma_wait3A_192 = arith.constant 0 : i32
      %dma_wait3A_193 = tpu.memref_slice %arg2[%dma_wait3A_191, %dma_wait3A_192] : memref<10000x256xi32, #tpu.memory_space<hbm>> -> memref<40x256xi32, #tpu.memory_space<hbm>>
      tpu.wait_dma2 semaphore(%arg20 : memref<!tpu.dma_semaphore, #tpu.memory_space<semaphore_mem>>) src(%dma_wait3A_193 : memref<40x256xi32, #tpu.memory_space<hbm>>) dst(%arg10 : memref<40x256xi32, #tpu.memory_space<vmem>>)
      %dma_wait3A_194 = arith.constant 0 : i32
      %dma_wait3A_195 = arith.constant 0 : i32
      %dma_wait3A_196 = tpu.memref_slice %arg2[%dma_wait3A_194, %dma_wait3A_195] : memref<10000x256xi32, #tpu.memory_space<hbm>> -> memref<40x256xi32, #tpu.memory_space<hbm>>
      %dma_wait3A_197 = arith.constant 0 : i32
      %dma_wait3A_198 = arith.constant 0 : i32
      %dma_wait3A_199 = tpu.memref_slice %arg2[%dma_wait3A_197, %dma_wait3A_198] : memref<10000x256xi32, #tpu.memory_space<hbm>> -> memref<40x256xi32, #tpu.memory_space<hbm>>
      tpu.wait_dma2 semaphore(%arg24 : memref<!tpu.dma_semaphore, #tpu.memory_space<semaphore_mem>>) src(%dma_wait3A_199 : memref<40x256xi32, #tpu.memory_space<hbm>>) dst(%arg14 : memref<40x256xi32, #tpu.memory_space<vmem>>)
      %ge3A_200 = arith.constant 2 : i32
      %ge3A_201 = arith.cmpi sge, %add3A_187, %ge3A_200 : i32
      %convert_element_type3A_202 = arith.extui %ge3A_201 : i1 to i32
      %cond3A_203 = arith.constant 0 : i32
      %cond3A_204 = arith.cmpi ne, %convert_element_type3A_202, %cond3A_203 : i32
      scf.if %cond3A_204 {
        %dma_wait3A_262 = arith.constant 0 : i32
        %dma_wait3A_263 = tpu.memref_slice %arg5[%mul3A_2, %dma_wait3A_262] : memref<320000x192xi32, #tpu.memory_space<hbm>> -> memref<40x192xi32, #tpu.memory_space<hbm>>
        %dma_wait3A_264 = arith.constant 0 : i32
        %dma_wait3A_265 = tpu.memref_slice %arg5[%mul3A_2, %dma_wait3A_264] : memref<320000x192xi32, #tpu.memory_space<hbm>> -> memref<40x192xi32, #tpu.memory_space<hbm>>
        tpu.wait_dma2 semaphore(%arg26 : memref<!tpu.dma_semaphore, #tpu.memory_space<semaphore_mem>>) src(%arg16 : memref<40x192xi32, #tpu.memory_space<vmem>>) dst(%dma_wait3A_265 : memref<40x192xi32, #tpu.memory_space<hbm>>)
      } else {
      }
      %scan3A_205 = arith.constant 0 : i32
      %scan3A_206 = arith.constant 40 : i32
      %scan3A_207 = arith.addi %scan3A_205, %scan3A_206 : i32
      %scan3A_208 = arith.constant 1 : i32
      scf.for %scan3A_262 = %scan3A_205 to %scan3A_207 step %scan3A_208  : i32 {
        %mul3A_263 = arith.constant 1 : i32
        %mul3A_264 = arith.muli %scan3A_262, %mul3A_263 : i32
        %add3A_265 = arith.constant 0 : i32
        %add3A_266 = arith.addi %add3A_265, %mul3A_264 : i32
        %get3A = arith.index_cast %add3A_266 : i32 to index
        %get3A_267 = arith.constant 0 : index
        %get3A_268 = tpu.vector_load %arg10[%get3A, %get3A_267] {strides = array<i32>} : memref<40x256xi32, #tpu.memory_space<vmem>>, vector<16xi32>,
        %bitcast3A = vector.bitcast %get3A_268 : vector<16xi32> to vector<32xbf16>
        %get3A_269 = arith.index_cast %add3A_266 : i32 to index
        %get3A_270 = arith.constant 0 : index
        %get3A_271 = tpu.vector_load %arg14[%get3A_269, %get3A_270] {strides = array<i32>} : memref<40x256xi32, #tpu.memory_space<vmem>>, vector<16xi32>,
        %bitcast3A_272 = vector.bitcast %get3A_271 : vector<16xi32> to vector<32xbf16>
        %add3A_273 = arith.addf %bitcast3A, %bitcast3A_272 : vector<32xbf16>
        %mul3A_274 = arith.constant 1.000980e-02 : bf16
        %mul3A_275 = vector.broadcast %mul3A_274 : bf16 to vector<32xbf16>
        %mul3A_276 = arith.mulf %mul3A_275, %add3A_273 : vector<32xbf16>
        %max3A = arith.maximumf %add3A_273, %mul3A_276 : vector<32xbf16>
        %bitcast3A_277 = vector.bitcast %max3A : vector<32xbf16> to vector<16xi32>
        %swap3A = arith.index_cast %add3A_266 : i32 to index
        %swap3A_278 = arith.constant 0 : index
        %swap3A_279 = tpu.vector_load %arg16[%swap3A, %swap3A_278] {strides = array<i32>} : memref<40x192xi32, #tpu.memory_space<vmem>>, vector<16xi32>,
        tpu.vector_store %arg16[%swap3A, %swap3A_278], %bitcast3A_277 {strides = array<i32>} : memref<40x192xi32, #tpu.memory_space<vmem>>, vector<16xi32>,
        %get3A_280 = arith.index_cast %add3A_266 : i32 to index
        %get3A_281 = arith.constant 16 : index
        %get3A_282 = tpu.vector_load %arg10[%get3A_280, %get3A_281] {strides = array<i32>} : memref<40x256xi32, #tpu.memory_space<vmem>>, vector<16xi32>,
        %bitcast3A_283 = vector.bitcast %get3A_282 : vector<16xi32> to vector<32xbf16>
        %get3A_284 = arith.index_cast %add3A_266 : i32 to index
        %get3A_285 = arith.constant 16 : index
        %get3A_286 = tpu.vector_load %arg14[%get3A_284, %get3A_285] {strides = array<i32>} : memref<40x256xi32, #tpu.memory_space<vmem>>, vector<16xi32>,
        %bitcast3A_287 = vector.bitcast %get3A_286 : vector<16xi32> to vector<32xbf16>
        %add3A_288 = arith.addf %bitcast3A_283, %bitcast3A_287 : vector<32xbf16>
        %mul3A_289 = arith.constant 1.000980e-02 : bf16
        %mul3A_290 = vector.broadcast %mul3A_289 : bf16 to vector<32xbf16>
        %mul3A_291 = arith.mulf %mul3A_290, %add3A_288 : vector<32xbf16>
        %max3A_292 = arith.maximumf %add3A_288, %mul3A_291 : vector<32xbf16>
        %bitcast3A_293 = vector.bitcast %max3A_292 : vector<32xbf16> to vector<16xi32>
        %swap3A_294 = arith.index_cast %add3A_266 : i32 to index
        %swap3A_295 = arith.constant 16 : index
        %swap3A_296 = tpu.vector_load %arg16[%swap3A_294, %swap3A_295] {strides = array<i32>} : memref<40x192xi32, #tpu.memory_space<vmem>>, vector<16xi32>,
        tpu.vector_store %arg16[%swap3A_294, %swap3A_295], %bitcast3A_293 {strides = array<i32>} : memref<40x192xi32, #tpu.memory_space<vmem>>, vector<16xi32>,
        %get3A_297 = arith.index_cast %add3A_266 : i32 to index
        %get3A_298 = arith.constant 32 : index
        %get3A_299 = tpu.vector_load %arg10[%get3A_297, %get3A_298] {strides = array<i32>} : memref<40x256xi32, #tpu.memory_space<vmem>>, vector<16xi32>,
        %bitcast3A_300 = vector.bitcast %get3A_299 : vector<16xi32> to vector<32xbf16>
        %get3A_301 = arith.index_cast %add3A_266 : i32 to index
        %get3A_302 = arith.constant 32 : index
        %get3A_303 = tpu.vector_load %arg14[%get3A_301, %get3A_302] {strides = array<i32>} : memref<40x256xi32, #tpu.memory_space<vmem>>, vector<16xi32>,
        %bitcast3A_304 = vector.bitcast %get3A_303 : vector<16xi32> to vector<32xbf16>
        %add3A_305 = arith.addf %bitcast3A_300, %bitcast3A_304 : vector<32xbf16>
        %mul3A_306 = arith.constant 1.000980e-02 : bf16
        %mul3A_307 = vector.broadcast %mul3A_306 : bf16 to vector<32xbf16>
        %mul3A_308 = arith.mulf %mul3A_307, %add3A_305 : vector<32xbf16>
        %max3A_309 = arith.maximumf %add3A_305, %mul3A_308 : vector<32xbf16>
        %bitcast3A_310 = vector.bitcast %max3A_309 : vector<32xbf16> to vector<16xi32>
        %swap3A_311 = arith.index_cast %add3A_266 : i32 to index
        %swap3A_312 = arith.constant 32 : index
        %swap3A_313 = tpu.vector_load %arg16[%swap3A_311, %swap3A_312] {strides = array<i32>} : memref<40x192xi32, #tpu.memory_space<vmem>>, vector<16xi32>,
        tpu.vector_store %arg16[%swap3A_311, %swap3A_312], %bitcast3A_310 {strides = array<i32>} : memref<40x192xi32, #tpu.memory_space<vmem>>, vector<16xi32>,
        %get3A_314 = arith.index_cast %add3A_266 : i32 to index
        %get3A_315 = arith.constant 48 : index
        %get3A_316 = tpu.vector_load %arg10[%get3A_314, %get3A_315] {strides = array<i32>} : memref<40x256xi32, #tpu.memory_space<vmem>>, vector<16xi32>,
        %bitcast3A_317 = vector.bitcast %get3A_316 : vector<16xi32> to vector<32xbf16>
        %get3A_318 = arith.index_cast %add3A_266 : i32 to index
        %get3A_319 = arith.constant 48 : index
        %get3A_320 = tpu.vector_load %arg14[%get3A_318, %get3A_319] {strides = array<i32>} : memref<40x256xi32, #tpu.memory_space<vmem>>, vector<16xi32>,
        %bitcast3A_321 = vector.bitcast %get3A_320 : vector<16xi32> to vector<32xbf16>
        %add3A_322 = arith.addf %bitcast3A_317, %bitcast3A_321 : vector<32xbf16>
        %mul3A_323 = arith.constant 1.000980e-02 : bf16
        %mul3A_324 = vector.broadcast %mul3A_323 : bf16 to vector<32xbf16>
        %mul3A_325 = arith.mulf %mul3A_324, %add3A_322 : vector<32xbf16>
        %max3A_326 = arith.maximumf %add3A_322, %mul3A_325 : vector<32xbf16>
        %bitcast3A_327 = vector.bitcast %max3A_326 : vector<32xbf16> to vector<16xi32>
        %swap3A_328 = arith.index_cast %add3A_266 : i32 to index
        %swap3A_329 = arith.constant 48 : index
        %swap3A_330 = tpu.vector_load %arg16[%swap3A_328, %swap3A_329] {strides = array<i32>} : memref<40x192xi32, #tpu.memory_space<vmem>>, vector<16xi32>,
        tpu.vector_store %arg16[%swap3A_328, %swap3A_329], %bitcast3A_327 {strides = array<i32>} : memref<40x192xi32, #tpu.memory_space<vmem>>, vector<16xi32>,
        %get3A_331 = arith.index_cast %add3A_266 : i32 to index
        %get3A_332 = arith.constant 64 : index
        %get3A_333 = tpu.vector_load %arg10[%get3A_331, %get3A_332] {strides = array<i32>} : memref<40x256xi32, #tpu.memory_space<vmem>>, vector<16xi32>,
        %bitcast3A_334 = vector.bitcast %get3A_333 : vector<16xi32> to vector<32xbf16>
        %get3A_335 = arith.index_cast %add3A_266 : i32 to index
        %get3A_336 = arith.constant 64 : index
        %get3A_337 = tpu.vector_load %arg14[%get3A_335, %get3A_336] {strides = array<i32>} : memref<40x256xi32, #tpu.memory_space<vmem>>, vector<16xi32>,
        %bitcast3A_338 = vector.bitcast %get3A_337 : vector<16xi32> to vector<32xbf16>
        %mul3A_339 = arith.mulf %bitcast3A_334, %bitcast3A_338 : vector<32xbf16>
        %bitcast3A_340 = vector.bitcast %mul3A_339 : vector<32xbf16> to vector<16xi32>
        %swap3A_341 = arith.index_cast %add3A_266 : i32 to index
        %swap3A_342 = arith.constant 64 : index
        %swap3A_343 = tpu.vector_load %arg16[%swap3A_341, %swap3A_342] {strides = array<i32>} : memref<40x192xi32, #tpu.memory_space<vmem>>, vector<16xi32>,
        tpu.vector_store %arg16[%swap3A_341, %swap3A_342], %bitcast3A_340 {strides = array<i32>} : memref<40x192xi32, #tpu.memory_space<vmem>>, vector<16xi32>,
        %get3A_344 = arith.index_cast %add3A_266 : i32 to index
        %get3A_345 = arith.constant 80 : index
        %get3A_346 = tpu.vector_load %arg10[%get3A_344, %get3A_345] {strides = array<i32>} : memref<40x256xi32, #tpu.memory_space<vmem>>, vector<16xi32>,
        %bitcast3A_347 = vector.bitcast %get3A_346 : vector<16xi32> to vector<32xbf16>
        %get3A_348 = arith.index_cast %add3A_266 : i32 to index
        %get3A_349 = arith.constant 80 : index
        %get3A_350 = tpu.vector_load %arg14[%get3A_348, %get3A_349] {strides = array<i32>} : memref<40x256xi32, #tpu.memory_space<vmem>>, vector<16xi32>,
        %bitcast3A_351 = vector.bitcast %get3A_350 : vector<16xi32> to vector<32xbf16>
        %mul3A_352 = arith.mulf %bitcast3A_347, %bitcast3A_351 : vector<32xbf16>
        %bitcast3A_353 = vector.bitcast %mul3A_352 : vector<32xbf16> to vector<16xi32>
        %swap3A_354 = arith.index_cast %add3A_266 : i32 to index
        %swap3A_355 = arith.constant 80 : index
        %swap3A_356 = tpu.vector_load %arg16[%swap3A_354, %swap3A_355] {strides = array<i32>} : memref<40x192xi32, #tpu.memory_space<vmem>>, vector<16xi32>,
        tpu.vector_store %arg16[%swap3A_354, %swap3A_355], %bitcast3A_353 {strides = array<i32>} : memref<40x192xi32, #tpu.memory_space<vmem>>, vector<16xi32>,
        %get3A_357 = arith.index_cast %add3A_266 : i32 to index
        %get3A_358 = arith.constant 96 : index
        %get3A_359 = tpu.vector_load %arg10[%get3A_357, %get3A_358] {strides = array<i32>} : memref<40x256xi32, #tpu.memory_space<vmem>>, vector<16xi32>,
        %bitcast3A_360 = vector.bitcast %get3A_359 : vector<16xi32> to vector<32xbf16>
        %get3A_361 = arith.index_cast %add3A_266 : i32 to index
        %get3A_362 = arith.constant 96 : index
        %get3A_363 = tpu.vector_load %arg14[%get3A_361, %get3A_362] {strides = array<i32>} : memref<40x256xi32, #tpu.memory_space<vmem>>, vector<16xi32>,
        %bitcast3A_364 = vector.bitcast %get3A_363 : vector<16xi32> to vector<32xbf16>
        %mul3A_365 = arith.mulf %bitcast3A_360, %bitcast3A_364 : vector<32xbf16>
        %bitcast3A_366 = vector.bitcast %mul3A_365 : vector<32xbf16> to vector<16xi32>
        %swap3A_367 = arith.index_cast %add3A_266 : i32 to index
        %swap3A_368 = arith.constant 96 : index
        %swap3A_369 = tpu.vector_load %arg16[%swap3A_367, %swap3A_368] {strides = array<i32>} : memref<40x192xi32, #tpu.memory_space<vmem>>, vector<16xi32>,
        tpu.vector_store %arg16[%swap3A_367, %swap3A_368], %bitcast3A_366 {strides = array<i32>} : memref<40x192xi32, #tpu.memory_space<vmem>>, vector<16xi32>,
        %get3A_370 = arith.index_cast %add3A_266 : i32 to index
        %get3A_371 = arith.constant 112 : index
        %get3A_372 = tpu.vector_load %arg10[%get3A_370, %get3A_371] {strides = array<i32>} : memref<40x256xi32, #tpu.memory_space<vmem>>, vector<16xi32>,
        %bitcast3A_373 = vector.bitcast %get3A_372 : vector<16xi32> to vector<32xbf16>
        %get3A_374 = arith.index_cast %add3A_266 : i32 to index
        %get3A_375 = arith.constant 112 : index
        %get3A_376 = tpu.vector_load %arg14[%get3A_374, %get3A_375] {strides = array<i32>} : memref<40x256xi32, #tpu.memory_space<vmem>>, vector<16xi32>,
        %bitcast3A_377 = vector.bitcast %get3A_376 : vector<16xi32> to vector<32xbf16>
        %mul3A_378 = arith.mulf %bitcast3A_373, %bitcast3A_377 : vector<32xbf16>
        %bitcast3A_379 = vector.bitcast %mul3A_378 : vector<32xbf16> to vector<16xi32>
        %swap3A_380 = arith.index_cast %add3A_266 : i32 to index
        %swap3A_381 = arith.constant 112 : index
        %swap3A_382 = tpu.vector_load %arg16[%swap3A_380, %swap3A_381] {strides = array<i32>} : memref<40x192xi32, #tpu.memory_space<vmem>>, vector<16xi32>,
        tpu.vector_store %arg16[%swap3A_380, %swap3A_381], %bitcast3A_379 {strides = array<i32>} : memref<40x192xi32, #tpu.memory_space<vmem>>, vector<16xi32>,
        %get3A_383 = arith.index_cast %add3A_266 : i32 to index
        %get3A_384 = arith.constant 128 : index
        %get3A_385 = tpu.vector_load %arg10[%get3A_383, %get3A_384] {strides = array<i32>} : memref<40x256xi32, #tpu.memory_space<vmem>>, vector<16xi32>,
        %bitcast3A_386 = vector.bitcast %get3A_385 : vector<16xi32> to vector<32xbf16>
        %get3A_387 = arith.index_cast %add3A_266 : i32 to index
        %get3A_388 = arith.constant 128 : index
        %get3A_389 = tpu.vector_load %arg14[%get3A_387, %get3A_388] {strides = array<i32>} : memref<40x256xi32, #tpu.memory_space<vmem>>, vector<16xi32>,
        %bitcast3A_390 = vector.bitcast %get3A_389 : vector<16xi32> to vector<32xbf16>
        %mul3A_391 = arith.mulf %bitcast3A_386, %bitcast3A_390 : vector<32xbf16>
        %bitcast3A_392 = vector.bitcast %mul3A_391 : vector<32xbf16> to vector<16xi32>
        %swap3A_393 = arith.index_cast %add3A_266 : i32 to index
        %swap3A_394 = arith.constant 128 : index
        %swap3A_395 = tpu.vector_load %arg16[%swap3A_393, %swap3A_394] {strides = array<i32>} : memref<40x192xi32, #tpu.memory_space<vmem>>, vector<16xi32>,
        tpu.vector_store %arg16[%swap3A_393, %swap3A_394], %bitcast3A_392 {strides = array<i32>} : memref<40x192xi32, #tpu.memory_space<vmem>>, vector<16xi32>,
        %get3A_396 = arith.index_cast %add3A_266 : i32 to index
        %get3A_397 = arith.constant 144 : index
        %get3A_398 = tpu.vector_load %arg10[%get3A_396, %get3A_397] {strides = array<i32>} : memref<40x256xi32, #tpu.memory_space<vmem>>, vector<16xi32>,
        %bitcast3A_399 = vector.bitcast %get3A_398 : vector<16xi32> to vector<32xbf16>
        %get3A_400 = arith.index_cast %add3A_266 : i32 to index
        %get3A_401 = arith.constant 144 : index
        %get3A_402 = tpu.vector_load %arg14[%get3A_400, %get3A_401] {strides = array<i32>} : memref<40x256xi32, #tpu.memory_space<vmem>>, vector<16xi32>,
        %bitcast3A_403 = vector.bitcast %get3A_402 : vector<16xi32> to vector<32xbf16>
        %mul3A_404 = arith.mulf %bitcast3A_399, %bitcast3A_403 : vector<32xbf16>
        %bitcast3A_405 = vector.bitcast %mul3A_404 : vector<32xbf16> to vector<16xi32>
        %swap3A_406 = arith.index_cast %add3A_266 : i32 to index
        %swap3A_407 = arith.constant 144 : index
        %swap3A_408 = tpu.vector_load %arg16[%swap3A_406, %swap3A_407] {strides = array<i32>} : memref<40x192xi32, #tpu.memory_space<vmem>>, vector<16xi32>,
        tpu.vector_store %arg16[%swap3A_406, %swap3A_407], %bitcast3A_405 {strides = array<i32>} : memref<40x192xi32, #tpu.memory_space<vmem>>, vector<16xi32>,
        %get3A_409 = arith.index_cast %add3A_266 : i32 to index
        %get3A_410 = arith.constant 160 : index
        %get3A_411 = tpu.vector_load %arg10[%get3A_409, %get3A_410] {strides = array<i32>} : memref<40x256xi32, #tpu.memory_space<vmem>>, vector<16xi32>,
        %bitcast3A_412 = vector.bitcast %get3A_411 : vector<16xi32> to vector<32xbf16>
        %get3A_413 = arith.index_cast %add3A_266 : i32 to index
        %get3A_414 = arith.constant 160 : index
        %get3A_415 = tpu.vector_load %arg14[%get3A_413, %get3A_414] {strides = array<i32>} : memref<40x256xi32, #tpu.memory_space<vmem>>, vector<16xi32>,
        %bitcast3A_416 = vector.bitcast %get3A_415 : vector<16xi32> to vector<32xbf16>
        %mul3A_417 = arith.mulf %bitcast3A_412, %bitcast3A_416 : vector<32xbf16>
        %bitcast3A_418 = vector.bitcast %mul3A_417 : vector<32xbf16> to vector<16xi32>
        %swap3A_419 = arith.index_cast %add3A_266 : i32 to index
        %swap3A_420 = arith.constant 160 : index
        %swap3A_421 = tpu.vector_load %arg16[%swap3A_419, %swap3A_420] {strides = array<i32>} : memref<40x192xi32, #tpu.memory_space<vmem>>, vector<16xi32>,
        tpu.vector_store %arg16[%swap3A_419, %swap3A_420], %bitcast3A_418 {strides = array<i32>} : memref<40x192xi32, #tpu.memory_space<vmem>>, vector<16xi32>,
        %get3A_422 = arith.index_cast %add3A_266 : i32 to index
        %get3A_423 = arith.constant 176 : index
        %get3A_424 = tpu.vector_load %arg10[%get3A_422, %get3A_423] {strides = array<i32>} : memref<40x256xi32, #tpu.memory_space<vmem>>, vector<16xi32>,
        %bitcast3A_425 = vector.bitcast %get3A_424 : vector<16xi32> to vector<32xbf16>
        %get3A_426 = arith.index_cast %add3A_266 : i32 to index
        %get3A_427 = arith.constant 176 : index
        %get3A_428 = tpu.vector_load %arg14[%get3A_426, %get3A_427] {strides = array<i32>} : memref<40x256xi32, #tpu.memory_space<vmem>>, vector<16xi32>,
        %bitcast3A_429 = vector.bitcast %get3A_428 : vector<16xi32> to vector<32xbf16>
        %mul3A_430 = arith.mulf %bitcast3A_425, %bitcast3A_429 : vector<32xbf16>
        %bitcast3A_431 = vector.bitcast %mul3A_430 : vector<32xbf16> to vector<16xi32>
        %swap3A_432 = arith.index_cast %add3A_266 : i32 to index
        %swap3A_433 = arith.constant 176 : index
        %swap3A_434 = tpu.vector_load %arg16[%swap3A_432, %swap3A_433] {strides = array<i32>} : memref<40x192xi32, #tpu.memory_space<vmem>>, vector<16xi32>,
        tpu.vector_store %arg16[%swap3A_432, %swap3A_433], %bitcast3A_431 {strides = array<i32>} : memref<40x192xi32, #tpu.memory_space<vmem>>, vector<16xi32>,
      }
      %scan3A_209 = arith.constant 40 : i32
      %mul3A_210 = arith.constant 40 : i32
      %mul3A_211 = arith.muli %add3A_187, %mul3A_210 : i32
      %add3A_212 = arith.addi %mul3A_2, %mul3A_211 : i32
      %dma_start3A_213 = arith.constant 0 : i32
      %dma_start3A_214 = tpu.memref_slice %arg5[%add3A_212, %dma_start3A_213] : memref<320000x192xi32, #tpu.memory_space<hbm>> -> memref<40x192xi32, #tpu.memory_space<hbm>>
      %dma_start3A_215 = arith.constant 0 : i32
      %dma_start3A_216 = tpu.memref_slice %arg5[%add3A_212, %dma_start3A_215] : memref<320000x192xi32, #tpu.memory_space<hbm>> -> memref<40x192xi32, #tpu.memory_space<hbm>>
      tpu.enqueue_dma source(%arg16 : memref<40x192xi32, #tpu.memory_space<vmem>>) target(%dma_start3A_216 : memref<40x192xi32, #tpu.memory_space<hbm>>) target_semaphore(%arg26 : memref<!tpu.dma_semaphore, #tpu.memory_space<semaphore_mem>>)
      %add3A_217 = arith.constant 4 : i32
      %add3A_218 = arith.addi %add3A_187, %add3A_217 : i32
      %lt3A_219 = arith.constant 250 : i32
      %lt3A_220 = arith.cmpi slt, %add3A_218, %lt3A_219 : i32
      %convert_element_type3A_221 = arith.extui %lt3A_220 : i1 to i32
      %cond3A_222 = arith.constant 0 : i32
      %cond3A_223 = arith.cmpi ne, %convert_element_type3A_221, %cond3A_222 : i32
      scf.if %cond3A_223 {
        %add3A_262 = arith.constant 4 : i32
        %add3A_263 = arith.addi %add3A_187, %add3A_262 : i32
        %mul3A_264 = arith.constant 40 : i32
        %mul3A_265 = arith.muli %add3A_263, %mul3A_264 : i32
        %dma_start3A_266 = tpu.memref_slice %arg6[%mul3A_265] : memref<10000xi32, #tpu.memory_space<vmem>> -> memref<40xi32, #tpu.memory_space<vmem>>
        %dma_start3A_267 = arith.constant 0 : i32
        %dma_start3A_268 = arith.constant 0 : i32
        %dma_start3A_269 = tpu.memref_slice %arg2[%dma_start3A_267, %dma_start3A_268] : memref<10000x256xi32, #tpu.memory_space<hbm>> -> memref<10000x256xi32, #tpu.memory_space<hbm>>
        tpu.enqueue_indirect_dma source(%dma_start3A_269 : memref<10000x256xi32, #tpu.memory_space<hbm>>) target(%arg10 : memref<40x256xi32, #tpu.memory_space<vmem>>) offsets(%dma_start3A_266 : memref<40xi32, #tpu.memory_space<vmem>>) semaphore(%arg20 : memref<!tpu.dma_semaphore, #tpu.memory_space<semaphore_mem>>)
        %dma_start3A_270 = tpu.memref_slice %arg7[%mul3A_265] : memref<10000xi32, #tpu.memory_space<vmem>> -> memref<40xi32, #tpu.memory_space<vmem>>
        %dma_start3A_271 = arith.constant 0 : i32
        %dma_start3A_272 = arith.constant 0 : i32
        %dma_start3A_273 = tpu.memref_slice %arg3[%dma_start3A_271, %dma_start3A_272] : memref<10000x256xi32, #tpu.memory_space<hbm>> -> memref<10000x256xi32, #tpu.memory_space<hbm>>
        tpu.enqueue_indirect_dma source(%dma_start3A_273 : memref<10000x256xi32, #tpu.memory_space<hbm>>) target(%arg14 : memref<40x256xi32, #tpu.memory_space<vmem>>) offsets(%dma_start3A_270 : memref<40xi32, #tpu.memory_space<vmem>>) semaphore(%arg24 : memref<!tpu.dma_semaphore, #tpu.memory_space<semaphore_mem>>)
      } else {
      }
      %add3A_224 = arith.constant 3 : i32
      %add3A_225 = arith.addi %add3A_113, %add3A_224 : i32
      %dma_wait3A_226 = arith.constant 0 : i32
      %dma_wait3A_227 = arith.constant 0 : i32
      %dma_wait3A_228 = tpu.memref_slice %arg2[%dma_wait3A_226, %dma_wait3A_227] : memref<10000x256xi32, #tpu.memory_space<hbm>> -> memref<40x256xi32, #tpu.memory_space<hbm>>
      %dma_wait3A_229 = arith.constant 0 : i32
      %dma_wait3A_230 = arith.constant 0 : i32
      %dma_wait3A_231 = tpu.memref_slice %arg2[%dma_wait3A_229, %dma_wait3A_230] : memref<10000x256xi32, #tpu.memory_space<hbm>> -> memref<40x256xi32, #tpu.memory_space<hbm>>
      tpu.wait_dma2 semaphore(%arg21 : memref<!tpu.dma_semaphore, #tpu.memory_space<semaphore_mem>>) src(%dma_wait3A_231 : memref<40x256xi32, #tpu.memory_space<hbm>>) dst(%arg11 : memref<40x256xi32, #tpu.memory_space<vmem>>)
      %dma_wait3A_232 = arith.constant 0 : i32
      %dma_wait3A_233 = arith.constant 0 : i32
      %dma_wait3A_234 = tpu.memref_slice %arg2[%dma_wait3A_232, %dma_wait3A_233] : memref<10000x256xi32, #tpu.memory_space<hbm>> -> memref<40x256xi32, #tpu.memory_space<hbm>>
      %dma_wait3A_235 = arith.constant 0 : i32
      %dma_wait3A_236 = arith.constant 0 : i32
      %dma_wait3A_237 = tpu.memref_slice %arg2[%dma_wait3A_235, %dma_wait3A_236] : memref<10000x256xi32, #tpu.memory_space<hbm>> -> memref<40x256xi32, #tpu.memory_space<hbm>>
      tpu.wait_dma2 semaphore(%arg25 : memref<!tpu.dma_semaphore, #tpu.memory_space<semaphore_mem>>) src(%dma_wait3A_237 : memref<40x256xi32, #tpu.memory_space<hbm>>) dst(%arg15 : memref<40x256xi32, #tpu.memory_space<vmem>>)
      %ge3A_238 = arith.constant 2 : i32
      %ge3A_239 = arith.cmpi sge, %add3A_225, %ge3A_238 : i32
      %convert_element_type3A_240 = arith.extui %ge3A_239 : i1 to i32
      %cond3A_241 = arith.constant 0 : i32
      %cond3A_242 = arith.cmpi ne, %convert_element_type3A_240, %cond3A_241 : i32
      scf.if %cond3A_242 {
        %dma_wait3A_262 = arith.constant 0 : i32
        %dma_wait3A_263 = tpu.memref_slice %arg5[%mul3A_2, %dma_wait3A_262] : memref<320000x192xi32, #tpu.memory_space<hbm>> -> memref<40x192xi32, #tpu.memory_space<hbm>>
        %dma_wait3A_264 = arith.constant 0 : i32
        %dma_wait3A_265 = tpu.memref_slice %arg5[%mul3A_2, %dma_wait3A_264] : memref<320000x192xi32, #tpu.memory_space<hbm>> -> memref<40x192xi32, #tpu.memory_space<hbm>>
        tpu.wait_dma2 semaphore(%arg27 : memref<!tpu.dma_semaphore, #tpu.memory_space<semaphore_mem>>) src(%arg17 : memref<40x192xi32, #tpu.memory_space<vmem>>) dst(%dma_wait3A_265 : memref<40x192xi32, #tpu.memory_space<hbm>>)
      } else {
      }
      %scan3A_243 = arith.constant 0 : i32
      %scan3A_244 = arith.constant 40 : i32
      %scan3A_245 = arith.addi %scan3A_243, %scan3A_244 : i32
      %scan3A_246 = arith.constant 1 : i32
      scf.for %scan3A_262 = %scan3A_243 to %scan3A_245 step %scan3A_246  : i32 {
        %mul3A_263 = arith.constant 1 : i32
        %mul3A_264 = arith.muli %scan3A_262, %mul3A_263 : i32
        %add3A_265 = arith.constant 0 : i32
        %add3A_266 = arith.addi %add3A_265, %mul3A_264 : i32
        %get3A = arith.index_cast %add3A_266 : i32 to index
        %get3A_267 = arith.constant 0 : index
        %get3A_268 = tpu.vector_load %arg11[%get3A, %get3A_267] {strides = array<i32>} : memref<40x256xi32, #tpu.memory_space<vmem>>, vector<16xi32>,
        %bitcast3A = vector.bitcast %get3A_268 : vector<16xi32> to vector<32xbf16>
        %get3A_269 = arith.index_cast %add3A_266 : i32 to index
        %get3A_270 = arith.constant 0 : index
        %get3A_271 = tpu.vector_load %arg15[%get3A_269, %get3A_270] {strides = array<i32>} : memref<40x256xi32, #tpu.memory_space<vmem>>, vector<16xi32>,
        %bitcast3A_272 = vector.bitcast %get3A_271 : vector<16xi32> to vector<32xbf16>
        %add3A_273 = arith.addf %bitcast3A, %bitcast3A_272 : vector<32xbf16>
        %mul3A_274 = arith.constant 1.000980e-02 : bf16
        %mul3A_275 = vector.broadcast %mul3A_274 : bf16 to vector<32xbf16>
        %mul3A_276 = arith.mulf %mul3A_275, %add3A_273 : vector<32xbf16>
        %max3A = arith.maximumf %add3A_273, %mul3A_276 : vector<32xbf16>
        %bitcast3A_277 = vector.bitcast %max3A : vector<32xbf16> to vector<16xi32>
        %swap3A = arith.index_cast %add3A_266 : i32 to index
        %swap3A_278 = arith.constant 0 : index
        %swap3A_279 = tpu.vector_load %arg17[%swap3A, %swap3A_278] {strides = array<i32>} : memref<40x192xi32, #tpu.memory_space<vmem>>, vector<16xi32>,
        tpu.vector_store %arg17[%swap3A, %swap3A_278], %bitcast3A_277 {strides = array<i32>} : memref<40x192xi32, #tpu.memory_space<vmem>>, vector<16xi32>,
        %get3A_280 = arith.index_cast %add3A_266 : i32 to index
        %get3A_281 = arith.constant 16 : index
        %get3A_282 = tpu.vector_load %arg11[%get3A_280, %get3A_281] {strides = array<i32>} : memref<40x256xi32, #tpu.memory_space<vmem>>, vector<16xi32>,
        %bitcast3A_283 = vector.bitcast %get3A_282 : vector<16xi32> to vector<32xbf16>
        %get3A_284 = arith.index_cast %add3A_266 : i32 to index
        %get3A_285 = arith.constant 16 : index
        %get3A_286 = tpu.vector_load %arg15[%get3A_284, %get3A_285] {strides = array<i32>} : memref<40x256xi32, #tpu.memory_space<vmem>>, vector<16xi32>,
        %bitcast3A_287 = vector.bitcast %get3A_286 : vector<16xi32> to vector<32xbf16>
        %add3A_288 = arith.addf %bitcast3A_283, %bitcast3A_287 : vector<32xbf16>
        %mul3A_289 = arith.constant 1.000980e-02 : bf16
        %mul3A_290 = vector.broadcast %mul3A_289 : bf16 to vector<32xbf16>
        %mul3A_291 = arith.mulf %mul3A_290, %add3A_288 : vector<32xbf16>
        %max3A_292 = arith.maximumf %add3A_288, %mul3A_291 : vector<32xbf16>
        %bitcast3A_293 = vector.bitcast %max3A_292 : vector<32xbf16> to vector<16xi32>
        %swap3A_294 = arith.index_cast %add3A_266 : i32 to index
        %swap3A_295 = arith.constant 16 : index
        %swap3A_296 = tpu.vector_load %arg17[%swap3A_294, %swap3A_295] {strides = array<i32>} : memref<40x192xi32, #tpu.memory_space<vmem>>, vector<16xi32>,
        tpu.vector_store %arg17[%swap3A_294, %swap3A_295], %bitcast3A_293 {strides = array<i32>} : memref<40x192xi32, #tpu.memory_space<vmem>>, vector<16xi32>,
        %get3A_297 = arith.index_cast %add3A_266 : i32 to index
        %get3A_298 = arith.constant 32 : index
        %get3A_299 = tpu.vector_load %arg11[%get3A_297, %get3A_298] {strides = array<i32>} : memref<40x256xi32, #tpu.memory_space<vmem>>, vector<16xi32>,
        %bitcast3A_300 = vector.bitcast %get3A_299 : vector<16xi32> to vector<32xbf16>
        %get3A_301 = arith.index_cast %add3A_266 : i32 to index
        %get3A_302 = arith.constant 32 : index
        %get3A_303 = tpu.vector_load %arg15[%get3A_301, %get3A_302] {strides = array<i32>} : memref<40x256xi32, #tpu.memory_space<vmem>>, vector<16xi32>,
        %bitcast3A_304 = vector.bitcast %get3A_303 : vector<16xi32> to vector<32xbf16>
        %add3A_305 = arith.addf %bitcast3A_300, %bitcast3A_304 : vector<32xbf16>
        %mul3A_306 = arith.constant 1.000980e-02 : bf16
        %mul3A_307 = vector.broadcast %mul3A_306 : bf16 to vector<32xbf16>
        %mul3A_308 = arith.mulf %mul3A_307, %add3A_305 : vector<32xbf16>
        %max3A_309 = arith.maximumf %add3A_305, %mul3A_308 : vector<32xbf16>
        %bitcast3A_310 = vector.bitcast %max3A_309 : vector<32xbf16> to vector<16xi32>
        %swap3A_311 = arith.index_cast %add3A_266 : i32 to index
        %swap3A_312 = arith.constant 32 : index
        %swap3A_313 = tpu.vector_load %arg17[%swap3A_311, %swap3A_312] {strides = array<i32>} : memref<40x192xi32, #tpu.memory_space<vmem>>, vector<16xi32>,
        tpu.vector_store %arg17[%swap3A_311, %swap3A_312], %bitcast3A_310 {strides = array<i32>} : memref<40x192xi32, #tpu.memory_space<vmem>>, vector<16xi32>,
        %get3A_314 = arith.index_cast %add3A_266 : i32 to index
        %get3A_315 = arith.constant 48 : index
        %get3A_316 = tpu.vector_load %arg11[%get3A_314, %get3A_315] {strides = array<i32>} : memref<40x256xi32, #tpu.memory_space<vmem>>, vector<16xi32>,
        %bitcast3A_317 = vector.bitcast %get3A_316 : vector<16xi32> to vector<32xbf16>
        %get3A_318 = arith.index_cast %add3A_266 : i32 to index
        %get3A_319 = arith.constant 48 : index
        %get3A_320 = tpu.vector_load %arg15[%get3A_318, %get3A_319] {strides = array<i32>} : memref<40x256xi32, #tpu.memory_space<vmem>>, vector<16xi32>,
        %bitcast3A_321 = vector.bitcast %get3A_320 : vector<16xi32> to vector<32xbf16>
        %add3A_322 = arith.addf %bitcast3A_317, %bitcast3A_321 : vector<32xbf16>
        %mul3A_323 = arith.constant 1.000980e-02 : bf16
        %mul3A_324 = vector.broadcast %mul3A_323 : bf16 to vector<32xbf16>
        %mul3A_325 = arith.mulf %mul3A_324, %add3A_322 : vector<32xbf16>
        %max3A_326 = arith.maximumf %add3A_322, %mul3A_325 : vector<32xbf16>
        %bitcast3A_327 = vector.bitcast %max3A_326 : vector<32xbf16> to vector<16xi32>
        %swap3A_328 = arith.index_cast %add3A_266 : i32 to index
        %swap3A_329 = arith.constant 48 : index
        %swap3A_330 = tpu.vector_load %arg17[%swap3A_328, %swap3A_329] {strides = array<i32>} : memref<40x192xi32, #tpu.memory_space<vmem>>, vector<16xi32>,
        tpu.vector_store %arg17[%swap3A_328, %swap3A_329], %bitcast3A_327 {strides = array<i32>} : memref<40x192xi32, #tpu.memory_space<vmem>>, vector<16xi32>,
        %get3A_331 = arith.index_cast %add3A_266 : i32 to index
        %get3A_332 = arith.constant 64 : index
        %get3A_333 = tpu.vector_load %arg11[%get3A_331, %get3A_332] {strides = array<i32>} : memref<40x256xi32, #tpu.memory_space<vmem>>, vector<16xi32>,
        %bitcast3A_334 = vector.bitcast %get3A_333 : vector<16xi32> to vector<32xbf16>
        %get3A_335 = arith.index_cast %add3A_266 : i32 to index
        %get3A_336 = arith.constant 64 : index
        %get3A_337 = tpu.vector_load %arg15[%get3A_335, %get3A_336] {strides = array<i32>} : memref<40x256xi32, #tpu.memory_space<vmem>>, vector<16xi32>,
        %bitcast3A_338 = vector.bitcast %get3A_337 : vector<16xi32> to vector<32xbf16>
        %mul3A_339 = arith.mulf %bitcast3A_334, %bitcast3A_338 : vector<32xbf16>
        %bitcast3A_340 = vector.bitcast %mul3A_339 : vector<32xbf16> to vector<16xi32>
        %swap3A_341 = arith.index_cast %add3A_266 : i32 to index
        %swap3A_342 = arith.constant 64 : index
        %swap3A_343 = tpu.vector_load %arg17[%swap3A_341, %swap3A_342] {strides = array<i32>} : memref<40x192xi32, #tpu.memory_space<vmem>>, vector<16xi32>,
        tpu.vector_store %arg17[%swap3A_341, %swap3A_342], %bitcast3A_340 {strides = array<i32>} : memref<40x192xi32, #tpu.memory_space<vmem>>, vector<16xi32>,
        %get3A_344 = arith.index_cast %add3A_266 : i32 to index
        %get3A_345 = arith.constant 80 : index
        %get3A_346 = tpu.vector_load %arg11[%get3A_344, %get3A_345] {strides = array<i32>} : memref<40x256xi32, #tpu.memory_space<vmem>>, vector<16xi32>,
        %bitcast3A_347 = vector.bitcast %get3A_346 : vector<16xi32> to vector<32xbf16>
        %get3A_348 = arith.index_cast %add3A_266 : i32 to index
        %get3A_349 = arith.constant 80 : index
        %get3A_350 = tpu.vector_load %arg15[%get3A_348, %get3A_349] {strides = array<i32>} : memref<40x256xi32, #tpu.memory_space<vmem>>, vector<16xi32>,
        %bitcast3A_351 = vector.bitcast %get3A_350 : vector<16xi32> to vector<32xbf16>
        %mul3A_352 = arith.mulf %bitcast3A_347, %bitcast3A_351 : vector<32xbf16>
        %bitcast3A_353 = vector.bitcast %mul3A_352 : vector<32xbf16> to vector<16xi32>
        %swap3A_354 = arith.index_cast %add3A_266 : i32 to index
        %swap3A_355 = arith.constant 80 : index
        %swap3A_356 = tpu.vector_load %arg17[%swap3A_354, %swap3A_355] {strides = array<i32>} : memref<40x192xi32, #tpu.memory_space<vmem>>, vector<16xi32>,
        tpu.vector_store %arg17[%swap3A_354, %swap3A_355], %bitcast3A_353 {strides = array<i32>} : memref<40x192xi32, #tpu.memory_space<vmem>>, vector<16xi32>,
        %get3A_357 = arith.index_cast %add3A_266 : i32 to index
        %get3A_358 = arith.constant 96 : index
        %get3A_359 = tpu.vector_load %arg11[%get3A_357, %get3A_358] {strides = array<i32>} : memref<40x256xi32, #tpu.memory_space<vmem>>, vector<16xi32>,
        %bitcast3A_360 = vector.bitcast %get3A_359 : vector<16xi32> to vector<32xbf16>
        %get3A_361 = arith.index_cast %add3A_266 : i32 to index
        %get3A_362 = arith.constant 96 : index
        %get3A_363 = tpu.vector_load %arg15[%get3A_361, %get3A_362] {strides = array<i32>} : memref<40x256xi32, #tpu.memory_space<vmem>>, vector<16xi32>,
        %bitcast3A_364 = vector.bitcast %get3A_363 : vector<16xi32> to vector<32xbf16>
        %mul3A_365 = arith.mulf %bitcast3A_360, %bitcast3A_364 : vector<32xbf16>
        %bitcast3A_366 = vector.bitcast %mul3A_365 : vector<32xbf16> to vector<16xi32>
        %swap3A_367 = arith.index_cast %add3A_266 : i32 to index
        %swap3A_368 = arith.constant 96 : index
        %swap3A_369 = tpu.vector_load %arg17[%swap3A_367, %swap3A_368] {strides = array<i32>} : memref<40x192xi32, #tpu.memory_space<vmem>>, vector<16xi32>,
        tpu.vector_store %arg17[%swap3A_367, %swap3A_368], %bitcast3A_366 {strides = array<i32>} : memref<40x192xi32, #tpu.memory_space<vmem>>, vector<16xi32>,
        %get3A_370 = arith.index_cast %add3A_266 : i32 to index
        %get3A_371 = arith.constant 112 : index
        %get3A_372 = tpu.vector_load %arg11[%get3A_370, %get3A_371] {strides = array<i32>} : memref<40x256xi32, #tpu.memory_space<vmem>>, vector<16xi32>,
        %bitcast3A_373 = vector.bitcast %get3A_372 : vector<16xi32> to vector<32xbf16>
        %get3A_374 = arith.index_cast %add3A_266 : i32 to index
        %get3A_375 = arith.constant 112 : index
        %get3A_376 = tpu.vector_load %arg15[%get3A_374, %get3A_375] {strides = array<i32>} : memref<40x256xi32, #tpu.memory_space<vmem>>, vector<16xi32>,
        %bitcast3A_377 = vector.bitcast %get3A_376 : vector<16xi32> to vector<32xbf16>
        %mul3A_378 = arith.mulf %bitcast3A_373, %bitcast3A_377 : vector<32xbf16>
        %bitcast3A_379 = vector.bitcast %mul3A_378 : vector<32xbf16> to vector<16xi32>
        %swap3A_380 = arith.index_cast %add3A_266 : i32 to index
        %swap3A_381 = arith.constant 112 : index
        %swap3A_382 = tpu.vector_load %arg17[%swap3A_380, %swap3A_381] {strides = array<i32>} : memref<40x192xi32, #tpu.memory_space<vmem>>, vector<16xi32>,
        tpu.vector_store %arg17[%swap3A_380, %swap3A_381], %bitcast3A_379 {strides = array<i32>} : memref<40x192xi32, #tpu.memory_space<vmem>>, vector<16xi32>,
        %get3A_383 = arith.index_cast %add3A_266 : i32 to index
        %get3A_384 = arith.constant 128 : index
        %get3A_385 = tpu.vector_load %arg11[%get3A_383, %get3A_384] {strides = array<i32>} : memref<40x256xi32, #tpu.memory_space<vmem>>, vector<16xi32>,
        %bitcast3A_386 = vector.bitcast %get3A_385 : vector<16xi32> to vector<32xbf16>
        %get3A_387 = arith.index_cast %add3A_266 : i32 to index
        %get3A_388 = arith.constant 128 : index
        %get3A_389 = tpu.vector_load %arg15[%get3A_387, %get3A_388] {strides = array<i32>} : memref<40x256xi32, #tpu.memory_space<vmem>>, vector<16xi32>,
        %bitcast3A_390 = vector.bitcast %get3A_389 : vector<16xi32> to vector<32xbf16>
        %mul3A_391 = arith.mulf %bitcast3A_386, %bitcast3A_390 : vector<32xbf16>
        %bitcast3A_392 = vector.bitcast %mul3A_391 : vector<32xbf16> to vector<16xi32>
        %swap3A_393 = arith.index_cast %add3A_266 : i32 to index
        %swap3A_394 = arith.constant 128 : index
        %swap3A_395 = tpu.vector_load %arg17[%swap3A_393, %swap3A_394] {strides = array<i32>} : memref<40x192xi32, #tpu.memory_space<vmem>>, vector<16xi32>,
        tpu.vector_store %arg17[%swap3A_393, %swap3A_394], %bitcast3A_392 {strides = array<i32>} : memref<40x192xi32, #tpu.memory_space<vmem>>, vector<16xi32>,
        %get3A_396 = arith.index_cast %add3A_266 : i32 to index
        %get3A_397 = arith.constant 144 : index
        %get3A_398 = tpu.vector_load %arg11[%get3A_396, %get3A_397] {strides = array<i32>} : memref<40x256xi32, #tpu.memory_space<vmem>>, vector<16xi32>,
        %bitcast3A_399 = vector.bitcast %get3A_398 : vector<16xi32> to vector<32xbf16>
        %get3A_400 = arith.index_cast %add3A_266 : i32 to index
        %get3A_401 = arith.constant 144 : index
        %get3A_402 = tpu.vector_load %arg15[%get3A_400, %get3A_401] {strides = array<i32>} : memref<40x256xi32, #tpu.memory_space<vmem>>, vector<16xi32>,
        %bitcast3A_403 = vector.bitcast %get3A_402 : vector<16xi32> to vector<32xbf16>
        %mul3A_404 = arith.mulf %bitcast3A_399, %bitcast3A_403 : vector<32xbf16>
        %bitcast3A_405 = vector.bitcast %mul3A_404 : vector<32xbf16> to vector<16xi32>
        %swap3A_406 = arith.index_cast %add3A_266 : i32 to index
        %swap3A_407 = arith.constant 144 : index
        %swap3A_408 = tpu.vector_load %arg17[%swap3A_406, %swap3A_407] {strides = array<i32>} : memref<40x192xi32, #tpu.memory_space<vmem>>, vector<16xi32>,
        tpu.vector_store %arg17[%swap3A_406, %swap3A_407], %bitcast3A_405 {strides = array<i32>} : memref<40x192xi32, #tpu.memory_space<vmem>>, vector<16xi32>,
        %get3A_409 = arith.index_cast %add3A_266 : i32 to index
        %get3A_410 = arith.constant 160 : index
        %get3A_411 = tpu.vector_load %arg11[%get3A_409, %get3A_410] {strides = array<i32>} : memref<40x256xi32, #tpu.memory_space<vmem>>, vector<16xi32>,
        %bitcast3A_412 = vector.bitcast %get3A_411 : vector<16xi32> to vector<32xbf16>
        %get3A_413 = arith.index_cast %add3A_266 : i32 to index
        %get3A_414 = arith.constant 160 : index
        %get3A_415 = tpu.vector_load %arg15[%get3A_413, %get3A_414] {strides = array<i32>} : memref<40x256xi32, #tpu.memory_space<vmem>>, vector<16xi32>,
        %bitcast3A_416 = vector.bitcast %get3A_415 : vector<16xi32> to vector<32xbf16>
        %mul3A_417 = arith.mulf %bitcast3A_412, %bitcast3A_416 : vector<32xbf16>
        %bitcast3A_418 = vector.bitcast %mul3A_417 : vector<32xbf16> to vector<16xi32>
        %swap3A_419 = arith.index_cast %add3A_266 : i32 to index
        %swap3A_420 = arith.constant 160 : index
        %swap3A_421 = tpu.vector_load %arg17[%swap3A_419, %swap3A_420] {strides = array<i32>} : memref<40x192xi32, #tpu.memory_space<vmem>>, vector<16xi32>,
        tpu.vector_store %arg17[%swap3A_419, %swap3A_420], %bitcast3A_418 {strides = array<i32>} : memref<40x192xi32, #tpu.memory_space<vmem>>, vector<16xi32>,
        %get3A_422 = arith.index_cast %add3A_266 : i32 to index
        %get3A_423 = arith.constant 176 : index
        %get3A_424 = tpu.vector_load %arg11[%get3A_422, %get3A_423] {strides = array<i32>} : memref<40x256xi32, #tpu.memory_space<vmem>>, vector<16xi32>,
        %bitcast3A_425 = vector.bitcast %get3A_424 : vector<16xi32> to vector<32xbf16>
        %get3A_426 = arith.index_cast %add3A_266 : i32 to index
        %get3A_427 = arith.constant 176 : index
        %get3A_428 = tpu.vector_load %arg15[%get3A_426, %get3A_427] {strides = array<i32>} : memref<40x256xi32, #tpu.memory_space<vmem>>, vector<16xi32>,
        %bitcast3A_429 = vector.bitcast %get3A_428 : vector<16xi32> to vector<32xbf16>
        %mul3A_430 = arith.mulf %bitcast3A_425, %bitcast3A_429 : vector<32xbf16>
        %bitcast3A_431 = vector.bitcast %mul3A_430 : vector<32xbf16> to vector<16xi32>
        %swap3A_432 = arith.index_cast %add3A_266 : i32 to index
        %swap3A_433 = arith.constant 176 : index
        %swap3A_434 = tpu.vector_load %arg17[%swap3A_432, %swap3A_433] {strides = array<i32>} : memref<40x192xi32, #tpu.memory_space<vmem>>, vector<16xi32>,
        tpu.vector_store %arg17[%swap3A_432, %swap3A_433], %bitcast3A_431 {strides = array<i32>} : memref<40x192xi32, #tpu.memory_space<vmem>>, vector<16xi32>,
      }
      %scan3A_247 = arith.constant 40 : i32
      %mul3A_248 = arith.constant 40 : i32
      %mul3A_249 = arith.muli %add3A_225, %mul3A_248 : i32
      %add3A_250 = arith.addi %mul3A_2, %mul3A_249 : i32
      %dma_start3A_251 = arith.constant 0 : i32
      %dma_start3A_252 = tpu.memref_slice %arg5[%add3A_250, %dma_start3A_251] : memref<320000x192xi32, #tpu.memory_space<hbm>> -> memref<40x192xi32, #tpu.memory_space<hbm>>
      %dma_start3A_253 = arith.constant 0 : i32
      %dma_start3A_254 = tpu.memref_slice %arg5[%add3A_250, %dma_start3A_253] : memref<320000x192xi32, #tpu.memory_space<hbm>> -> memref<40x192xi32, #tpu.memory_space<hbm>>
      tpu.enqueue_dma source(%arg17 : memref<40x192xi32, #tpu.memory_space<vmem>>) target(%dma_start3A_254 : memref<40x192xi32, #tpu.memory_space<hbm>>) target_semaphore(%arg27 : memref<!tpu.dma_semaphore, #tpu.memory_space<semaphore_mem>>)
      %add3A_255 = arith.constant 4 : i32
      %add3A_256 = arith.addi %add3A_225, %add3A_255 : i32
      %lt3A_257 = arith.constant 250 : i32
      %lt3A_258 = arith.cmpi slt, %add3A_256, %lt3A_257 : i32
      %convert_element_type3A_259 = arith.extui %lt3A_258 : i1 to i32
      %cond3A_260 = arith.constant 0 : i32
      %cond3A_261 = arith.cmpi ne, %convert_element_type3A_259, %cond3A_260 : i32
      scf.if %cond3A_261 {
        %add3A_262 = arith.constant 4 : i32
        %add3A_263 = arith.addi %add3A_225, %add3A_262 : i32
        %mul3A_264 = arith.constant 40 : i32
        %mul3A_265 = arith.muli %add3A_263, %mul3A_264 : i32
        %dma_start3A_266 = tpu.memref_slice %arg6[%mul3A_265] : memref<10000xi32, #tpu.memory_space<vmem>> -> memref<40xi32, #tpu.memory_space<vmem>>
        %dma_start3A_267 = arith.constant 0 : i32
        %dma_start3A_268 = arith.constant 0 : i32
        %dma_start3A_269 = tpu.memref_slice %arg2[%dma_start3A_267, %dma_start3A_268] : memref<10000x256xi32, #tpu.memory_space<hbm>> -> memref<10000x256xi32, #tpu.memory_space<hbm>>
        tpu.enqueue_indirect_dma source(%dma_start3A_269 : memref<10000x256xi32, #tpu.memory_space<hbm>>) target(%arg11 : memref<40x256xi32, #tpu.memory_space<vmem>>) offsets(%dma_start3A_266 : memref<40xi32, #tpu.memory_space<vmem>>) semaphore(%arg21 : memref<!tpu.dma_semaphore, #tpu.memory_space<semaphore_mem>>)
        %dma_start3A_270 = tpu.memref_slice %arg7[%mul3A_265] : memref<10000xi32, #tpu.memory_space<vmem>> -> memref<40xi32, #tpu.memory_space<vmem>>
        %dma_start3A_271 = arith.constant 0 : i32
        %dma_start3A_272 = arith.constant 0 : i32
        %dma_start3A_273 = tpu.memref_slice %arg3[%dma_start3A_271, %dma_start3A_272] : memref<10000x256xi32, #tpu.memory_space<hbm>> -> memref<10000x256xi32, #tpu.memory_space<hbm>>
        tpu.enqueue_indirect_dma source(%dma_start3A_273 : memref<10000x256xi32, #tpu.memory_space<hbm>>) target(%arg15 : memref<40x256xi32, #tpu.memory_space<vmem>>) offsets(%dma_start3A_270 : memref<40xi32, #tpu.memory_space<vmem>>) semaphore(%arg25 : memref<!tpu.dma_semaphore, #tpu.memory_space<semaphore_mem>>)
      } else {
      }
    }
    %scan3A_47 = arith.constant 62 : i32
    %dma_wait3A = arith.constant 0 : i32
    %dma_wait3A_48 = arith.constant 0 : i32
    %dma_wait3A_49 = tpu.memref_slice %arg2[%dma_wait3A, %dma_wait3A_48] : memref<10000x256xi32, #tpu.memory_space<hbm>> -> memref<40x256xi32, #tpu.memory_space<hbm>>
    %dma_wait3A_50 = arith.constant 0 : i32
    %dma_wait3A_51 = arith.constant 0 : i32
    %dma_wait3A_52 = tpu.memref_slice %arg2[%dma_wait3A_50, %dma_wait3A_51] : memref<10000x256xi32, #tpu.memory_space<hbm>> -> memref<40x256xi32, #tpu.memory_space<hbm>>
    tpu.wait_dma2 semaphore(%arg18 : memref<!tpu.dma_semaphore, #tpu.memory_space<semaphore_mem>>) src(%dma_wait3A_52 : memref<40x256xi32, #tpu.memory_space<hbm>>) dst(%arg8 : memref<40x256xi32, #tpu.memory_space<vmem>>)
    %dma_wait3A_53 = arith.constant 0 : i32
    %dma_wait3A_54 = arith.constant 0 : i32
    %dma_wait3A_55 = tpu.memref_slice %arg2[%dma_wait3A_53, %dma_wait3A_54] : memref<10000x256xi32, #tpu.memory_space<hbm>> -> memref<40x256xi32, #tpu.memory_space<hbm>>
    %dma_wait3A_56 = arith.constant 0 : i32
    %dma_wait3A_57 = arith.constant 0 : i32
    %dma_wait3A_58 = tpu.memref_slice %arg2[%dma_wait3A_56, %dma_wait3A_57] : memref<10000x256xi32, #tpu.memory_space<hbm>> -> memref<40x256xi32, #tpu.memory_space<hbm>>
    tpu.wait_dma2 semaphore(%arg22 : memref<!tpu.dma_semaphore, #tpu.memory_space<semaphore_mem>>) src(%dma_wait3A_58 : memref<40x256xi32, #tpu.memory_space<hbm>>) dst(%arg12 : memref<40x256xi32, #tpu.memory_space<vmem>>)
    %dma_wait3A_59 = arith.constant 0 : i32
    %dma_wait3A_60 = tpu.memref_slice %arg5[%mul3A_2, %dma_wait3A_59] : memref<320000x192xi32, #tpu.memory_space<hbm>> -> memref<40x192xi32, #tpu.memory_space<hbm>>
    %dma_wait3A_61 = arith.constant 0 : i32
    %dma_wait3A_62 = tpu.memref_slice %arg5[%mul3A_2, %dma_wait3A_61] : memref<320000x192xi32, #tpu.memory_space<hbm>> -> memref<40x192xi32, #tpu.memory_space<hbm>>
    tpu.wait_dma2 semaphore(%arg26 : memref<!tpu.dma_semaphore, #tpu.memory_space<semaphore_mem>>) src(%arg16 : memref<40x192xi32, #tpu.memory_space<vmem>>) dst(%dma_wait3A_62 : memref<40x192xi32, #tpu.memory_space<hbm>>)
    %scan3A_63 = arith.constant 0 : i32
    %scan3A_64 = arith.constant 40 : i32
    %scan3A_65 = arith.addi %scan3A_63, %scan3A_64 : i32
    %scan3A_66 = arith.constant 1 : i32
    scf.for %scan3A_109 = %scan3A_63 to %scan3A_65 step %scan3A_66  : i32 {
      %mul3A_110 = arith.constant 1 : i32
      %mul3A_111 = arith.muli %scan3A_109, %mul3A_110 : i32
      %add3A_112 = arith.constant 0 : i32
      %add3A_113 = arith.addi %add3A_112, %mul3A_111 : i32
      %get3A = arith.index_cast %add3A_113 : i32 to index
      %get3A_114 = arith.constant 0 : index
      %get3A_115 = tpu.vector_load %arg8[%get3A, %get3A_114] {strides = array<i32>} : memref<40x256xi32, #tpu.memory_space<vmem>>, vector<16xi32>,
      %bitcast3A = vector.bitcast %get3A_115 : vector<16xi32> to vector<32xbf16>
      %get3A_116 = arith.index_cast %add3A_113 : i32 to index
      %get3A_117 = arith.constant 0 : index
      %get3A_118 = tpu.vector_load %arg12[%get3A_116, %get3A_117] {strides = array<i32>} : memref<40x256xi32, #tpu.memory_space<vmem>>, vector<16xi32>,
      %bitcast3A_119 = vector.bitcast %get3A_118 : vector<16xi32> to vector<32xbf16>
      %add3A_120 = arith.addf %bitcast3A, %bitcast3A_119 : vector<32xbf16>
      %mul3A_121 = arith.constant 1.000980e-02 : bf16
      %mul3A_122 = vector.broadcast %mul3A_121 : bf16 to vector<32xbf16>
      %mul3A_123 = arith.mulf %mul3A_122, %add3A_120 : vector<32xbf16>
      %max3A = arith.maximumf %add3A_120, %mul3A_123 : vector<32xbf16>
      %bitcast3A_124 = vector.bitcast %max3A : vector<32xbf16> to vector<16xi32>
      %swap3A = arith.index_cast %add3A_113 : i32 to index
      %swap3A_125 = arith.constant 0 : index
      %swap3A_126 = tpu.vector_load %arg16[%swap3A, %swap3A_125] {strides = array<i32>} : memref<40x192xi32, #tpu.memory_space<vmem>>, vector<16xi32>,
      tpu.vector_store %arg16[%swap3A, %swap3A_125], %bitcast3A_124 {strides = array<i32>} : memref<40x192xi32, #tpu.memory_space<vmem>>, vector<16xi32>,
      %get3A_127 = arith.index_cast %add3A_113 : i32 to index
      %get3A_128 = arith.constant 16 : index
      %get3A_129 = tpu.vector_load %arg8[%get3A_127, %get3A_128] {strides = array<i32>} : memref<40x256xi32, #tpu.memory_space<vmem>>, vector<16xi32>,
      %bitcast3A_130 = vector.bitcast %get3A_129 : vector<16xi32> to vector<32xbf16>
      %get3A_131 = arith.index_cast %add3A_113 : i32 to index
      %get3A_132 = arith.constant 16 : index
      %get3A_133 = tpu.vector_load %arg12[%get3A_131, %get3A_132] {strides = array<i32>} : memref<40x256xi32, #tpu.memory_space<vmem>>, vector<16xi32>,
      %bitcast3A_134 = vector.bitcast %get3A_133 : vector<16xi32> to vector<32xbf16>
      %add3A_135 = arith.addf %bitcast3A_130, %bitcast3A_134 : vector<32xbf16>
      %mul3A_136 = arith.constant 1.000980e-02 : bf16
      %mul3A_137 = vector.broadcast %mul3A_136 : bf16 to vector<32xbf16>
      %mul3A_138 = arith.mulf %mul3A_137, %add3A_135 : vector<32xbf16>
      %max3A_139 = arith.maximumf %add3A_135, %mul3A_138 : vector<32xbf16>
      %bitcast3A_140 = vector.bitcast %max3A_139 : vector<32xbf16> to vector<16xi32>
      %swap3A_141 = arith.index_cast %add3A_113 : i32 to index
      %swap3A_142 = arith.constant 16 : index
      %swap3A_143 = tpu.vector_load %arg16[%swap3A_141, %swap3A_142] {strides = array<i32>} : memref<40x192xi32, #tpu.memory_space<vmem>>, vector<16xi32>,
      tpu.vector_store %arg16[%swap3A_141, %swap3A_142], %bitcast3A_140 {strides = array<i32>} : memref<40x192xi32, #tpu.memory_space<vmem>>, vector<16xi32>,
      %get3A_144 = arith.index_cast %add3A_113 : i32 to index
      %get3A_145 = arith.constant 32 : index
      %get3A_146 = tpu.vector_load %arg8[%get3A_144, %get3A_145] {strides = array<i32>} : memref<40x256xi32, #tpu.memory_space<vmem>>, vector<16xi32>,
      %bitcast3A_147 = vector.bitcast %get3A_146 : vector<16xi32> to vector<32xbf16>
      %get3A_148 = arith.index_cast %add3A_113 : i32 to index
      %get3A_149 = arith.constant 32 : index
      %get3A_150 = tpu.vector_load %arg12[%get3A_148, %get3A_149] {strides = array<i32>} : memref<40x256xi32, #tpu.memory_space<vmem>>, vector<16xi32>,
      %bitcast3A_151 = vector.bitcast %get3A_150 : vector<16xi32> to vector<32xbf16>
      %add3A_152 = arith.addf %bitcast3A_147, %bitcast3A_151 : vector<32xbf16>
      %mul3A_153 = arith.constant 1.000980e-02 : bf16
      %mul3A_154 = vector.broadcast %mul3A_153 : bf16 to vector<32xbf16>
      %mul3A_155 = arith.mulf %mul3A_154, %add3A_152 : vector<32xbf16>
      %max3A_156 = arith.maximumf %add3A_152, %mul3A_155 : vector<32xbf16>
      %bitcast3A_157 = vector.bitcast %max3A_156 : vector<32xbf16> to vector<16xi32>
      %swap3A_158 = arith.index_cast %add3A_113 : i32 to index
      %swap3A_159 = arith.constant 32 : index
      %swap3A_160 = tpu.vector_load %arg16[%swap3A_158, %swap3A_159] {strides = array<i32>} : memref<40x192xi32, #tpu.memory_space<vmem>>, vector<16xi32>,
      tpu.vector_store %arg16[%swap3A_158, %swap3A_159], %bitcast3A_157 {strides = array<i32>} : memref<40x192xi32, #tpu.memory_space<vmem>>, vector<16xi32>,
      %get3A_161 = arith.index_cast %add3A_113 : i32 to index
      %get3A_162 = arith.constant 48 : index
      %get3A_163 = tpu.vector_load %arg8[%get3A_161, %get3A_162] {strides = array<i32>} : memref<40x256xi32, #tpu.memory_space<vmem>>, vector<16xi32>,
      %bitcast3A_164 = vector.bitcast %get3A_163 : vector<16xi32> to vector<32xbf16>
      %get3A_165 = arith.index_cast %add3A_113 : i32 to index
      %get3A_166 = arith.constant 48 : index
      %get3A_167 = tpu.vector_load %arg12[%get3A_165, %get3A_166] {strides = array<i32>} : memref<40x256xi32, #tpu.memory_space<vmem>>, vector<16xi32>,
      %bitcast3A_168 = vector.bitcast %get3A_167 : vector<16xi32> to vector<32xbf16>
      %add3A_169 = arith.addf %bitcast3A_164, %bitcast3A_168 : vector<32xbf16>
      %mul3A_170 = arith.constant 1.000980e-02 : bf16
      %mul3A_171 = vector.broadcast %mul3A_170 : bf16 to vector<32xbf16>
      %mul3A_172 = arith.mulf %mul3A_171, %add3A_169 : vector<32xbf16>
      %max3A_173 = arith.maximumf %add3A_169, %mul3A_172 : vector<32xbf16>
      %bitcast3A_174 = vector.bitcast %max3A_173 : vector<32xbf16> to vector<16xi32>
      %swap3A_175 = arith.index_cast %add3A_113 : i32 to index
      %swap3A_176 = arith.constant 48 : index
      %swap3A_177 = tpu.vector_load %arg16[%swap3A_175, %swap3A_176] {strides = array<i32>} : memref<40x192xi32, #tpu.memory_space<vmem>>, vector<16xi32>,
      tpu.vector_store %arg16[%swap3A_175, %swap3A_176], %bitcast3A_174 {strides = array<i32>} : memref<40x192xi32, #tpu.memory_space<vmem>>, vector<16xi32>,
      %get3A_178 = arith.index_cast %add3A_113 : i32 to index
      %get3A_179 = arith.constant 64 : index
      %get3A_180 = tpu.vector_load %arg8[%get3A_178, %get3A_179] {strides = array<i32>} : memref<40x256xi32, #tpu.memory_space<vmem>>, vector<16xi32>,
      %bitcast3A_181 = vector.bitcast %get3A_180 : vector<16xi32> to vector<32xbf16>
      %get3A_182 = arith.index_cast %add3A_113 : i32 to index
      %get3A_183 = arith.constant 64 : index
      %get3A_184 = tpu.vector_load %arg12[%get3A_182, %get3A_183] {strides = array<i32>} : memref<40x256xi32, #tpu.memory_space<vmem>>, vector<16xi32>,
      %bitcast3A_185 = vector.bitcast %get3A_184 : vector<16xi32> to vector<32xbf16>
      %mul3A_186 = arith.mulf %bitcast3A_181, %bitcast3A_185 : vector<32xbf16>
      %bitcast3A_187 = vector.bitcast %mul3A_186 : vector<32xbf16> to vector<16xi32>
      %swap3A_188 = arith.index_cast %add3A_113 : i32 to index
      %swap3A_189 = arith.constant 64 : index
      %swap3A_190 = tpu.vector_load %arg16[%swap3A_188, %swap3A_189] {strides = array<i32>} : memref<40x192xi32, #tpu.memory_space<vmem>>, vector<16xi32>,
      tpu.vector_store %arg16[%swap3A_188, %swap3A_189], %bitcast3A_187 {strides = array<i32>} : memref<40x192xi32, #tpu.memory_space<vmem>>, vector<16xi32>,
      %get3A_191 = arith.index_cast %add3A_113 : i32 to index
      %get3A_192 = arith.constant 80 : index
      %get3A_193 = tpu.vector_load %arg8[%get3A_191, %get3A_192] {strides = array<i32>} : memref<40x256xi32, #tpu.memory_space<vmem>>, vector<16xi32>,
      %bitcast3A_194 = vector.bitcast %get3A_193 : vector<16xi32> to vector<32xbf16>
      %get3A_195 = arith.index_cast %add3A_113 : i32 to index
      %get3A_196 = arith.constant 80 : index
      %get3A_197 = tpu.vector_load %arg12[%get3A_195, %get3A_196] {strides = array<i32>} : memref<40x256xi32, #tpu.memory_space<vmem>>, vector<16xi32>,
      %bitcast3A_198 = vector.bitcast %get3A_197 : vector<16xi32> to vector<32xbf16>
      %mul3A_199 = arith.mulf %bitcast3A_194, %bitcast3A_198 : vector<32xbf16>
      %bitcast3A_200 = vector.bitcast %mul3A_199 : vector<32xbf16> to vector<16xi32>
      %swap3A_201 = arith.index_cast %add3A_113 : i32 to index
      %swap3A_202 = arith.constant 80 : index
      %swap3A_203 = tpu.vector_load %arg16[%swap3A_201, %swap3A_202] {strides = array<i32>} : memref<40x192xi32, #tpu.memory_space<vmem>>, vector<16xi32>,
      tpu.vector_store %arg16[%swap3A_201, %swap3A_202], %bitcast3A_200 {strides = array<i32>} : memref<40x192xi32, #tpu.memory_space<vmem>>, vector<16xi32>,
      %get3A_204 = arith.index_cast %add3A_113 : i32 to index
      %get3A_205 = arith.constant 96 : index
      %get3A_206 = tpu.vector_load %arg8[%get3A_204, %get3A_205] {strides = array<i32>} : memref<40x256xi32, #tpu.memory_space<vmem>>, vector<16xi32>,
      %bitcast3A_207 = vector.bitcast %get3A_206 : vector<16xi32> to vector<32xbf16>
      %get3A_208 = arith.index_cast %add3A_113 : i32 to index
      %get3A_209 = arith.constant 96 : index
      %get3A_210 = tpu.vector_load %arg12[%get3A_208, %get3A_209] {strides = array<i32>} : memref<40x256xi32, #tpu.memory_space<vmem>>, vector<16xi32>,
      %bitcast3A_211 = vector.bitcast %get3A_210 : vector<16xi32> to vector<32xbf16>
      %mul3A_212 = arith.mulf %bitcast3A_207, %bitcast3A_211 : vector<32xbf16>
      %bitcast3A_213 = vector.bitcast %mul3A_212 : vector<32xbf16> to vector<16xi32>
      %swap3A_214 = arith.index_cast %add3A_113 : i32 to index
      %swap3A_215 = arith.constant 96 : index
      %swap3A_216 = tpu.vector_load %arg16[%swap3A_214, %swap3A_215] {strides = array<i32>} : memref<40x192xi32, #tpu.memory_space<vmem>>, vector<16xi32>,
      tpu.vector_store %arg16[%swap3A_214, %swap3A_215], %bitcast3A_213 {strides = array<i32>} : memref<40x192xi32, #tpu.memory_space<vmem>>, vector<16xi32>,
      %get3A_217 = arith.index_cast %add3A_113 : i32 to index
      %get3A_218 = arith.constant 112 : index
      %get3A_219 = tpu.vector_load %arg8[%get3A_217, %get3A_218] {strides = array<i32>} : memref<40x256xi32, #tpu.memory_space<vmem>>, vector<16xi32>,
      %bitcast3A_220 = vector.bitcast %get3A_219 : vector<16xi32> to vector<32xbf16>
      %get3A_221 = arith.index_cast %add3A_113 : i32 to index
      %get3A_222 = arith.constant 112 : index
      %get3A_223 = tpu.vector_load %arg12[%get3A_221, %get3A_222] {strides = array<i32>} : memref<40x256xi32, #tpu.memory_space<vmem>>, vector<16xi32>,
      %bitcast3A_224 = vector.bitcast %get3A_223 : vector<16xi32> to vector<32xbf16>
      %mul3A_225 = arith.mulf %bitcast3A_220, %bitcast3A_224 : vector<32xbf16>
      %bitcast3A_226 = vector.bitcast %mul3A_225 : vector<32xbf16> to vector<16xi32>
      %swap3A_227 = arith.index_cast %add3A_113 : i32 to index
      %swap3A_228 = arith.constant 112 : index
      %swap3A_229 = tpu.vector_load %arg16[%swap3A_227, %swap3A_228] {strides = array<i32>} : memref<40x192xi32, #tpu.memory_space<vmem>>, vector<16xi32>,
      tpu.vector_store %arg16[%swap3A_227, %swap3A_228], %bitcast3A_226 {strides = array<i32>} : memref<40x192xi32, #tpu.memory_space<vmem>>, vector<16xi32>,
      %get3A_230 = arith.index_cast %add3A_113 : i32 to index
      %get3A_231 = arith.constant 128 : index
      %get3A_232 = tpu.vector_load %arg8[%get3A_230, %get3A_231] {strides = array<i32>} : memref<40x256xi32, #tpu.memory_space<vmem>>, vector<16xi32>,
      %bitcast3A_233 = vector.bitcast %get3A_232 : vector<16xi32> to vector<32xbf16>
      %get3A_234 = arith.index_cast %add3A_113 : i32 to index
      %get3A_235 = arith.constant 128 : index
      %get3A_236 = tpu.vector_load %arg12[%get3A_234, %get3A_235] {strides = array<i32>} : memref<40x256xi32, #tpu.memory_space<vmem>>, vector<16xi32>,
      %bitcast3A_237 = vector.bitcast %get3A_236 : vector<16xi32> to vector<32xbf16>
      %mul3A_238 = arith.mulf %bitcast3A_233, %bitcast3A_237 : vector<32xbf16>
      %bitcast3A_239 = vector.bitcast %mul3A_238 : vector<32xbf16> to vector<16xi32>
      %swap3A_240 = arith.index_cast %add3A_113 : i32 to index
      %swap3A_241 = arith.constant 128 : index
      %swap3A_242 = tpu.vector_load %arg16[%swap3A_240, %swap3A_241] {strides = array<i32>} : memref<40x192xi32, #tpu.memory_space<vmem>>, vector<16xi32>,
      tpu.vector_store %arg16[%swap3A_240, %swap3A_241], %bitcast3A_239 {strides = array<i32>} : memref<40x192xi32, #tpu.memory_space<vmem>>, vector<16xi32>,
      %get3A_243 = arith.index_cast %add3A_113 : i32 to index
      %get3A_244 = arith.constant 144 : index
      %get3A_245 = tpu.vector_load %arg8[%get3A_243, %get3A_244] {strides = array<i32>} : memref<40x256xi32, #tpu.memory_space<vmem>>, vector<16xi32>,
      %bitcast3A_246 = vector.bitcast %get3A_245 : vector<16xi32> to vector<32xbf16>
      %get3A_247 = arith.index_cast %add3A_113 : i32 to index
      %get3A_248 = arith.constant 144 : index
      %get3A_249 = tpu.vector_load %arg12[%get3A_247, %get3A_248] {strides = array<i32>} : memref<40x256xi32, #tpu.memory_space<vmem>>, vector<16xi32>,
      %bitcast3A_250 = vector.bitcast %get3A_249 : vector<16xi32> to vector<32xbf16>
      %mul3A_251 = arith.mulf %bitcast3A_246, %bitcast3A_250 : vector<32xbf16>
      %bitcast3A_252 = vector.bitcast %mul3A_251 : vector<32xbf16> to vector<16xi32>
      %swap3A_253 = arith.index_cast %add3A_113 : i32 to index
      %swap3A_254 = arith.constant 144 : index
      %swap3A_255 = tpu.vector_load %arg16[%swap3A_253, %swap3A_254] {strides = array<i32>} : memref<40x192xi32, #tpu.memory_space<vmem>>, vector<16xi32>,
      tpu.vector_store %arg16[%swap3A_253, %swap3A_254], %bitcast3A_252 {strides = array<i32>} : memref<40x192xi32, #tpu.memory_space<vmem>>, vector<16xi32>,
      %get3A_256 = arith.index_cast %add3A_113 : i32 to index
      %get3A_257 = arith.constant 160 : index
      %get3A_258 = tpu.vector_load %arg8[%get3A_256, %get3A_257] {strides = array<i32>} : memref<40x256xi32, #tpu.memory_space<vmem>>, vector<16xi32>,
      %bitcast3A_259 = vector.bitcast %get3A_258 : vector<16xi32> to vector<32xbf16>
      %get3A_260 = arith.index_cast %add3A_113 : i32 to index
      %get3A_261 = arith.constant 160 : index
      %get3A_262 = tpu.vector_load %arg12[%get3A_260, %get3A_261] {strides = array<i32>} : memref<40x256xi32, #tpu.memory_space<vmem>>, vector<16xi32>,
      %bitcast3A_263 = vector.bitcast %get3A_262 : vector<16xi32> to vector<32xbf16>
      %mul3A_264 = arith.mulf %bitcast3A_259, %bitcast3A_263 : vector<32xbf16>
      %bitcast3A_265 = vector.bitcast %mul3A_264 : vector<32xbf16> to vector<16xi32>
      %swap3A_266 = arith.index_cast %add3A_113 : i32 to index
      %swap3A_267 = arith.constant 160 : index
      %swap3A_268 = tpu.vector_load %arg16[%swap3A_266, %swap3A_267] {strides = array<i32>} : memref<40x192xi32, #tpu.memory_space<vmem>>, vector<16xi32>,
      tpu.vector_store %arg16[%swap3A_266, %swap3A_267], %bitcast3A_265 {strides = array<i32>} : memref<40x192xi32, #tpu.memory_space<vmem>>, vector<16xi32>,
      %get3A_269 = arith.index_cast %add3A_113 : i32 to index
      %get3A_270 = arith.constant 176 : index
      %get3A_271 = tpu.vector_load %arg8[%get3A_269, %get3A_270] {strides = array<i32>} : memref<40x256xi32, #tpu.memory_space<vmem>>, vector<16xi32>,
      %bitcast3A_272 = vector.bitcast %get3A_271 : vector<16xi32> to vector<32xbf16>
      %get3A_273 = arith.index_cast %add3A_113 : i32 to index
      %get3A_274 = arith.constant 176 : index
      %get3A_275 = tpu.vector_load %arg12[%get3A_273, %get3A_274] {strides = array<i32>} : memref<40x256xi32, #tpu.memory_space<vmem>>, vector<16xi32>,
      %bitcast3A_276 = vector.bitcast %get3A_275 : vector<16xi32> to vector<32xbf16>
      %mul3A_277 = arith.mulf %bitcast3A_272, %bitcast3A_276 : vector<32xbf16>
      %bitcast3A_278 = vector.bitcast %mul3A_277 : vector<32xbf16> to vector<16xi32>
      %swap3A_279 = arith.index_cast %add3A_113 : i32 to index
      %swap3A_280 = arith.constant 176 : index
      %swap3A_281 = tpu.vector_load %arg16[%swap3A_279, %swap3A_280] {strides = array<i32>} : memref<40x192xi32, #tpu.memory_space<vmem>>, vector<16xi32>,
      tpu.vector_store %arg16[%swap3A_279, %swap3A_280], %bitcast3A_278 {strides = array<i32>} : memref<40x192xi32, #tpu.memory_space<vmem>>, vector<16xi32>,
    }
    %scan3A_67 = arith.constant 40 : i32
    %add3A_68 = arith.constant 9920 : i32
    %add3A_69 = arith.addi %mul3A_2, %add3A_68 : i32
    %dma_start3A_70 = arith.constant 0 : i32
    %dma_start3A_71 = tpu.memref_slice %arg5[%add3A_69, %dma_start3A_70] : memref<320000x192xi32, #tpu.memory_space<hbm>> -> memref<40x192xi32, #tpu.memory_space<hbm>>
    %dma_start3A_72 = arith.constant 0 : i32
    %dma_start3A_73 = tpu.memref_slice %arg5[%add3A_69, %dma_start3A_72] : memref<320000x192xi32, #tpu.memory_space<hbm>> -> memref<40x192xi32, #tpu.memory_space<hbm>>
    tpu.enqueue_dma source(%arg16 : memref<40x192xi32, #tpu.memory_space<vmem>>) target(%dma_start3A_73 : memref<40x192xi32, #tpu.memory_space<hbm>>) target_semaphore(%arg26 : memref<!tpu.dma_semaphore, #tpu.memory_space<semaphore_mem>>)
    %dma_wait3A_74 = arith.constant 0 : i32
    %dma_wait3A_75 = arith.constant 0 : i32
    %dma_wait3A_76 = tpu.memref_slice %arg2[%dma_wait3A_74, %dma_wait3A_75] : memref<10000x256xi32, #tpu.memory_space<hbm>> -> memref<40x256xi32, #tpu.memory_space<hbm>>
    %dma_wait3A_77 = arith.constant 0 : i32
    %dma_wait3A_78 = arith.constant 0 : i32
    %dma_wait3A_79 = tpu.memref_slice %arg2[%dma_wait3A_77, %dma_wait3A_78] : memref<10000x256xi32, #tpu.memory_space<hbm>> -> memref<40x256xi32, #tpu.memory_space<hbm>>
    tpu.wait_dma2 semaphore(%arg19 : memref<!tpu.dma_semaphore, #tpu.memory_space<semaphore_mem>>) src(%dma_wait3A_79 : memref<40x256xi32, #tpu.memory_space<hbm>>) dst(%arg9 : memref<40x256xi32, #tpu.memory_space<vmem>>)
    %dma_wait3A_80 = arith.constant 0 : i32
    %dma_wait3A_81 = arith.constant 0 : i32
    %dma_wait3A_82 = tpu.memref_slice %arg2[%dma_wait3A_80, %dma_wait3A_81] : memref<10000x256xi32, #tpu.memory_space<hbm>> -> memref<40x256xi32, #tpu.memory_space<hbm>>
    %dma_wait3A_83 = arith.constant 0 : i32
    %dma_wait3A_84 = arith.constant 0 : i32
    %dma_wait3A_85 = tpu.memref_slice %arg2[%dma_wait3A_83, %dma_wait3A_84] : memref<10000x256xi32, #tpu.memory_space<hbm>> -> memref<40x256xi32, #tpu.memory_space<hbm>>
    tpu.wait_dma2 semaphore(%arg23 : memref<!tpu.dma_semaphore, #tpu.memory_space<semaphore_mem>>) src(%dma_wait3A_85 : memref<40x256xi32, #tpu.memory_space<hbm>>) dst(%arg13 : memref<40x256xi32, #tpu.memory_space<vmem>>)
    %dma_wait3A_86 = arith.constant 0 : i32
    %dma_wait3A_87 = tpu.memref_slice %arg5[%mul3A_2, %dma_wait3A_86] : memref<320000x192xi32, #tpu.memory_space<hbm>> -> memref<40x192xi32, #tpu.memory_space<hbm>>
    %dma_wait3A_88 = arith.constant 0 : i32
    %dma_wait3A_89 = tpu.memref_slice %arg5[%mul3A_2, %dma_wait3A_88] : memref<320000x192xi32, #tpu.memory_space<hbm>> -> memref<40x192xi32, #tpu.memory_space<hbm>>
    tpu.wait_dma2 semaphore(%arg27 : memref<!tpu.dma_semaphore, #tpu.memory_space<semaphore_mem>>) src(%arg17 : memref<40x192xi32, #tpu.memory_space<vmem>>) dst(%dma_wait3A_89 : memref<40x192xi32, #tpu.memory_space<hbm>>)
    %scan3A_90 = arith.constant 0 : i32
    %scan3A_91 = arith.constant 40 : i32
    %scan3A_92 = arith.addi %scan3A_90, %scan3A_91 : i32
    %scan3A_93 = arith.constant 1 : i32
    scf.for %scan3A_109 = %scan3A_90 to %scan3A_92 step %scan3A_93  : i32 {
      %mul3A_110 = arith.constant 1 : i32
      %mul3A_111 = arith.muli %scan3A_109, %mul3A_110 : i32
      %add3A_112 = arith.constant 0 : i32
      %add3A_113 = arith.addi %add3A_112, %mul3A_111 : i32
      %get3A = arith.index_cast %add3A_113 : i32 to index
      %get3A_114 = arith.constant 0 : index
      %get3A_115 = tpu.vector_load %arg9[%get3A, %get3A_114] {strides = array<i32>} : memref<40x256xi32, #tpu.memory_space<vmem>>, vector<16xi32>,
      %bitcast3A = vector.bitcast %get3A_115 : vector<16xi32> to vector<32xbf16>
      %get3A_116 = arith.index_cast %add3A_113 : i32 to index
      %get3A_117 = arith.constant 0 : index
      %get3A_118 = tpu.vector_load %arg13[%get3A_116, %get3A_117] {strides = array<i32>} : memref<40x256xi32, #tpu.memory_space<vmem>>, vector<16xi32>,
      %bitcast3A_119 = vector.bitcast %get3A_118 : vector<16xi32> to vector<32xbf16>
      %add3A_120 = arith.addf %bitcast3A, %bitcast3A_119 : vector<32xbf16>
      %mul3A_121 = arith.constant 1.000980e-02 : bf16
      %mul3A_122 = vector.broadcast %mul3A_121 : bf16 to vector<32xbf16>
      %mul3A_123 = arith.mulf %mul3A_122, %add3A_120 : vector<32xbf16>
      %max3A = arith.maximumf %add3A_120, %mul3A_123 : vector<32xbf16>
      %bitcast3A_124 = vector.bitcast %max3A : vector<32xbf16> to vector<16xi32>
      %swap3A = arith.index_cast %add3A_113 : i32 to index
      %swap3A_125 = arith.constant 0 : index
      %swap3A_126 = tpu.vector_load %arg17[%swap3A, %swap3A_125] {strides = array<i32>} : memref<40x192xi32, #tpu.memory_space<vmem>>, vector<16xi32>,
      tpu.vector_store %arg17[%swap3A, %swap3A_125], %bitcast3A_124 {strides = array<i32>} : memref<40x192xi32, #tpu.memory_space<vmem>>, vector<16xi32>,
      %get3A_127 = arith.index_cast %add3A_113 : i32 to index
      %get3A_128 = arith.constant 16 : index
      %get3A_129 = tpu.vector_load %arg9[%get3A_127, %get3A_128] {strides = array<i32>} : memref<40x256xi32, #tpu.memory_space<vmem>>, vector<16xi32>,
      %bitcast3A_130 = vector.bitcast %get3A_129 : vector<16xi32> to vector<32xbf16>
      %get3A_131 = arith.index_cast %add3A_113 : i32 to index
      %get3A_132 = arith.constant 16 : index
      %get3A_133 = tpu.vector_load %arg13[%get3A_131, %get3A_132] {strides = array<i32>} : memref<40x256xi32, #tpu.memory_space<vmem>>, vector<16xi32>,
      %bitcast3A_134 = vector.bitcast %get3A_133 : vector<16xi32> to vector<32xbf16>
      %add3A_135 = arith.addf %bitcast3A_130, %bitcast3A_134 : vector<32xbf16>
      %mul3A_136 = arith.constant 1.000980e-02 : bf16
      %mul3A_137 = vector.broadcast %mul3A_136 : bf16 to vector<32xbf16>
      %mul3A_138 = arith.mulf %mul3A_137, %add3A_135 : vector<32xbf16>
      %max3A_139 = arith.maximumf %add3A_135, %mul3A_138 : vector<32xbf16>
      %bitcast3A_140 = vector.bitcast %max3A_139 : vector<32xbf16> to vector<16xi32>
      %swap3A_141 = arith.index_cast %add3A_113 : i32 to index
      %swap3A_142 = arith.constant 16 : index
      %swap3A_143 = tpu.vector_load %arg17[%swap3A_141, %swap3A_142] {strides = array<i32>} : memref<40x192xi32, #tpu.memory_space<vmem>>, vector<16xi32>,
      tpu.vector_store %arg17[%swap3A_141, %swap3A_142], %bitcast3A_140 {strides = array<i32>} : memref<40x192xi32, #tpu.memory_space<vmem>>, vector<16xi32>,
      %get3A_144 = arith.index_cast %add3A_113 : i32 to index
      %get3A_145 = arith.constant 32 : index
      %get3A_146 = tpu.vector_load %arg9[%get3A_144, %get3A_145] {strides = array<i32>} : memref<40x256xi32, #tpu.memory_space<vmem>>, vector<16xi32>,
      %bitcast3A_147 = vector.bitcast %get3A_146 : vector<16xi32> to vector<32xbf16>
      %get3A_148 = arith.index_cast %add3A_113 : i32 to index
      %get3A_149 = arith.constant 32 : index
      %get3A_150 = tpu.vector_load %arg13[%get3A_148, %get3A_149] {strides = array<i32>} : memref<40x256xi32, #tpu.memory_space<vmem>>, vector<16xi32>,
      %bitcast3A_151 = vector.bitcast %get3A_150 : vector<16xi32> to vector<32xbf16>
      %add3A_152 = arith.addf %bitcast3A_147, %bitcast3A_151 : vector<32xbf16>
      %mul3A_153 = arith.constant 1.000980e-02 : bf16
      %mul3A_154 = vector.broadcast %mul3A_153 : bf16 to vector<32xbf16>
      %mul3A_155 = arith.mulf %mul3A_154, %add3A_152 : vector<32xbf16>
      %max3A_156 = arith.maximumf %add3A_152, %mul3A_155 : vector<32xbf16>
      %bitcast3A_157 = vector.bitcast %max3A_156 : vector<32xbf16> to vector<16xi32>
      %swap3A_158 = arith.index_cast %add3A_113 : i32 to index
      %swap3A_159 = arith.constant 32 : index
      %swap3A_160 = tpu.vector_load %arg17[%swap3A_158, %swap3A_159] {strides = array<i32>} : memref<40x192xi32, #tpu.memory_space<vmem>>, vector<16xi32>,
      tpu.vector_store %arg17[%swap3A_158, %swap3A_159], %bitcast3A_157 {strides = array<i32>} : memref<40x192xi32, #tpu.memory_space<vmem>>, vector<16xi32>,
      %get3A_161 = arith.index_cast %add3A_113 : i32 to index
      %get3A_162 = arith.constant 48 : index
      %get3A_163 = tpu.vector_load %arg9[%get3A_161, %get3A_162] {strides = array<i32>} : memref<40x256xi32, #tpu.memory_space<vmem>>, vector<16xi32>,
      %bitcast3A_164 = vector.bitcast %get3A_163 : vector<16xi32> to vector<32xbf16>
      %get3A_165 = arith.index_cast %add3A_113 : i32 to index
      %get3A_166 = arith.constant 48 : index
      %get3A_167 = tpu.vector_load %arg13[%get3A_165, %get3A_166] {strides = array<i32>} : memref<40x256xi32, #tpu.memory_space<vmem>>, vector<16xi32>,
      %bitcast3A_168 = vector.bitcast %get3A_167 : vector<16xi32> to vector<32xbf16>
      %add3A_169 = arith.addf %bitcast3A_164, %bitcast3A_168 : vector<32xbf16>
      %mul3A_170 = arith.constant 1.000980e-02 : bf16
      %mul3A_171 = vector.broadcast %mul3A_170 : bf16 to vector<32xbf16>
      %mul3A_172 = arith.mulf %mul3A_171, %add3A_169 : vector<32xbf16>
      %max3A_173 = arith.maximumf %add3A_169, %mul3A_172 : vector<32xbf16>
      %bitcast3A_174 = vector.bitcast %max3A_173 : vector<32xbf16> to vector<16xi32>
      %swap3A_175 = arith.index_cast %add3A_113 : i32 to index
      %swap3A_176 = arith.constant 48 : index
      %swap3A_177 = tpu.vector_load %arg17[%swap3A_175, %swap3A_176] {strides = array<i32>} : memref<40x192xi32, #tpu.memory_space<vmem>>, vector<16xi32>,
      tpu.vector_store %arg17[%swap3A_175, %swap3A_176], %bitcast3A_174 {strides = array<i32>} : memref<40x192xi32, #tpu.memory_space<vmem>>, vector<16xi32>,
      %get3A_178 = arith.index_cast %add3A_113 : i32 to index
      %get3A_179 = arith.constant 64 : index
      %get3A_180 = tpu.vector_load %arg9[%get3A_178, %get3A_179] {strides = array<i32>} : memref<40x256xi32, #tpu.memory_space<vmem>>, vector<16xi32>,
      %bitcast3A_181 = vector.bitcast %get3A_180 : vector<16xi32> to vector<32xbf16>
      %get3A_182 = arith.index_cast %add3A_113 : i32 to index
      %get3A_183 = arith.constant 64 : index
      %get3A_184 = tpu.vector_load %arg13[%get3A_182, %get3A_183] {strides = array<i32>} : memref<40x256xi32, #tpu.memory_space<vmem>>, vector<16xi32>,
      %bitcast3A_185 = vector.bitcast %get3A_184 : vector<16xi32> to vector<32xbf16>
      %mul3A_186 = arith.mulf %bitcast3A_181, %bitcast3A_185 : vector<32xbf16>
      %bitcast3A_187 = vector.bitcast %mul3A_186 : vector<32xbf16> to vector<16xi32>
      %swap3A_188 = arith.index_cast %add3A_113 : i32 to index
      %swap3A_189 = arith.constant 64 : index
      %swap3A_190 = tpu.vector_load %arg17[%swap3A_188, %swap3A_189] {strides = array<i32>} : memref<40x192xi32, #tpu.memory_space<vmem>>, vector<16xi32>,
      tpu.vector_store %arg17[%swap3A_188, %swap3A_189], %bitcast3A_187 {strides = array<i32>} : memref<40x192xi32, #tpu.memory_space<vmem>>, vector<16xi32>,
      %get3A_191 = arith.index_cast %add3A_113 : i32 to index
      %get3A_192 = arith.constant 80 : index
      %get3A_193 = tpu.vector_load %arg9[%get3A_191, %get3A_192] {strides = array<i32>} : memref<40x256xi32, #tpu.memory_space<vmem>>, vector<16xi32>,
      %bitcast3A_194 = vector.bitcast %get3A_193 : vector<16xi32> to vector<32xbf16>
      %get3A_195 = arith.index_cast %add3A_113 : i32 to index
      %get3A_196 = arith.constant 80 : index
      %get3A_197 = tpu.vector_load %arg13[%get3A_195, %get3A_196] {strides = array<i32>} : memref<40x256xi32, #tpu.memory_space<vmem>>, vector<16xi32>,
      %bitcast3A_198 = vector.bitcast %get3A_197 : vector<16xi32> to vector<32xbf16>
      %mul3A_199 = arith.mulf %bitcast3A_194, %bitcast3A_198 : vector<32xbf16>
      %bitcast3A_200 = vector.bitcast %mul3A_199 : vector<32xbf16> to vector<16xi32>
      %swap3A_201 = arith.index_cast %add3A_113 : i32 to index
      %swap3A_202 = arith.constant 80 : index
      %swap3A_203 = tpu.vector_load %arg17[%swap3A_201, %swap3A_202] {strides = array<i32>} : memref<40x192xi32, #tpu.memory_space<vmem>>, vector<16xi32>,
      tpu.vector_store %arg17[%swap3A_201, %swap3A_202], %bitcast3A_200 {strides = array<i32>} : memref<40x192xi32, #tpu.memory_space<vmem>>, vector<16xi32>,
      %get3A_204 = arith.index_cast %add3A_113 : i32 to index
      %get3A_205 = arith.constant 96 : index
      %get3A_206 = tpu.vector_load %arg9[%get3A_204, %get3A_205] {strides = array<i32>} : memref<40x256xi32, #tpu.memory_space<vmem>>, vector<16xi32>,
      %bitcast3A_207 = vector.bitcast %get3A_206 : vector<16xi32> to vector<32xbf16>
      %get3A_208 = arith.index_cast %add3A_113 : i32 to index
      %get3A_209 = arith.constant 96 : index
      %get3A_210 = tpu.vector_load %arg13[%get3A_208, %get3A_209] {strides = array<i32>} : memref<40x256xi32, #tpu.memory_space<vmem>>, vector<16xi32>,
      %bitcast3A_211 = vector.bitcast %get3A_210 : vector<16xi32> to vector<32xbf16>
      %mul3A_212 = arith.mulf %bitcast3A_207, %bitcast3A_211 : vector<32xbf16>
      %bitcast3A_213 = vector.bitcast %mul3A_212 : vector<32xbf16> to vector<16xi32>
      %swap3A_214 = arith.index_cast %add3A_113 : i32 to index
      %swap3A_215 = arith.constant 96 : index
      %swap3A_216 = tpu.vector_load %arg17[%swap3A_214, %swap3A_215] {strides = array<i32>} : memref<40x192xi32, #tpu.memory_space<vmem>>, vector<16xi32>,
      tpu.vector_store %arg17[%swap3A_214, %swap3A_215], %bitcast3A_213 {strides = array<i32>} : memref<40x192xi32, #tpu.memory_space<vmem>>, vector<16xi32>,
      %get3A_217 = arith.index_cast %add3A_113 : i32 to index
      %get3A_218 = arith.constant 112 : index
      %get3A_219 = tpu.vector_load %arg9[%get3A_217, %get3A_218] {strides = array<i32>} : memref<40x256xi32, #tpu.memory_space<vmem>>, vector<16xi32>,
      %bitcast3A_220 = vector.bitcast %get3A_219 : vector<16xi32> to vector<32xbf16>
      %get3A_221 = arith.index_cast %add3A_113 : i32 to index
      %get3A_222 = arith.constant 112 : index
      %get3A_223 = tpu.vector_load %arg13[%get3A_221, %get3A_222] {strides = array<i32>} : memref<40x256xi32, #tpu.memory_space<vmem>>, vector<16xi32>,
      %bitcast3A_224 = vector.bitcast %get3A_223 : vector<16xi32> to vector<32xbf16>
      %mul3A_225 = arith.mulf %bitcast3A_220, %bitcast3A_224 : vector<32xbf16>
      %bitcast3A_226 = vector.bitcast %mul3A_225 : vector<32xbf16> to vector<16xi32>
      %swap3A_227 = arith.index_cast %add3A_113 : i32 to index
      %swap3A_228 = arith.constant 112 : index
      %swap3A_229 = tpu.vector_load %arg17[%swap3A_227, %swap3A_228] {strides = array<i32>} : memref<40x192xi32, #tpu.memory_space<vmem>>, vector<16xi32>,
      tpu.vector_store %arg17[%swap3A_227, %swap3A_228], %bitcast3A_226 {strides = array<i32>} : memref<40x192xi32, #tpu.memory_space<vmem>>, vector<16xi32>,
      %get3A_230 = arith.index_cast %add3A_113 : i32 to index
      %get3A_231 = arith.constant 128 : index
      %get3A_232 = tpu.vector_load %arg9[%get3A_230, %get3A_231] {strides = array<i32>} : memref<40x256xi32, #tpu.memory_space<vmem>>, vector<16xi32>,
      %bitcast3A_233 = vector.bitcast %get3A_232 : vector<16xi32> to vector<32xbf16>
      %get3A_234 = arith.index_cast %add3A_113 : i32 to index
      %get3A_235 = arith.constant 128 : index
      %get3A_236 = tpu.vector_load %arg13[%get3A_234, %get3A_235] {strides = array<i32>} : memref<40x256xi32, #tpu.memory_space<vmem>>, vector<16xi32>,
      %bitcast3A_237 = vector.bitcast %get3A_236 : vector<16xi32> to vector<32xbf16>
      %mul3A_238 = arith.mulf %bitcast3A_233, %bitcast3A_237 : vector<32xbf16>
      %bitcast3A_239 = vector.bitcast %mul3A_238 : vector<32xbf16> to vector<16xi32>
      %swap3A_240 = arith.index_cast %add3A_113 : i32 to index
      %swap3A_241 = arith.constant 128 : index
      %swap3A_242 = tpu.vector_load %arg17[%swap3A_240, %swap3A_241] {strides = array<i32>} : memref<40x192xi32, #tpu.memory_space<vmem>>, vector<16xi32>,
      tpu.vector_store %arg17[%swap3A_240, %swap3A_241], %bitcast3A_239 {strides = array<i32>} : memref<40x192xi32, #tpu.memory_space<vmem>>, vector<16xi32>,
      %get3A_243 = arith.index_cast %add3A_113 : i32 to index
      %get3A_244 = arith.constant 144 : index
      %get3A_245 = tpu.vector_load %arg9[%get3A_243, %get3A_244] {strides = array<i32>} : memref<40x256xi32, #tpu.memory_space<vmem>>, vector<16xi32>,
      %bitcast3A_246 = vector.bitcast %get3A_245 : vector<16xi32> to vector<32xbf16>
      %get3A_247 = arith.index_cast %add3A_113 : i32 to index
      %get3A_248 = arith.constant 144 : index
      %get3A_249 = tpu.vector_load %arg13[%get3A_247, %get3A_248] {strides = array<i32>} : memref<40x256xi32, #tpu.memory_space<vmem>>, vector<16xi32>,
      %bitcast3A_250 = vector.bitcast %get3A_249 : vector<16xi32> to vector<32xbf16>
      %mul3A_251 = arith.mulf %bitcast3A_246, %bitcast3A_250 : vector<32xbf16>
      %bitcast3A_252 = vector.bitcast %mul3A_251 : vector<32xbf16> to vector<16xi32>
      %swap3A_253 = arith.index_cast %add3A_113 : i32 to index
      %swap3A_254 = arith.constant 144 : index
      %swap3A_255 = tpu.vector_load %arg17[%swap3A_253, %swap3A_254] {strides = array<i32>} : memref<40x192xi32, #tpu.memory_space<vmem>>, vector<16xi32>,
      tpu.vector_store %arg17[%swap3A_253, %swap3A_254], %bitcast3A_252 {strides = array<i32>} : memref<40x192xi32, #tpu.memory_space<vmem>>, vector<16xi32>,
      %get3A_256 = arith.index_cast %add3A_113 : i32 to index
      %get3A_257 = arith.constant 160 : index
      %get3A_258 = tpu.vector_load %arg9[%get3A_256, %get3A_257] {strides = array<i32>} : memref<40x256xi32, #tpu.memory_space<vmem>>, vector<16xi32>,
      %bitcast3A_259 = vector.bitcast %get3A_258 : vector<16xi32> to vector<32xbf16>
      %get3A_260 = arith.index_cast %add3A_113 : i32 to index
      %get3A_261 = arith.constant 160 : index
      %get3A_262 = tpu.vector_load %arg13[%get3A_260, %get3A_261] {strides = array<i32>} : memref<40x256xi32, #tpu.memory_space<vmem>>, vector<16xi32>,
      %bitcast3A_263 = vector.bitcast %get3A_262 : vector<16xi32> to vector<32xbf16>
      %mul3A_264 = arith.mulf %bitcast3A_259, %bitcast3A_263 : vector<32xbf16>
      %bitcast3A_265 = vector.bitcast %mul3A_264 : vector<32xbf16> to vector<16xi32>
      %swap3A_266 = arith.index_cast %add3A_113 : i32 to index
      %swap3A_267 = arith.constant 160 : index
      %swap3A_268 = tpu.vector_load %arg17[%swap3A_266, %swap3A_267] {strides = array<i32>} : memref<40x192xi32, #tpu.memory_space<vmem>>, vector<16xi32>,
      tpu.vector_store %arg17[%swap3A_266, %swap3A_267], %bitcast3A_265 {strides = array<i32>} : memref<40x192xi32, #tpu.memory_space<vmem>>, vector<16xi32>,
      %get3A_269 = arith.index_cast %add3A_113 : i32 to index
      %get3A_270 = arith.constant 176 : index
      %get3A_271 = tpu.vector_load %arg9[%get3A_269, %get3A_270] {strides = array<i32>} : memref<40x256xi32, #tpu.memory_space<vmem>>, vector<16xi32>,
      %bitcast3A_272 = vector.bitcast %get3A_271 : vector<16xi32> to vector<32xbf16>
      %get3A_273 = arith.index_cast %add3A_113 : i32 to index
      %get3A_274 = arith.constant 176 : index
      %get3A_275 = tpu.vector_load %arg13[%get3A_273, %get3A_274] {strides = array<i32>} : memref<40x256xi32, #tpu.memory_space<vmem>>, vector<16xi32>,
      %bitcast3A_276 = vector.bitcast %get3A_275 : vector<16xi32> to vector<32xbf16>
      %mul3A_277 = arith.mulf %bitcast3A_272, %bitcast3A_276 : vector<32xbf16>
      %bitcast3A_278 = vector.bitcast %mul3A_277 : vector<32xbf16> to vector<16xi32>
      %swap3A_279 = arith.index_cast %add3A_113 : i32 to index
      %swap3A_280 = arith.constant 176 : index
      %swap3A_281 = tpu.vector_load %arg17[%swap3A_279, %swap3A_280] {strides = array<i32>} : memref<40x192xi32, #tpu.memory_space<vmem>>, vector<16xi32>,
      tpu.vector_store %arg17[%swap3A_279, %swap3A_280], %bitcast3A_278 {strides = array<i32>} : memref<40x192xi32, #tpu.memory_space<vmem>>, vector<16xi32>,
    }
    %scan3A_94 = arith.constant 40 : i32
    %add3A_95 = arith.constant 9960 : i32
    %add3A_96 = arith.addi %mul3A_2, %add3A_95 : i32
    %dma_start3A_97 = arith.constant 0 : i32
    %dma_start3A_98 = tpu.memref_slice %arg5[%add3A_96, %dma_start3A_97] : memref<320000x192xi32, #tpu.memory_space<hbm>> -> memref<40x192xi32, #tpu.memory_space<hbm>>
    %dma_start3A_99 = arith.constant 0 : i32
    %dma_start3A_100 = tpu.memref_slice %arg5[%add3A_96, %dma_start3A_99] : memref<320000x192xi32, #tpu.memory_space<hbm>> -> memref<40x192xi32, #tpu.memory_space<hbm>>
    tpu.enqueue_dma source(%arg17 : memref<40x192xi32, #tpu.memory_space<vmem>>) target(%dma_start3A_100 : memref<40x192xi32, #tpu.memory_space<hbm>>) target_semaphore(%arg27 : memref<!tpu.dma_semaphore, #tpu.memory_space<semaphore_mem>>)
    %dma_wait3A_101 = arith.constant 0 : i32
    %dma_wait3A_102 = tpu.memref_slice %arg5[%mul3A_2, %dma_wait3A_101] : memref<320000x192xi32, #tpu.memory_space<hbm>> -> memref<40x192xi32, #tpu.memory_space<hbm>>
    %dma_wait3A_103 = arith.constant 0 : i32
    %dma_wait3A_104 = tpu.memref_slice %arg5[%mul3A_2, %dma_wait3A_103] : memref<320000x192xi32, #tpu.memory_space<hbm>> -> memref<40x192xi32, #tpu.memory_space<hbm>>
    tpu.wait_dma2 semaphore(%arg26 : memref<!tpu.dma_semaphore, #tpu.memory_space<semaphore_mem>>) src(%arg16 : memref<40x192xi32, #tpu.memory_space<vmem>>) dst(%dma_wait3A_104 : memref<40x192xi32, #tpu.memory_space<hbm>>)
    %dma_wait3A_105 = arith.constant 0 : i32
    %dma_wait3A_106 = tpu.memref_slice %arg5[%mul3A_2, %dma_wait3A_105] : memref<320000x192xi32, #tpu.memory_space<hbm>> -> memref<40x192xi32, #tpu.memory_space<hbm>>
    %dma_wait3A_107 = arith.constant 0 : i32
    %dma_wait3A_108 = tpu.memref_slice %arg5[%mul3A_2, %dma_wait3A_107] : memref<320000x192xi32, #tpu.memory_space<hbm>> -> memref<40x192xi32, #tpu.memory_space<hbm>>
    tpu.wait_dma2 semaphore(%arg27 : memref<!tpu.dma_semaphore, #tpu.memory_space<semaphore_mem>>) src(%arg17 : memref<40x192xi32, #tpu.memory_space<vmem>>) dst(%dma_wait3A_108 : memref<40x192xi32, #tpu.memory_space<hbm>>)
    return
  }
}

module attributes {stable_mosaic.version = 14 : i64} {
  func.func @_prep_body(%arg0: i32, %arg1: memref<2000x128xf32, #tpu.memory_space<vmem>>, %arg2: memref<2000x128xf32, #tpu.memory_space<vmem>>, %arg3: memref<2000x128xf32, #tpu.memory_space<vmem>>, %arg4: memref<2000x128xf32, #tpu.memory_space<vmem>>, %arg5: memref<2000x128xf32, #tpu.memory_space<vmem>>, %arg6: memref<2000x128xf32, #tpu.memory_space<vmem>>, %arg7: memref<2000x256xi32, #tpu.memory_space<vmem>>, %arg8: memref<2000x256xi32, #tpu.memory_space<vmem>>) attributes {dimension_semantics = [#tpu.dimension_semantics<arbitrary>], iteration_bounds = array<i64: 5>, scalar_prefetch = 0 : i64, scratch_operands = 0 : i64, tpu.core_type = #tpu.core_type<tc>, window_params = [{transform_indices = @transform_0, window_bounds = array<i64: 2000, 128>}, {transform_indices = @transform_1, window_bounds = array<i64: 2000, 128>}, {transform_indices = @transform_2, window_bounds = array<i64: 2000, 128>}, {transform_indices = @transform_3, window_bounds = array<i64: 2000, 128>}, {transform_indices = @transform_4, window_bounds = array<i64: 2000, 128>}, {transform_indices = @transform_5, window_bounds = array<i64: 2000, 128>}, {transform_indices = @transform_6, window_bounds = array<i64: 2000, 256>}, {transform_indices = @transform_7, window_bounds = array<i64: 2000, 256>}]} {
    %get3A = arith.constant 0 : index
    %get3A_0 = arith.constant 0 : index
    %get3A_1 = vector.load %arg5[%get3A, %get3A_0] : memref<2000x128xf32, #tpu.memory_space<vmem>>, vector<2000x128xf32>
    %convert_element_type3A = arith.truncf %get3A_1 : vector<2000x128xf32> to vector<2000x128xbf16>
    %slice3A = vector.extract_strided_slice %convert_element_type3A {offsets = [0, 0], sizes = [2000, 64], strides = [1, 1]} : vector<2000x128xbf16> to vector<2000x64xbf16>
    %bitcast_convert_type3A = tpu.bitcast %slice3A : vector<2000x64xbf16> -> vector<2000x64xi16>
    %slice3A_2 = vector.extract_strided_slice %convert_element_type3A {offsets = [0, 64], sizes = [2000, 64], strides = [1, 1]} : vector<2000x128xbf16> to vector<2000x64xbf16>
    %bitcast_convert_type3A_3 = tpu.bitcast %slice3A_2 : vector<2000x64xbf16> -> vector<2000x64xi16>
    %convert_element_type3A_4 = arith.extui %bitcast_convert_type3A : vector<2000x64xi16> to vector<2000x64xi32>
    %shift_left3A = arith.constant 16 : i32
    %shift_left3A_5 = vector.broadcast %shift_left3A : i32 to vector<2000x64xi32>
    %shift_left3A_6 = arith.shli %convert_element_type3A_4, %shift_left3A_5 : vector<2000x64xi32>
    %convert_element_type3A_7 = arith.extui %bitcast_convert_type3A_3 : vector<2000x64xi16> to vector<2000x64xi32>
    %or3A = arith.ori %shift_left3A_6, %convert_element_type3A_7 : vector<2000x64xi32>
    %bitcast_convert_type3A_8 = tpu.bitcast %or3A : vector<2000x64xi32> -> vector<2000x64xi32>
    %get3A_9 = arith.constant 0 : index
    %get3A_10 = arith.constant 0 : index
    %get3A_11 = vector.load %arg6[%get3A_9, %get3A_10] : memref<2000x128xf32, #tpu.memory_space<vmem>>, vector<2000x128xf32>
    %convert_element_type3A_12 = arith.truncf %get3A_11 : vector<2000x128xf32> to vector<2000x128xbf16>
    %slice3A_13 = vector.extract_strided_slice %convert_element_type3A_12 {offsets = [0, 0], sizes = [2000, 64], strides = [1, 1]} : vector<2000x128xbf16> to vector<2000x64xbf16>
    %bitcast_convert_type3A_14 = tpu.bitcast %slice3A_13 : vector<2000x64xbf16> -> vector<2000x64xi16>
    %slice3A_15 = vector.extract_strided_slice %convert_element_type3A_12 {offsets = [0, 64], sizes = [2000, 64], strides = [1, 1]} : vector<2000x128xbf16> to vector<2000x64xbf16>
    %bitcast_convert_type3A_16 = tpu.bitcast %slice3A_15 : vector<2000x64xbf16> -> vector<2000x64xi16>
    %convert_element_type3A_17 = arith.extui %bitcast_convert_type3A_14 : vector<2000x64xi16> to vector<2000x64xi32>
    %shift_left3A_18 = arith.constant 16 : i32
    %shift_left3A_19 = vector.broadcast %shift_left3A_18 : i32 to vector<2000x64xi32>
    %shift_left3A_20 = arith.shli %convert_element_type3A_17, %shift_left3A_19 : vector<2000x64xi32>
    %convert_element_type3A_21 = arith.extui %bitcast_convert_type3A_16 : vector<2000x64xi16> to vector<2000x64xi32>
    %or3A_22 = arith.ori %shift_left3A_20, %convert_element_type3A_21 : vector<2000x64xi32>
    %bitcast_convert_type3A_23 = tpu.bitcast %or3A_22 : vector<2000x64xi32> -> vector<2000x64xi32>
    %broadcast_in_dim3A = arith.constant 0 : i32
    %broadcast_in_dim3A_24 = vector.broadcast %broadcast_in_dim3A : i32 to vector<2000x64xi32>
    %get3A_25 = arith.constant 0 : index
    %get3A_26 = arith.constant 0 : index
    %get3A_27 = vector.load %arg1[%get3A_25, %get3A_26] : memref<2000x128xf32, #tpu.memory_space<vmem>>, vector<2000x128xf32>
    %get3A_28 = arith.constant 0 : index
    %get3A_29 = arith.constant 0 : index
    %get3A_30 = vector.load %arg2[%get3A_28, %get3A_29] : memref<2000x128xf32, #tpu.memory_space<vmem>>, vector<2000x128xf32>
    %add3A = arith.addf %get3A_27, %get3A_30 : vector<2000x128xf32>
    %convert_element_type3A_31 = arith.truncf %add3A : vector<2000x128xf32> to vector<2000x128xbf16>
    %slice3A_32 = vector.extract_strided_slice %convert_element_type3A_31 {offsets = [0, 0], sizes = [2000, 64], strides = [1, 1]} : vector<2000x128xbf16> to vector<2000x64xbf16>
    %bitcast_convert_type3A_33 = tpu.bitcast %slice3A_32 : vector<2000x64xbf16> -> vector<2000x64xi16>
    %slice3A_34 = vector.extract_strided_slice %convert_element_type3A_31 {offsets = [0, 64], sizes = [2000, 64], strides = [1, 1]} : vector<2000x128xbf16> to vector<2000x64xbf16>
    %bitcast_convert_type3A_35 = tpu.bitcast %slice3A_34 : vector<2000x64xbf16> -> vector<2000x64xi16>
    %convert_element_type3A_36 = arith.extui %bitcast_convert_type3A_33 : vector<2000x64xi16> to vector<2000x64xi32>
    %shift_left3A_37 = arith.constant 16 : i32
    %shift_left3A_38 = vector.broadcast %shift_left3A_37 : i32 to vector<2000x64xi32>
    %shift_left3A_39 = arith.shli %convert_element_type3A_36, %shift_left3A_38 : vector<2000x64xi32>
    %convert_element_type3A_40 = arith.extui %bitcast_convert_type3A_35 : vector<2000x64xi16> to vector<2000x64xi32>
    %or3A_41 = arith.ori %shift_left3A_39, %convert_element_type3A_40 : vector<2000x64xi32>
    %bitcast_convert_type3A_42 = tpu.bitcast %or3A_41 : vector<2000x64xi32> -> vector<2000x64xi32>
    %swap3A = arith.constant 0 : index
    %swap3A_43 = arith.constant 0 : index
    %swap3A_44 = vector.load %arg7[%swap3A, %swap3A_43] : memref<2000x256xi32, #tpu.memory_space<vmem>>, vector<2000x64xi32>
    tpu.vector_store %arg7[%swap3A, %swap3A_43], %bitcast_convert_type3A_42 {strides = array<i32>} : memref<2000x256xi32, #tpu.memory_space<vmem>>, vector<2000x64xi32>,
    %swap3A_45 = arith.constant 0 : index
    %swap3A_46 = arith.constant 64 : index
    %swap3A_47 = vector.load %arg7[%swap3A_45, %swap3A_46] : memref<2000x256xi32, #tpu.memory_space<vmem>>, vector<2000x64xi32>
    tpu.vector_store %arg7[%swap3A_45, %swap3A_46], %bitcast_convert_type3A_8 {strides = array<i32>} : memref<2000x256xi32, #tpu.memory_space<vmem>>, vector<2000x64xi32>,
    %swap3A_48 = arith.constant 0 : index
    %swap3A_49 = arith.constant 128 : index
    %swap3A_50 = vector.load %arg7[%swap3A_48, %swap3A_49] : memref<2000x256xi32, #tpu.memory_space<vmem>>, vector<2000x64xi32>
    tpu.vector_store %arg7[%swap3A_48, %swap3A_49], %bitcast_convert_type3A_23 {strides = array<i32>} : memref<2000x256xi32, #tpu.memory_space<vmem>>, vector<2000x64xi32>,
    %swap3A_51 = arith.constant 0 : index
    %swap3A_52 = arith.constant 192 : index
    %swap3A_53 = vector.load %arg7[%swap3A_51, %swap3A_52] : memref<2000x256xi32, #tpu.memory_space<vmem>>, vector<2000x64xi32>
    tpu.vector_store %arg7[%swap3A_51, %swap3A_52], %broadcast_in_dim3A_24 {strides = array<i32>} : memref<2000x256xi32, #tpu.memory_space<vmem>>, vector<2000x64xi32>,
    %get3A_54 = arith.constant 0 : index
    %get3A_55 = arith.constant 0 : index
    %get3A_56 = vector.load %arg3[%get3A_54, %get3A_55] : memref<2000x128xf32, #tpu.memory_space<vmem>>, vector<2000x128xf32>
    %get3A_57 = arith.constant 0 : index
    %get3A_58 = arith.constant 0 : index
    %get3A_59 = vector.load %arg4[%get3A_57, %get3A_58] : memref<2000x128xf32, #tpu.memory_space<vmem>>, vector<2000x128xf32>
    %add3A_60 = arith.addf %get3A_56, %get3A_59 : vector<2000x128xf32>
    %convert_element_type3A_61 = arith.truncf %add3A_60 : vector<2000x128xf32> to vector<2000x128xbf16>
    %slice3A_62 = vector.extract_strided_slice %convert_element_type3A_61 {offsets = [0, 0], sizes = [2000, 64], strides = [1, 1]} : vector<2000x128xbf16> to vector<2000x64xbf16>
    %bitcast_convert_type3A_63 = tpu.bitcast %slice3A_62 : vector<2000x64xbf16> -> vector<2000x64xi16>
    %slice3A_64 = vector.extract_strided_slice %convert_element_type3A_61 {offsets = [0, 64], sizes = [2000, 64], strides = [1, 1]} : vector<2000x128xbf16> to vector<2000x64xbf16>
    %bitcast_convert_type3A_65 = tpu.bitcast %slice3A_64 : vector<2000x64xbf16> -> vector<2000x64xi16>
    %convert_element_type3A_66 = arith.extui %bitcast_convert_type3A_63 : vector<2000x64xi16> to vector<2000x64xi32>
    %shift_left3A_67 = arith.constant 16 : i32
    %shift_left3A_68 = vector.broadcast %shift_left3A_67 : i32 to vector<2000x64xi32>
    %shift_left3A_69 = arith.shli %convert_element_type3A_66, %shift_left3A_68 : vector<2000x64xi32>
    %convert_element_type3A_70 = arith.extui %bitcast_convert_type3A_65 : vector<2000x64xi16> to vector<2000x64xi32>
    %or3A_71 = arith.ori %shift_left3A_69, %convert_element_type3A_70 : vector<2000x64xi32>
    %bitcast_convert_type3A_72 = tpu.bitcast %or3A_71 : vector<2000x64xi32> -> vector<2000x64xi32>
    %swap3A_73 = arith.constant 0 : index
    %swap3A_74 = arith.constant 0 : index
    %swap3A_75 = vector.load %arg8[%swap3A_73, %swap3A_74] : memref<2000x256xi32, #tpu.memory_space<vmem>>, vector<2000x64xi32>
    tpu.vector_store %arg8[%swap3A_73, %swap3A_74], %bitcast_convert_type3A_72 {strides = array<i32>} : memref<2000x256xi32, #tpu.memory_space<vmem>>, vector<2000x64xi32>,
    %swap3A_76 = arith.constant 0 : index
    %swap3A_77 = arith.constant 64 : index
    %swap3A_78 = vector.load %arg8[%swap3A_76, %swap3A_77] : memref<2000x256xi32, #tpu.memory_space<vmem>>, vector<2000x64xi32>
    tpu.vector_store %arg8[%swap3A_76, %swap3A_77], %bitcast_convert_type3A_8 {strides = array<i32>} : memref<2000x256xi32, #tpu.memory_space<vmem>>, vector<2000x64xi32>,
    %swap3A_79 = arith.constant 0 : index
    %swap3A_80 = arith.constant 128 : index
    %swap3A_81 = vector.load %arg8[%swap3A_79, %swap3A_80] : memref<2000x256xi32, #tpu.memory_space<vmem>>, vector<2000x64xi32>
    tpu.vector_store %arg8[%swap3A_79, %swap3A_80], %bitcast_convert_type3A_23 {strides = array<i32>} : memref<2000x256xi32, #tpu.memory_space<vmem>>, vector<2000x64xi32>,
    %swap3A_82 = arith.constant 0 : index
    %swap3A_83 = arith.constant 192 : index
    %swap3A_84 = vector.load %arg8[%swap3A_82, %swap3A_83] : memref<2000x256xi32, #tpu.memory_space<vmem>>, vector<2000x64xi32>
    tpu.vector_store %arg8[%swap3A_82, %swap3A_83], %broadcast_in_dim3A_24 {strides = array<i32>} : memref<2000x256xi32, #tpu.memory_space<vmem>>, vector<2000x64xi32>,
    return
  }
  func.func @transform_0(%arg0: i32) -> (i32, i32) {
    %c0_i32 = arith.constant 0 : i32
    %c0_i32_0 = arith.constant 0 : i32
    return %arg0, %c0_i32 : i32, i32
  }
  func.func @transform_1(%arg0: i32) -> (i32, i32) {
    %c0_i32 = arith.constant 0 : i32
    %c0_i32_0 = arith.constant 0 : i32
    return %arg0, %c0_i32 : i32, i32
  }
  func.func @transform_2(%arg0: i32) -> (i32, i32) {
    %c0_i32 = arith.constant 0 : i32
    %c0_i32_0 = arith.constant 0 : i32
    return %arg0, %c0_i32 : i32, i32
  }
  func.func @transform_3(%arg0: i32) -> (i32, i32) {
    %c0_i32 = arith.constant 0 : i32
    %c0_i32_0 = arith.constant 0 : i32
    return %arg0, %c0_i32 : i32, i32
  }
  func.func @transform_4(%arg0: i32) -> (i32, i32) {
    %c0_i32 = arith.constant 0 : i32
    %c0_i32_0 = arith.constant 0 : i32
    return %arg0, %c0_i32 : i32, i32
  }
  func.func @transform_5(%arg0: i32) -> (i32, i32) {
    %c0_i32 = arith.constant 0 : i32
    %c0_i32_0 = arith.constant 0 : i32
    return %arg0, %c0_i32 : i32, i32
  }
  func.func @transform_6(%arg0: i32) -> (i32, i32) {
    %c0_i32 = arith.constant 0 : i32
    %c0_i32_0 = arith.constant 0 : i32
    return %arg0, %c0_i32 : i32, i32
  }
  func.func @transform_7(%arg0: i32) -> (i32, i32) {
    %c0_i32 = arith.constant 0 : i32
    %c0_i32_0 = arith.constant 0 : i32
    return %arg0, %c0_i32 : i32, i32
  }
}

module attributes {stable_mosaic.version = 14 : i64} {
  func.func @_mlp_body(%arg0: i32, %arg1: memref<6400x192xi32, #tpu.memory_space<vmem>>, %arg2: memref<128x128xbf16, #tpu.memory_space<vmem>>, %arg3: memref<1x128xf32, #tpu.memory_space<vmem>>, %arg4: memref<384x1xbf16, #tpu.memory_space<vmem>>, %arg5: memref<1x1xf32, #tpu.memory_space<vmem>>, %arg6: memref<320000xf32, #tpu.memory_space<vmem>>) attributes {dimension_semantics = [#tpu.dimension_semantics<arbitrary>], iteration_bounds = array<i64: 50>, scalar_prefetch = 0 : i64, scratch_operands = 0 : i64, tpu.core_type = #tpu.core_type<tc>, window_params = [{transform_indices = @transform_0, window_bounds = array<i64: 6400, 192>}, {pipeline_mode = #tpu.pipeline_mode<synchronous>, transform_indices = @transform_1, window_bounds = array<i64: 128, 128>}, {pipeline_mode = #tpu.pipeline_mode<synchronous>, transform_indices = @transform_2, window_bounds = array<i64: 1, 128>}, {pipeline_mode = #tpu.pipeline_mode<synchronous>, transform_indices = @transform_3, window_bounds = array<i64: 384, 1>}, {pipeline_mode = #tpu.pipeline_mode<synchronous>, transform_indices = @transform_4, window_bounds = array<i64: 1, 1>}, {pipeline_mode = #tpu.pipeline_mode<synchronous>, transform_indices = @transform_5, window_bounds = array<i64: 320000>}]} {
    %get3A = arith.constant 0 : index
    %get3A_0 = arith.constant 0 : index
    %get3A_1 = vector.load %arg1[%get3A, %get3A_0] : memref<6400x192xi32, #tpu.memory_space<vmem>>, vector<6400x192xi32>
    %bitcast_convert_type3A = tpu.bitcast %get3A_1 : vector<6400x192xi32> -> vector<6400x192xi32>
    %slice3A = vector.extract_strided_slice %bitcast_convert_type3A {offsets = [0, 0], sizes = [6400, 64], strides = [1, 1]} : vector<6400x192xi32> to vector<6400x64xi32>
    %and3A = arith.constant -65536 : i32
    %and3A_2 = vector.broadcast %and3A : i32 to vector<6400x64xi32>
    %and3A_3 = arith.andi %slice3A, %and3A_2 : vector<6400x64xi32>
    %bitcast_convert_type3A_4 = tpu.bitcast %and3A_3 : vector<6400x64xi32> -> vector<6400x64xf32>
    %shift_left3A = arith.constant 16 : i32
    %shift_left3A_5 = vector.broadcast %shift_left3A : i32 to vector<6400x64xi32>
    %shift_left3A_6 = arith.shli %slice3A, %shift_left3A_5 : vector<6400x64xi32>
    %bitcast_convert_type3A_7 = tpu.bitcast %shift_left3A_6 : vector<6400x64xi32> -> vector<6400x64xf32>
    %concatenate3A = tpu.concatenate %bitcast_convert_type3A_4, %bitcast_convert_type3A_7 in 1 : vector<6400x64xf32>, vector<6400x64xf32> -> vector<6400x128xf32>
    %slice3A_8 = vector.extract_strided_slice %bitcast_convert_type3A {offsets = [0, 64], sizes = [6400, 64], strides = [1, 1]} : vector<6400x192xi32> to vector<6400x64xi32>
    %and3A_9 = arith.constant -65536 : i32
    %and3A_10 = vector.broadcast %and3A_9 : i32 to vector<6400x64xi32>
    %and3A_11 = arith.andi %slice3A_8, %and3A_10 : vector<6400x64xi32>
    %bitcast_convert_type3A_12 = tpu.bitcast %and3A_11 : vector<6400x64xi32> -> vector<6400x64xf32>
    %shift_left3A_13 = arith.constant 16 : i32
    %shift_left3A_14 = vector.broadcast %shift_left3A_13 : i32 to vector<6400x64xi32>
    %shift_left3A_15 = arith.shli %slice3A_8, %shift_left3A_14 : vector<6400x64xi32>
    %bitcast_convert_type3A_16 = tpu.bitcast %shift_left3A_15 : vector<6400x64xi32> -> vector<6400x64xf32>
    %concatenate3A_17 = tpu.concatenate %bitcast_convert_type3A_12, %bitcast_convert_type3A_16 in 1 : vector<6400x64xf32>, vector<6400x64xf32> -> vector<6400x128xf32>
    %slice3A_18 = vector.extract_strided_slice %bitcast_convert_type3A {offsets = [0, 128], sizes = [6400, 64], strides = [1, 1]} : vector<6400x192xi32> to vector<6400x64xi32>
    %and3A_19 = arith.constant -65536 : i32
    %and3A_20 = vector.broadcast %and3A_19 : i32 to vector<6400x64xi32>
    %and3A_21 = arith.andi %slice3A_18, %and3A_20 : vector<6400x64xi32>
    %bitcast_convert_type3A_22 = tpu.bitcast %and3A_21 : vector<6400x64xi32> -> vector<6400x64xf32>
    %shift_left3A_23 = arith.constant 16 : i32
    %shift_left3A_24 = vector.broadcast %shift_left3A_23 : i32 to vector<6400x64xi32>
    %shift_left3A_25 = arith.shli %slice3A_18, %shift_left3A_24 : vector<6400x64xi32>
    %bitcast_convert_type3A_26 = tpu.bitcast %shift_left3A_25 : vector<6400x64xi32> -> vector<6400x64xf32>
    %concatenate3A_27 = tpu.concatenate %bitcast_convert_type3A_22, %bitcast_convert_type3A_26 in 1 : vector<6400x64xf32>, vector<6400x64xf32> -> vector<6400x128xf32>
    %convert_element_type3A = arith.truncf %concatenate3A : vector<6400x128xf32> to vector<6400x128xbf16>
    %get3A_28 = arith.constant 0 : index
    %get3A_29 = arith.constant 0 : index
    %get3A_30 = vector.load %arg2[%get3A_28, %get3A_29] : memref<128x128xbf16, #tpu.memory_space<vmem>>, vector<128x128xbf16>
    %dot_general3A = arith.constant dense<0.000000e+00> : vector<6400x128xf32>
    %dot_general3A_31 = tpu.matmul %convert_element_type3A, %get3A_30, %dot_general3A {dimension_numbers = #tpu.dot_dimension_numbers<[1], [0], [0], [1], [0, 0, 1, 1], [], []>, transpose_lhs_hint = false} : vector<6400x128xbf16>, vector<128x128xbf16>, vector<6400x128xf32> -> vector<6400x128xf32>
    %get3A_32 = arith.constant 0 : index
    %get3A_33 = arith.constant 0 : index
    %get3A_34 = vector.load %arg3[%get3A_32, %get3A_33] : memref<1x128xf32, #tpu.memory_space<vmem>>, vector<1x128xf32>
    %add3A = vector.broadcast %get3A_34 : vector<1x128xf32> to vector<6400x128xf32>
    %add3A_35 = arith.addf %dot_general3A_31, %add3A : vector<6400x128xf32>
    %jit3A = arith.constant 0.00999999977 : f32
    %ge3A = arith.constant 0.000000e+00 : f32
    %ge3A_36 = vector.broadcast %ge3A : f32 to vector<6400x128xf32>
    %ge3A_37 = arith.cmpf oge, %add3A_35, %ge3A_36 : vector<6400x128xf32>
    %mul3A = vector.broadcast %jit3A : f32 to vector<6400x128xf32>
    %mul3A_38 = arith.mulf %mul3A, %add3A_35 : vector<6400x128xf32>
    %select_n3A = arith.select %ge3A_37, %add3A_35, %mul3A_38 : vector<6400x128xi1>, vector<6400x128xf32>
    %concatenate3A_39 = tpu.concatenate %select_n3A, %concatenate3A_17, %concatenate3A_27 in 1 : vector<6400x128xf32>, vector<6400x128xf32>, vector<6400x128xf32> -> vector<6400x384xf32>
    %convert_element_type3A_40 = arith.truncf %concatenate3A_39 : vector<6400x384xf32> to vector<6400x384xbf16>
    %get3A_41 = arith.constant 0 : index
    %get3A_42 = arith.constant 0 : index
    %get3A_43 = vector.load %arg4[%get3A_41, %get3A_42] : memref<384x1xbf16, #tpu.memory_space<vmem>>, vector<384x1xbf16>
    %dot_general3A_44 = arith.constant dense<0.000000e+00> : vector<6400x1xf32>
    %dot_general3A_45 = tpu.matmul %convert_element_type3A_40, %get3A_43, %dot_general3A_44 {dimension_numbers = #tpu.dot_dimension_numbers<[1], [0], [0], [1], [0, 0, 1, 1], [], []>, transpose_lhs_hint = false} : vector<6400x384xbf16>, vector<384x1xbf16>, vector<6400x1xf32> -> vector<6400x1xf32>
    %get3A_46 = arith.constant 0 : index
    %get3A_47 = arith.constant 0 : index
    %get3A_48 = vector.load %arg5[%get3A_46, %get3A_47] : memref<1x1xf32, #tpu.memory_space<vmem>>, vector<1x1xf32>
    %add3A_49 = vector.broadcast %get3A_48 : vector<1x1xf32> to vector<6400x1xf32>
    %add3A_50 = arith.addf %dot_general3A_45, %add3A_49 : vector<6400x1xf32>
    %squeeze3A = vector.shape_cast %add3A_50 : vector<6400x1xf32> to vector<6400xf32>
    %mul3A_51 = arith.constant 6400 : i32
    %mul3A_52 = arith.muli %arg0, %mul3A_51 : i32
    %swap3A = arith.index_cast %mul3A_52 : i32 to index
    %swap3A_53 = vector.load %arg6[%swap3A] : memref<320000xf32, #tpu.memory_space<vmem>>, vector<6400xf32>
    tpu.vector_store %arg6[%swap3A], %squeeze3A {strides = array<i32>} : memref<320000xf32, #tpu.memory_space<vmem>>, vector<6400xf32>,
    return
  }
  func.func @transform_0(%arg0: i32) -> (i32, i32) {
    %c0_i32 = arith.constant 0 : i32
    %c0_i32_0 = arith.constant 0 : i32
    return %arg0, %c0_i32 : i32, i32
  }
  func.func @transform_1(%arg0: i32) -> (i32, i32) {
    %c0_i32 = arith.constant 0 : i32
    %c0_i32_0 = arith.constant 0 : i32
    %c0_i32_1 = arith.constant 0 : i32
    return %c0_i32, %c0_i32_0 : i32, i32
  }
  func.func @transform_2(%arg0: i32) -> (i32, i32) {
    %c0_i32 = arith.constant 0 : i32
    %c0_i32_0 = arith.constant 0 : i32
    %c0_i32_1 = arith.constant 0 : i32
    return %c0_i32, %c0_i32_0 : i32, i32
  }
  func.func @transform_3(%arg0: i32) -> (i32, i32) {
    %c0_i32 = arith.constant 0 : i32
    %c0_i32_0 = arith.constant 0 : i32
    %c0_i32_1 = arith.constant 0 : i32
    return %c0_i32, %c0_i32_0 : i32, i32
  }
  func.func @transform_4(%arg0: i32) -> (i32, i32) {
    %c0_i32 = arith.constant 0 : i32
    %c0_i32_0 = arith.constant 0 : i32
    %c0_i32_1 = arith.constant 0 : i32
    return %c0_i32, %c0_i32_0 : i32, i32
  }
  func.func @transform_5(%arg0: i32) -> i32 {
    %c0_i32 = arith.constant 0 : i32
    %c0_i32_0 = arith.constant 0 : i32
    return %c0_i32 : i32
  }
}

</mosaic_0001>

<sc_bundles>
// kernel: kernel.5.cloned.1.call-start
scs
__scs_entry_jumppad:
0x0: {  	(pc) =	sbr.rel $0x88, $3  }
0x1: {  	(tag) =	ssettag $0x0;
	lr =	simm.s32 $0x1  }
0x2: {  	[smem:$0x3F92] =	sst lr;
	_ =	strace $0xD0000000  }
0x3: {  	_ = 	snop  }
0x4: {  	_ = 	snop  }
0x5: {  	_ = 	snop  }
0x6: {  	_ = 	snop  }
0x7: {  	_ = 	snop  }
__scs_overlays_trampoline_lowered:
0x8: {  	[smem:$0x3FA1] =	sst s0  }
0x9: {  	[smem:$0x3FA2] =	sst s1  }
0xa: {  	[smem:$0x3FA3] =	sst s2  }
0xb: {  	[smem:$0x3FA4] =	sst s3  }
0xc: {  	[smem:$0x3FA5] =	sst s4  }
0xd: {  	[smem:$0x3FA6] =	sst s5  }
0xe: {  	[smem:$0x3FA7] =	sst s6  }
0xf: {  	[smem:$0x3FA8] =	sst s7  }
0x10: {  	[smem:$0x3FA9] =	sst s8  }
0x11: {  	[smem:$0x3FAA] =	sst s9;
	s0 =	simm.s32 @!p0 $0x0  }
0x12: {  	s1 =	sld [smem:$0x3F90];
	s0 =	simm.s32 @p0 $0x1  }
0x13: {  	[smem:$0x3FAB] =	sst s0;
	s0 =	simm.s32 @!p1 $0x0  }
0x14: {  	s2 =	sld [smem:$0x3F8F];
	s0 =	simm.s32 @p1 $0x1  }
0x15: {  	[smem:$0x3FAC] =	sst s0;
	s0 =	simm.s32 @!p2 $0x0  }
0x16: {  	s3 =	sld [smem:$0x3FDB];
	s0 =	simm.s32 @p2 $0x1  }
0x17: {  	s4 =	simm.s32 $0x1BF5;
	[smem:$0x3FAE] =	sst s0  }
0x18: {  	s0 =	sld [smem:$0x3F91];
	_ =	swait.ge [sflag:s4], $0x0  }
0x19: {  	s7 =	sld [smem:$0x3F92]  }
0x1a: {  	s8 =	sadd.s32 $0xFFFFE003, lr  }
0x1b: {  	s9 =	sadd.s32 $0xFFFFFEF7, lr;
	s5 =	simm.s32 $0xFFFFFFFF;
	p2 =	slt.u32 s8, $0xFFFFF086  }
0x1c: {  	p1 =	slt.u32 s9, $0xF7A;
	s5 =	simm.s32 @!p2 $0x0  }
0x1d: {  	s5 =	simm.s32 @p1 $0x1;
	p0 =	seq.s32 s7, s2  }
0x1e: {  	s7 =	smul.u32 @!p0 $0xF7A, s2;
	p2 =	seq.s32 @!p0 s5, $0x0  }
0x1f: {  	s9 =	smul.u32 $0xF7A, s1;
	s8 =	simm.s32 @!p0 $0x1BF5;
	p2 =	por !p2, p0  }
0x20: {  	[sflag:s8] =	ssyncset.s32 @!p0 $0xFFFFF086;
	s6 =	sadd.s32 @!p0 s3, s7;
	s7 =	simm.s32 @!p0 $0x108  }
0x21: {  	s3 =	sadd.s32 s3, s9;
	s6 =	sadd.s32 @!p0 $0x88, s6;
	s7 =	simm.s32 @p2 $0x1082  }
0x22: {  	[simem:s7], [sflag:s8] =	dma.local @!p0 [hbm:s6], $0xF7A  }
0x23: {  	s9 =	sor.u32 $0xD0000000, s2;
	s6 =	simm.s32 $0x108;
	_ =	swait.ge @!p0 [sflag:s8], $0x0  }
0x24: {  	s3 =	sadd.s32 $0x88, s3;
	s6 =	simm.s32 @!p1 $0x1082;
	[sflag:s4] =	ssyncset.s32 $0xFFFFF086  }
0x25: {  	[simem:s6], [sflag:s4] =	dma.local [hbm:s3], $0xF7A  }
0x26: {  	[smem:$0x3F92] =	sst s1;
	(tag) =	ssettag s2;
	_ =	strace s9  }
0x27: {  	s1 =	sld [smem:$0x3FA2]  }
0x28: {  	s2 =	sld [smem:$0x3FA3]  }
0x29: {  	s4 =	sld [smem:$0x3FA5]  }
0x2a: {  	p0 =	seq.s32 s5, $0x0;
	s5 =	sld [smem:$0x3FA6]  }
0x2b: {  	s6 =	sld [smem:$0x3FA7]  }
0x2c: {  	s7 =	sld [smem:$0x3FA8]  }
0x2d: {  	s3 =	simm.s32 $0x108;
	s8 =	sld [smem:$0x3FA9]  }
0x2e: {  	s3 =	simm.s32 @!p0 $0x1082;
	s9 =	sld [smem:$0x3FAA]  }
0x2f: {  	lr =	sadd.s32 s0, s3;
	s0 =	sld [smem:$0x3FA1]  }
0x30: {  	s3 =	sld [smem:$0x3FA4]  }
0x31: {  	[smem:$0x3FAD] =	sst s10  }
0x32: {  	s10 =	sld [smem:$0x3FAB];
	_ =	sdelay $0x3  }
0x33: {  	p0 =	seq.s32 s10, $0x1;
	s10 =	sld [smem:$0x3FAD];
	_ =	sdelay $0x3  }
0x34: {  	[smem:$0x3FAD] =	sst s10  }
0x35: {  	s10 =	sld [smem:$0x3FAC];
	_ =	sdelay $0x3  }
0x36: {  	p1 =	seq.s32 s10, $0x1;
	s10 =	sld [smem:$0x3FAD];
	_ =	sdelay $0x3  }
0x37: {  	[smem:$0x3FAD] =	sst s10  }
0x38: {  	s10 =	sld [smem:$0x3FAE]  }
0x39: {  	_ = 	snop;
	(pc) =	sbr.ind lr, $3  }
0x3a: {  	_ = 	snop  }
0x3b: {  	_ = 	snop  }
0x3c: {  	p2 =	seq.s32 s10, $0x1;
	s10 =	sld [smem:$0x3FAD]  }
0x3d: {  	_ =	shalt  }
0x3e: {  	_ =	shalt  }
0x3f: {  	_ =	shalt  }
0x40: {  	_ =	shalt  }
0x41: {  	_ =	shalt  }
0x42: {  	_ =	shalt  }
0x43: {  	_ =	shalt  }
0x44: {  	_ =	shalt  }
0x45: {  	_ =	shalt  }
0x46: {  	_ =	shalt  }
0x47: {  	_ =	shalt  }
0x48: {  	_ =	shalt  }
0x49: {  	_ =	shalt  }
0x4a: {  	_ =	shalt  }
0x4b: {  	_ =	shalt  }
0x4c: {  	_ =	shalt  }
0x4d: {  	_ =	shalt  }
0x4e: {  	_ =	shalt  }
0x4f: {  	_ =	shalt  }
0x50: {  	_ =	shalt  }
0x51: {  	_ =	shalt  }
0x52: {  	_ =	shalt  }
0x53: {  	_ =	shalt  }
0x54: {  	_ =	shalt  }
0x55: {  	_ =	shalt  }
0x56: {  	_ =	shalt  }
0x57: {  	_ =	shalt  }
0x58: {  	_ =	shalt  }
0x59: {  	_ =	shalt  }
0x5a: {  	_ =	shalt  }
0x5b: {  	_ =	shalt  }
0x5c: {  	_ =	shalt  }
0x5d: {  	_ =	shalt  }
0x5e: {  	_ =	shalt  }
0x5f: {  	_ =	shalt  }
0x60: {  	_ =	shalt  }
0x61: {  	_ =	shalt  }
0x62: {  	_ =	shalt  }
0x63: {  	_ =	shalt  }
0x64: {  	_ =	shalt  }
0x65: {  	_ =	shalt  }
0x66: {  	_ =	shalt  }
0x67: {  	_ =	shalt  }
0x68: {  	_ =	shalt  }
0x69: {  	_ =	shalt  }
0x6a: {  	_ =	shalt  }
0x6b: {  	_ =	shalt  }
0x6c: {  	_ =	shalt  }
0x6d: {  	_ =	shalt  }
0x6e: {  	_ =	shalt  }
0x6f: {  	_ =	shalt  }
0x70: {  	_ =	shalt  }
0x71: {  	_ =	shalt  }
0x72: {  	_ =	shalt  }
0x73: {  	_ =	shalt  }
0x74: {  	_ =	shalt  }
0x75: {  	_ =	shalt  }
0x76: {  	_ =	shalt  }
0x77: {  	_ =	shalt  }
0x78: {  	_ =	shalt  }
0x79: {  	_ =	shalt  }
0x7a: {  	_ =	shalt  }
0x7b: {  	_ =	shalt  }
0x7c: {  	_ =	shalt  }
0x7d: {  	_ =	shalt  }
0x7e: {  	_ =	shalt  }
0x7f: {  	_ =	shalt  }
0x80: {  	_ =	shalt  }
0x81: {  	_ =	shalt  }
0x82: {  	_ =	shalt  }
0x83: {  	_ =	shalt  }
0x84: {  	_ =	shalt  }
0x85: {  	_ =	shalt  }
0x86: {  	_ =	shalt  }
0x87: {  	_ =	shalt  }
.Lfunc_end0:
.L_simem_size_0:
called_computation_lowered:
.L_overlay_start_0:
0x88: {  	s2 =	sld [smem:$0x3FD9]  }
0x89: {  	s3 =	sld [smem:$0x3FFE];
	_ =	sdelay $0x1  }
0x8a: {  	s1 =	srdreg.scid  }
0x8b: {  	s0 =	sand.u32 $0x1, s1  }
0x8c: {  	s16 =	sshll.u32 s0, $0xA;
	s2 =	sadd.s32 s3, s2  }
0x8d: {  	s2 =	sadd.s32 s2, s16  }
0x8e: {  	[smem:$0x3FB9] =	sst s2  }
0x8f: {  	_ = 	snop  }
0x90: {  	(tm) =	ssettm $0x1  }
0x91: {  	s17 =	sld [smem:$0x3FFB];
	_ =	sdelay $0x3  }
0x92: {  	_ =	strace s17  }
0x93: {  	s2 =	sld [smem:$0x3FFC];
	_ =	sdelay $0x3  }
0x94: {  	_ =	strace s2  }
0x95: {  	s2 =	sld [smem:$0x3FFD];
	_ =	sdelay $0x3  }
0x96: {  	_ =	strace s2  }
0x97: {  	_ =	strace $0x8FFFFFFF  }
0x98: {  	s18 =	sld [smem:$0x3FDB];
	_ =	sdelay $0x1  }
0x99: {  	s19 =	simm.s32 $_scs_section_size  }
0x9a: {  	s4 =	simm.s32 $_size__tile_overlayer_lowered;
	s5 =	simm.s32 $_tile_overlayer_lowered  }
0x9b: {  	s22 =	simm.s32 $0x1BFF;
	s21 =	sshll.u32 s5, $0x1;
	s2 =	sadd.s32 s19, s18  }
0x9c: {  	s6 =	simm.s32 $0x0;
	s20 =	sshll.u32 s4, $0x1;
	s4 =	sadd.s32 s21, s2  }
0x9d: {  	[timem:s6], [sflag:s22] =	dma.local [hbm:s4], s20  }
0x9e: {  	_ =	swait.ge [sflag:s22], s20  }
0x9f: {  	s3 =	ssub.s32 $0x0, s20;
	[sflag:s22] =	ssyncset.done $0x0  }
0xa0: {  	[sflag:s22] =	ssyncadd.s32 s3;
	_ =	sdelay $0x1  }
0xa1: {  	s23 =	simm.s32 $0x1B8B  }
0xa2: {  	_ =	swait.ge [sflag:s23], $0x1  }
0xa3: {  	[sflag:s23] =	ssyncset.done $0x0  }
0xa4: {  	s25 =	simm.s32 $0x1B8E;
	s24 =	sld [smem:$0x3FFE];
	[sflag:s23] =	ssyncadd.s32 $0xFFFFFFFF  }
0xa5: {  	s26 =	simm.s32 $execute0_lowered;
	[smem:$0x3FD2] =	sst s25  }
0xa6: {  	s4 =	sshll.u32 s26, $0x1;
	_ =	strace $0x80000046;
	[dreg:$0x1] =	wrdreg $0xFFFFFFFF  }
0xa7: {  	s28 =	simm.s32 $_size_execute0_lowered;
	s2 =	sadd.s32 s2, s4;
	[dreg:$0x0] =	wrdreg $0x0  }
0xa8: {  	s4 =	sshll.u32 s28, $0x1;
	[dreg:$0x2] =	wrdreg s2  }
0xa9: {  	[dreg:$0x3] =	wrdreg s4  }
0xaa: {  	[dreg:$0x4] =	wrdreg $0xC0  }
0xab: {  	_ =	task [dreg:s6], $0x5FFFF  }
0xac: {  	[dreg:$0x1] =	wrdreg $0xFFFFFFFF  }
0xad: {  	[dreg:$0x0] =	wrdreg $0x60  }
0xae: {  	[dreg:$0x2] =	wrdreg s24  }
0xaf: {  	[dreg:$0x3] =	wrdreg $0x9  }
0xb0: {  	_ =	task.clear_ibuf [dreg:s6], $0x4FFFF;
	_ =	strace $0x90000046  }
0xb1: {  	s29 =	simm.s32 $0x9;
	_ =	strace $0x80000048  }
0xb2: {  	_ =	swait.ge [sflag:s29], $0x1  }
0xb3: {  	[sflag:s29] =	ssyncadd.s32 $0xFFFFFFFF  }
0xb4: {  	_ =	strace $0x90000048  }
0xb5: {  	_ =	sfence  }
0xb6: {  	s30 =	sld [smem:$0x0];
	_ =	sdelay $0x2  }
0xb7: {  	s31 =	sshll.u32 s1, $0xD;
	s1 =	sshrl.u32 s1, $0x2  }
0xb8: {  	s3 =	sand.u32 $0x4000, s31;
	s1 =	sadd.s32 s1, s30  }
0xb9: {  	s0 =	sor.u32 s3, s0;
	s1 =	sshll.u32 s1, $0x11  }
0xba: {  	s0 =	sor.u32 s1, s0  }
0xbb: {  	s0 =	sadd.s32 $0x8F2B, s0  }
0xbc: {  	[sflag:s0] =	ssyncadd.remote.s32 $0x1  }
0xbd: {  	_ =	sfence.sel $0xFFFF  }
0xbe: {  	[dreg:$0x0] =	wrdreg $0xFFFFFFFF;
	(pc) =	sbr.abs _section_cstart, $3  }
0xbf: {  	[dreg:$0x1] =	wrdreg $0xFFFFFFFF  }
0xc0: {  	_ =	task.clear_ibuf [dreg:s6], $0x2FFFF;
	_ =	strace $0x9FFFFFFF  }
0xc1: {  	(tm) =	ssettm $0x7FFFFFFF  }
tec
execute0_lowered:
.L_overlay_start_1:
0x0: {  	(tag) =	ssettag $0x1  }
0x1: {  	s0 =	srdreg.scid  }
0x2: {  	s2 =	stileid.u32;
	s1 =	rddreg [dreg:$0x0]  }
0x3: {  	s16 =	simm.s32 $0x11F00;
	s12 =	simm.s32 $0x13700;
	s15 =	simm.s32 $0x1  }
0x4: {  	s13 =	simm.s32 $0x5;
	s14 =	simm.s32 $0x18F00;
	s17 =	simm.s32 $0x2  }
0x5: {  	s18 =	simm.s32 $0x6;
	s19 =	simm.s32 $0x1B700;
	s20 =	simm.s32 $0x3  }
0x6: {  	s21 =	simm.s32 $0x7;
	s22 =	simm.s32 $0x9;
	s23 =	simm.s32 $0x4  }
0x7: {  	s24 =	simm.s32 $0x8;
	s0 =	sand.u32 $0x1, s0;
	s3 =	sshll.u32 s2, $0x1  }
0x8: {  	s25 =	simm.s32 $0xA;
	s2 =	simm.s32 $0x0;
	s6 =	sor.u32 s0, s3  }
0x9: {  	s4 =	sadd.s32 $0x15200, s1;
	s5 =	sadd.s32 $0x63400, s1;
	s3 =	smul.u32 $0x2710, s6  }
0xa: {  	[smem:$0x7FF] =	sst s2;
	s0 =	ssub.s32 $0x2, s0;
	s8 =	smul.u32 $0x271000, s6  }
0xb: {  	_ =	strace $0x80000047;
	s6 =	sadd.s32 $0xB1600, s1;
	s28 =	sshrl.u32 s0, $0x1  }
0xc: {  	s0 =	ssub.s32 s0, s28;
	s7 =	sshrl.u32 s3, $0x3;
	s30 =	sshrl.u32 s8, $0x3  }
0xd: {  	s9 =	sadd.s32 $0x28, s3;
	s0 =	smax.u32 s0, $0x1;
	s7 =	sadd.s32 s7, s1  }
0xe: {  	s10 =	sadd.s32 $0x50, s3;
	[dreg:$0x6] =	wrdreg s0;
	s29 =	sadd.s32 $0x1800, s7  }
0xf: {  	s1 =	sadd.s32 s6, s30;
	s7 =	sadd.s32 $0xB440, s7;
	[dreg:$0x2] =	wrdreg s29  }
0x10: {  	v2 =	vlaneseq.u32;
	s11 =	sadd.s32 $0x78, s3;
	s31 =	sadd.s32 $0x4D800, s1;
	[dreg:$0x3] =	wrdreg s7  }
0x11: {  	vm0 =	vmmov $0xffff;
	v3 =	vimm.bf16 $1.0010e-02;
	v1 =	vshrl.u32 v2, $0x3;
	s8 =	simm.s32 $0x12F00;
	s1 =	sadd.s32 $0x4DD00, s1;
	[dreg:$0x4] =	wrdreg s31  }
0x12: {  	v0 =	vand.u32 $0x7, v2;
	v2 =	vor.u32 $0x8, v2;
	v1 =	vmul.u32 $0x8, v1;
	[dreg:$0x5] =	wrdreg s1;
	s7 =	simm.s32 $0x12700;
	s1 =	simm.s32 $0x0  }
.LBB2_1:
0x13: {  	[dreg:$0x7] =	wrdreg s1  }
0x14: {  	s0 =	rddreg [dreg:$0x2];
	s30 =	simm.s32 $0xB  }
0x15: {  	[tilespmem:s2], [sflag:$0xB] =	stream.linear.gather [hbm4b:s0+s2], $0x2710, $0x38;
	[tilespmem:$0x1DF00] =	vst v63  }
0x16: {  	_ =	swait.ge [sflag:s30], $0x2710  }
0x17: {  	[sflag:s30] =	ssyncset.done $0x0  }
0x18: {  	s26 =	simm.s32 $0x2780;
	s31 =	rddreg [dreg:$0x3];
	[sflag:s30] =	ssyncadd.s32 $0xFFFFD8F0  }
0x19: {  	[tilespmem:s26], [sflag:$0xB] =	stream.linear.gather [hbm4b:s31+s2], $0x2710, $0x38;
	[tilespmem:$0x1DF00] =	vst v63  }
0x1a: {  	_ =	swait.ge [sflag:s30], $0x2710  }
0x1b: {  	[sflag:s30] =	ssyncset.done $0x0  }
0x1c: {  	[sflag:s30] =	ssyncadd.s32 $0xFFFFD8F0  }
0x1d: {  	v4 =	vld [tilespmem:$0x0];
	_ =	sdelay $0x4  }
0x1e: {  	v5 =	vshll.u32 v4, $0x1  }
0x1f: {  	v4 =	vand.u32 $0x7, v4;
	v5 =	vand.u32 $0xFFFFFFF0, v5  }
0x20: {  	v4 =	vor.u32 v4, v5  }
0x21: {  	v5 =	vperm.xlane v4, v0;
	_ =	sdelay $0x1  }
0x22: {  	v4 =	vperm.xlane v4, v2;
	v5 =	vadd.s32 v1, v5;
	_ =	sdelay $0x1  }
0x23: {  	v4 =	vadd.s32 v1, v4;
	_ =	sdelay $0x1  }
0x24: {  	s1 =	simm.s32 $0x4F00  }
0x25: {  	[tilespmem:s1], [sflag:$0x1] =	stream.indirect_vreg.gather [hbm4b:s4+s2], $0x80, v5, vm0, $0xb8;
	[tilespmem:$0x1DF00] =	vst v63  }
0x26: {  	s26 =	simm.s32 $0x5700  }
0x27: {  	[tilespmem:s26], [sflag:$0x1] =	stream.indirect_vreg.gather [hbm4b:s4+s2], $0x80, v4, vm0, $0xb8;
	[tilespmem:$0x1DF00] =	vst v63  }
0x28: {  	v4 =	vld [tilespmem:$0x10];
	_ =	sdelay $0x4  }
0x29: {  	v5 =	vshll.u32 v4, $0x1  }
0x2a: {  	v4 =	vand.u32 $0x7, v4;
	v5 =	vand.u32 $0xFFFFFFF0, v5  }
0x2b: {  	v4 =	vor.u32 v4, v5  }
0x2c: {  	v5 =	vperm.xlane v4, v0;
	_ =	sdelay $0x1  }
0x2d: {  	v4 =	vperm.xlane v4, v2;
	v5 =	vadd.s32 v1, v5;
	_ =	sdelay $0x1  }
0x2e: {  	v4 =	vadd.s32 v1, v4;
	_ =	sdelay $0x1  }
0x2f: {  	s28 =	simm.s32 $0x5F00  }
0x30: {  	[tilespmem:s28], [sflag:$0x1] =	stream.indirect_vreg.gather [hbm4b:s4+s2], $0x80, v5, vm0, $0xb8;
	[tilespmem:$0x1DF00] =	vst v63  }
0x31: {  	s29 =	simm.s32 $0x6700  }
0x32: {  	[tilespmem:s29], [sflag:$0x1] =	stream.indirect_vreg.gather [hbm4b:s4+s2], $0x80, v4, vm0, $0xb8;
	[tilespmem:$0x1DF00] =	vst v63  }
0x33: {  	v4 =	vld.msk [tilespmem:$0x20], $0xff;
	_ =	sdelay $0x4  }
0x34: {  	v5 =	vshll.u32 v4, $0x1  }
0x35: {  	v4 =	vand.u32 $0x7, v4;
	v5 =	vand.u32 $0xFFFFFFF0, v5  }
0x36: {  	v4 =	vor.u32 v4, v5  }
0x37: {  	v4 =	vperm.xlane v4, v0;
	_ =	sdelay $0x1  }
0x38: {  	v4 =	vadd.s32 v1, v4;
	_ =	sdelay $0x3  }
0x39: {  	s30 =	simm.s32 $0x6F00  }
0x3a: {  	[tilespmem:s30], [sflag:$0x1] =	stream.indirect_vreg.gather [hbm4b:s4+s2], $0x80, v4, vm0, $0xb8;
	[tilespmem:$0x1DF00] =	vst v63  }
0x3b: {  	v4 =	vld [tilespmem:$0x2780];
	_ =	sdelay $0x4  }
0x3c: {  	v5 =	vshll.u32 v4, $0x1  }
0x3d: {  	v4 =	vand.u32 $0x7, v4;
	v5 =	vand.u32 $0xFFFFFFF0, v5  }
0x3e: {  	v4 =	vor.u32 v4, v5  }
0x3f: {  	v5 =	vperm.xlane v4, v0;
	_ =	sdelay $0x1  }
0x40: {  	v4 =	vperm.xlane v4, v2;
	v5 =	vadd.s32 v1, v5;
	_ =	sdelay $0x1  }
0x41: {  	v4 =	vadd.s32 v1, v4;
	_ =	sdelay $0x1  }
0x42: {  	s31 =	simm.s32 $0xEF00  }
0x43: {  	[tilespmem:s31], [sflag:$0x5] =	stream.indirect_vreg.gather [hbm4b:s5+s2], $0x80, v5, vm0, $0xb8;
	[tilespmem:$0x1DF00] =	vst v63  }
0x44: {  	s1 =	simm.s32 $0xF700  }
0x45: {  	[tilespmem:s1], [sflag:$0x5] =	stream.indirect_vreg.gather [hbm4b:s5+s2], $0x80, v4, vm0, $0xb8;
	[tilespmem:$0x1DF00] =	vst v63  }
0x46: {  	v4 =	vld [tilespmem:$0x2790];
	_ =	sdelay $0x4  }
0x47: {  	v5 =	vshll.u32 v4, $0x1  }
0x48: {  	v4 =	vand.u32 $0x7, v4;
	v5 =	vand.u32 $0xFFFFFFF0, v5  }
0x49: {  	v4 =	vor.u32 v4, v5  }
0x4a: {  	v5 =	vperm.xlane v4, v0;
	_ =	sdelay $0x1  }
0x4b: {  	v4 =	vperm.xlane v4, v2;
	v5 =	vadd.s32 v1, v5;
	_ =	sdelay $0x1  }
0x4c: {  	v4 =	vadd.s32 v1, v4;
	_ =	sdelay $0x1  }
0x4d: {  	s26 =	simm.s32 $0xFF00  }
0x4e: {  	[tilespmem:s26], [sflag:$0x5] =	stream.indirect_vreg.gather [hbm4b:s5+s2], $0x80, v5, vm0, $0xb8;
	[tilespmem:$0x1DF00] =	vst v63  }
0x4f: {  	s28 =	simm.s32 $0x10700  }
0x50: {  	[tilespmem:s28], [sflag:$0x5] =	stream.indirect_vreg.gather [hbm4b:s5+s2], $0x80, v4, vm0, $0xb8;
	[tilespmem:$0x1DF00] =	vst v63  }
0x51: {  	v4 =	vld.msk [tilespmem:$0x27A0], $0xff;
	_ =	sdelay $0x4  }
0x52: {  	v5 =	vshll.u32 v4, $0x1  }
0x53: {  	v4 =	vand.u32 $0x7, v4;
	v5 =	vand.u32 $0xFFFFFFF0, v5  }
0x54: {  	v4 =	vor.u32 v4, v5  }
0x55: {  	v4 =	vperm.xlane v4, v0;
	_ =	sdelay $0x1  }
0x56: {  	v4 =	vadd.s32 v1, v4;
	_ =	sdelay $0x3  }
0x57: {  	s29 =	simm.s32 $0x10F00  }
0x58: {  	[tilespmem:s29], [sflag:$0x5] =	stream.indirect_vreg.gather [hbm4b:s5+s2], $0x80, v4, vm0, $0xb8;
	[tilespmem:$0x1DF00] =	vst v63  }
0x59: {  	v4 =	vld [tilespmem:$0x28];
	_ =	sdelay $0x4  }
0x5a: {  	v5 =	vshll.u32 v4, $0x1  }
0x5b: {  	v4 =	vand.u32 $0x7, v4;
	v5 =	vand.u32 $0xFFFFFFF0, v5  }
0x5c: {  	v4 =	vor.u32 v4, v5  }
0x5d: {  	v5 =	vperm.xlane v4, v0;
	_ =	sdelay $0x1  }
0x5e: {  	v4 =	vperm.xlane v4, v2;
	v5 =	vadd.s32 v1, v5;
	_ =	sdelay $0x1  }
0x5f: {  	v4 =	vadd.s32 v1, v4;
	_ =	sdelay $0x1  }
0x60: {  	s30 =	simm.s32 $0x7700  }
0x61: {  	[tilespmem:s30], [sflag:$0x2] =	stream.indirect_vreg.gather [hbm4b:s4+s2], $0x80, v5, vm0, $0xb8;
	[tilespmem:$0x1DF00] =	vst v63  }
0x62: {  	s31 =	simm.s32 $0x7F00  }
0x63: {  	[tilespmem:s31], [sflag:$0x2] =	stream.indirect_vreg.gather [hbm4b:s4+s2], $0x80, v4, vm0, $0xb8;
	[tilespmem:$0x1DF00] =	vst v63  }
0x64: {  	v4 =	vld [tilespmem:$0x38];
	_ =	sdelay $0x4  }
0x65: {  	v5 =	vshll.u32 v4, $0x1  }
0x66: {  	v4 =	vand.u32 $0x7, v4;
	v5 =	vand.u32 $0xFFFFFFF0, v5  }
0x67: {  	v4 =	vor.u32 v4, v5  }
0x68: {  	v5 =	vperm.xlane v4, v0;
	_ =	sdelay $0x1  }
0x69: {  	v4 =	vperm.xlane v4, v2;
	v5 =	vadd.s32 v1, v5;
	_ =	sdelay $0x1  }
0x6a: {  	v4 =	vadd.s32 v1, v4;
	_ =	sdelay $0x1  }
0x6b: {  	s1 =	simm.s32 $0x8700  }
0x6c: {  	[tilespmem:s1], [sflag:$0x2] =	stream.indirect_vreg.gather [hbm4b:s4+s2], $0x80, v5, vm0, $0xb8;
	[tilespmem:$0x1DF00] =	vst v63  }
0x6d: {  	s26 =	simm.s32 $0x8F00  }
0x6e: {  	[tilespmem:s26], [sflag:$0x2] =	stream.indirect_vreg.gather [hbm4b:s4+s2], $0x80, v4, vm0, $0xb8;
	[tilespmem:$0x1DF00] =	vst v63  }
0x6f: {  	v4 =	vld.msk [tilespmem:$0x48], $0xff;
	_ =	sdelay $0x4  }
0x70: {  	v5 =	vshll.u32 v4, $0x1  }
0x71: {  	v4 =	vand.u32 $0x7, v4;
	v5 =	vand.u32 $0xFFFFFFF0, v5  }
0x72: {  	v4 =	vor.u32 v4, v5  }
0x73: {  	v4 =	vperm.xlane v4, v0;
	_ =	sdelay $0x1  }
0x74: {  	v4 =	vadd.s32 v1, v4;
	_ =	sdelay $0x3  }
0x75: {  	s28 =	simm.s32 $0x9700  }
0x76: {  	[tilespmem:s28], [sflag:$0x2] =	stream.indirect_vreg.gather [hbm4b:s4+s2], $0x80, v4, vm0, $0xb8;
	[tilespmem:$0x1DF00] =	vst v63  }
0x77: {  	v4 =	vld [tilespmem:$0x27A8];
	_ =	sdelay $0x4  }
0x78: {  	v5 =	vshll.u32 v4, $0x1  }
0x79: {  	v4 =	vand.u32 $0x7, v4;
	v5 =	vand.u32 $0xFFFFFFF0, v5  }
0x7a: {  	v4 =	vor.u32 v4, v5  }
0x7b: {  	v5 =	vperm.xlane v4, v0;
	_ =	sdelay $0x1  }
0x7c: {  	v4 =	vperm.xlane v4, v2;
	v5 =	vadd.s32 v1, v5;
	_ =	sdelay $0x1  }
0x7d: {  	v4 =	vadd.s32 v1, v4;
	_ =	sdelay $0x1  }
0x7e: {  	s29 =	simm.s32 $0x11700  }
0x7f: {  	[tilespmem:s29], [sflag:$0x6] =	stream.indirect_vreg.gather [hbm4b:s5+s2], $0x80, v5, vm0, $0xb8;
	[tilespmem:$0x1DF00] =	vst v63  }
0x80: {  	_ = 	snop  }
0x81: {  	[tilespmem:s16], [sflag:$0x6] =	stream.indirect_vreg.gather [hbm4b:s5+s2], $0x80, v4, vm0, $0xb8;
	[tilespmem:$0x1DF00] =	vst v63  }
0x82: {  	v4 =	vld [tilespmem:$0x27B8];
	_ =	sdelay $0x4  }
0x83: {  	v5 =	vshll.u32 v4, $0x1  }
0x84: {  	v4 =	vand.u32 $0x7, v4;
	v5 =	vand.u32 $0xFFFFFFF0, v5  }
0x85: {  	v4 =	vor.u32 v4, v5  }
0x86: {  	v5 =	vperm.xlane v4, v0;
	_ =	sdelay $0x1  }
0x87: {  	v4 =	vperm.xlane v4, v2;
	v5 =	vadd.s32 v1, v5;
	_ =	sdelay $0x1  }
0x88: {  	v4 =	vadd.s32 v1, v4;
	_ =	sdelay $0x2  }
0x89: {  	[tilespmem:s7], [sflag:$0x6] =	stream.indirect_vreg.gather [hbm4b:s5+s2], $0x80, v5, vm0, $0xb8;
	[tilespmem:$0x1DF00] =	vst v63  }
0x8a: {  	_ = 	snop  }
0x8b: {  	[tilespmem:s8], [sflag:$0x6] =	stream.indirect_vreg.gather [hbm4b:s5+s2], $0x80, v4, vm0, $0xb8;
	[tilespmem:$0x1DF00] =	vst v63  }
0x8c: {  	v4 =	vld.msk [tilespmem:$0x27C8], $0xff;
	_ =	sdelay $0x4  }
0x8d: {  	v5 =	vshll.u32 v4, $0x1  }
0x8e: {  	v4 =	vand.u32 $0x7, v4;
	v5 =	vand.u32 $0xFFFFFFF0, v5  }
0x8f: {  	v4 =	vor.u32 v4, v5  }
0x90: {  	v4 =	vperm.xlane v4, v0;
	_ =	sdelay $0x1  }
0x91: {  	v4 =	vadd.s32 v1, v4;
	_ =	sdelay $0x4  }
0x92: {  	[tilespmem:s12], [sflag:$0x6] =	stream.indirect_vreg.gather [hbm4b:s5+s2], $0x80, v4, vm0, $0xb8;
	[tilespmem:$0x1DF00] =	vst v63  }
0x93: {  	v4 =	vld [tilespmem:$0x50];
	_ =	sdelay $0x4  }
0x94: {  	v5 =	vshll.u32 v4, $0x1  }
0x95: {  	v4 =	vand.u32 $0x7, v4;
	v5 =	vand.u32 $0xFFFFFFF0, v5  }
0x96: {  	v4 =	vor.u32 v4, v5  }
0x97: {  	v5 =	vperm.xlane v4, v0;
	_ =	sdelay $0x1  }
0x98: {  	v4 =	vperm.xlane v4, v2;
	v5 =	vadd.s32 v1, v5;
	_ =	sdelay $0x1  }
0x99: {  	v4 =	vadd.s32 v1, v4;
	_ =	sdelay $0x1  }
0x9a: {  	s30 =	simm.s32 $0x9F00  }
0x9b: {  	[tilespmem:s30], [sflag:$0x3] =	stream.indirect_vreg.gather [hbm4b:s4+s2], $0x80, v5, vm0, $0xb8;
	[tilespmem:$0x1DF00] =	vst v63  }
0x9c: {  	s31 =	simm.s32 $0xA700  }
0x9d: {  	[tilespmem:s31], [sflag:$0x3] =	stream.indirect_vreg.gather [hbm4b:s4+s2], $0x80, v4, vm0, $0xb8;
	[tilespmem:$0x1DF00] =	vst v63  }
0x9e: {  	v4 =	vld [tilespmem:$0x60];
	_ =	sdelay $0x4  }
0x9f: {  	v5 =	vshll.u32 v4, $0x1  }
0xa0: {  	v4 =	vand.u32 $0x7, v4;
	v5 =	vand.u32 $0xFFFFFFF0, v5  }
0xa1: {  	v4 =	vor.u32 v4, v5  }
0xa2: {  	v5 =	vperm.xlane v4, v0;
	_ =	sdelay $0x1  }
0xa3: {  	v4 =	vperm.xlane v4, v2;
	v5 =	vadd.s32 v1, v5;
	_ =	sdelay $0x1  }
0xa4: {  	v4 =	vadd.s32 v1, v4;
	_ =	sdelay $0x1  }
0xa5: {  	s1 =	simm.s32 $0xAF00  }
0xa6: {  	[tilespmem:s1], [sflag:$0x3] =	stream.indirect_vreg.gather [hbm4b:s4+s2], $0x80, v5, vm0, $0xb8;
	[tilespmem:$0x1DF00] =	vst v63  }
0xa7: {  	s26 =	simm.s32 $0xB700  }
0xa8: {  	[tilespmem:s26], [sflag:$0x3] =	stream.indirect_vreg.gather [hbm4b:s4+s2], $0x80, v4, vm0, $0xb8;
	[tilespmem:$0x1DF00] =	vst v63  }
0xa9: {  	v4 =	vld.msk [tilespmem:$0x70], $0xff;
	_ =	sdelay $0x4  }
0xaa: {  	v5 =	vshll.u32 v4, $0x1  }
0xab: {  	v4 =	vand.u32 $0x7, v4;
	v5 =	vand.u32 $0xFFFFFFF0, v5  }
0xac: {  	v4 =	vor.u32 v4, v5  }
0xad: {  	v4 =	vperm.xlane v4, v0;
	_ =	sdelay $0x1  }
0xae: {  	v4 =	vadd.s32 v1, v4;
	_ =	sdelay $0x3  }
0xaf: {  	s28 =	simm.s32 $0xBF00  }
0xb0: {  	[tilespmem:s28], [sflag:$0x3] =	stream.indirect_vreg.gather [hbm4b:s4+s2], $0x80, v4, vm0, $0xb8;
	[tilespmem:$0x1DF00] =	vst v63  }
0xb1: {  	v4 =	vld [tilespmem:$0x27D0];
	_ =	sdelay $0x4  }
0xb2: {  	v5 =	vshll.u32 v4, $0x1  }
0xb3: {  	v4 =	vand.u32 $0x7, v4;
	v5 =	vand.u32 $0xFFFFFFF0, v5  }
0xb4: {  	v4 =	vor.u32 v4, v5  }
0xb5: {  	v5 =	vperm.xlane v4, v0;
	_ =	sdelay $0x1  }
0xb6: {  	v4 =	vperm.xlane v4, v2;
	v5 =	vadd.s32 v1, v5;
	_ =	sdelay $0x1  }
0xb7: {  	v4 =	vadd.s32 v1, v4;
	_ =	sdelay $0x1  }
0xb8: {  	s29 =	simm.s32 $0x13F00  }
0xb9: {  	[tilespmem:s29], [sflag:$0x7] =	stream.indirect_vreg.gather [hbm4b:s5+s2], $0x80, v5, vm0, $0xb8;
	[tilespmem:$0x1DF00] =	vst v63  }
0xba: {  	s30 =	simm.s32 $0x14700  }
0xbb: {  	[tilespmem:s30], [sflag:$0x7] =	stream.indirect_vreg.gather [hbm4b:s5+s2], $0x80, v4, vm0, $0xb8;
	[tilespmem:$0x1DF00] =	vst v63  }
0xbc: {  	v4 =	vld [tilespmem:$0x27E0];
	_ =	sdelay $0x4  }
0xbd: {  	v5 =	vshll.u32 v4, $0x1  }
0xbe: {  	v4 =	vand.u32 $0x7, v4;
	v5 =	vand.u32 $0xFFFFFFF0, v5  }
0xbf: {  	v4 =	vor.u32 v4, v5  }
0xc0: {  	v5 =	vperm.xlane v4, v0;
	_ =	sdelay $0x1  }
0xc1: {  	v4 =	vperm.xlane v4, v2;
	v5 =	vadd.s32 v1, v5;
	_ =	sdelay $0x1  }
0xc2: {  	v4 =	vadd.s32 v1, v4;
	_ =	sdelay $0x1  }
0xc3: {  	s31 =	simm.s32 $0x14F00  }
0xc4: {  	[tilespmem:s31], [sflag:$0x7] =	stream.indirect_vreg.gather [hbm4b:s5+s2], $0x80, v5, vm0, $0xb8;
	[tilespmem:$0x1DF00] =	vst v63  }
0xc5: {  	s1 =	simm.s32 $0x15700  }
0xc6: {  	[tilespmem:s1], [sflag:$0x7] =	stream.indirect_vreg.gather [hbm4b:s5+s2], $0x80, v4, vm0, $0xb8;
	[tilespmem:$0x1DF00] =	vst v63  }
0xc7: {  	v4 =	vld.msk [tilespmem:$0x27F0], $0xff;
	_ =	sdelay $0x4  }
0xc8: {  	v5 =	vshll.u32 v4, $0x1  }
0xc9: {  	v4 =	vand.u32 $0x7, v4;
	v5 =	vand.u32 $0xFFFFFFF0, v5  }
0xca: {  	v4 =	vor.u32 v4, v5  }
0xcb: {  	v4 =	vperm.xlane v4, v0;
	_ =	sdelay $0x1  }
0xcc: {  	v4 =	vadd.s32 v1, v4;
	_ =	sdelay $0x3  }
0xcd: {  	s26 =	simm.s32 $0x15F00  }
0xce: {  	[tilespmem:s26], [sflag:$0x7] =	stream.indirect_vreg.gather [hbm4b:s5+s2], $0x80, v4, vm0, $0xb8;
	[tilespmem:$0x1DF00] =	vst v63  }
0xcf: {  	v4 =	vld [tilespmem:$0x78];
	_ =	sdelay $0x4  }
0xd0: {  	v5 =	vshll.u32 v4, $0x1  }
0xd1: {  	v4 =	vand.u32 $0x7, v4;
	v5 =	vand.u32 $0xFFFFFFF0, v5  }
0xd2: {  	v4 =	vor.u32 v4, v5  }
0xd3: {  	v5 =	vperm.xlane v4, v0;
	_ =	sdelay $0x1  }
0xd4: {  	v4 =	vperm.xlane v4, v2;
	v5 =	vadd.s32 v1, v5;
	_ =	sdelay $0x1  }
0xd5: {  	v4 =	vadd.s32 v1, v4;
	_ =	sdelay $0x1  }
0xd6: {  	s28 =	simm.s32 $0xC700  }
0xd7: {  	[tilespmem:s28], [sflag:$0x4] =	stream.indirect_vreg.gather [hbm4b:s4+s2], $0x80, v5, vm0, $0xb8;
	[tilespmem:$0x1DF00] =	vst v63  }
0xd8: {  	s29 =	simm.s32 $0xCF00  }
0xd9: {  	[tilespmem:s29], [sflag:$0x4] =	stream.indirect_vreg.gather [hbm4b:s4+s2], $0x80, v4, vm0, $0xb8;
	[tilespmem:$0x1DF00] =	vst v63  }
0xda: {  	v4 =	vld [tilespmem:$0x88];
	_ =	sdelay $0x4  }
0xdb: {  	v5 =	vshll.u32 v4, $0x1  }
0xdc: {  	v4 =	vand.u32 $0x7, v4;
	v5 =	vand.u32 $0xFFFFFFF0, v5  }
0xdd: {  	v4 =	vor.u32 v4, v5  }
0xde: {  	v5 =	vperm.xlane v4, v0;
	_ =	sdelay $0x1  }
0xdf: {  	v4 =	vperm.xlane v4, v2;
	v5 =	vadd.s32 v1, v5;
	_ =	sdelay $0x1  }
0xe0: {  	v4 =	vadd.s32 v1, v4;
	_ =	sdelay $0x1  }
0xe1: {  	s30 =	simm.s32 $0xD700  }
0xe2: {  	[tilespmem:s30], [sflag:$0x4] =	stream.indirect_vreg.gather [hbm4b:s4+s2], $0x80, v5, vm0, $0xb8;
	[tilespmem:$0x1DF00] =	vst v63  }
0xe3: {  	s31 =	simm.s32 $0xDF00  }
0xe4: {  	[tilespmem:s31], [sflag:$0x4] =	stream.indirect_vreg.gather [hbm4b:s4+s2], $0x80, v4, vm0, $0xb8;
	[tilespmem:$0x1DF00] =	vst v63  }
0xe5: {  	v4 =	vld.msk [tilespmem:$0x98], $0xff;
	_ =	sdelay $0x4  }
0xe6: {  	v5 =	vshll.u32 v4, $0x1  }
0xe7: {  	v4 =	vand.u32 $0x7, v4;
	v5 =	vand.u32 $0xFFFFFFF0, v5  }
0xe8: {  	v4 =	vor.u32 v4, v5  }
0xe9: {  	v4 =	vperm.xlane v4, v0;
	_ =	sdelay $0x1  }
0xea: {  	v4 =	vadd.s32 v1, v4;
	_ =	sdelay $0x3  }
0xeb: {  	s1 =	simm.s32 $0xE700  }
0xec: {  	[tilespmem:s1], [sflag:$0x4] =	stream.indirect_vreg.gather [hbm4b:s4+s2], $0x80, v4, vm0, $0xb8;
	[tilespmem:$0x1DF00] =	vst v63  }
0xed: {  	v4 =	vld [tilespmem:$0x27F8];
	_ =	sdelay $0x4  }
0xee: {  	v5 =	vshll.u32 v4, $0x1  }
0xef: {  	v4 =	vand.u32 $0x7, v4;
	v5 =	vand.u32 $0xFFFFFFF0, v5  }
0xf0: {  	v4 =	vor.u32 v4, v5  }
0xf1: {  	v5 =	vperm.xlane v4, v0;
	_ =	sdelay $0x1  }
0xf2: {  	v4 =	vperm.xlane v4, v2;
	v5 =	vadd.s32 v1, v5;
	_ =	sdelay $0x1  }
0xf3: {  	v4 =	vadd.s32 v1, v4;
	_ =	sdelay $0x1  }
0xf4: {  	s26 =	simm.s32 $0x16700  }
0xf5: {  	[tilespmem:s26], [sflag:$0x8] =	stream.indirect_vreg.gather [hbm4b:s5+s2], $0x80, v5, vm0, $0xb8;
	[tilespmem:$0x1DF00] =	vst v63  }
0xf6: {  	s28 =	simm.s32 $0x16F00  }
0xf7: {  	[tilespmem:s28], [sflag:$0x8] =	stream.indirect_vreg.gather [hbm4b:s5+s2], $0x80, v4, vm0, $0xb8;
	[tilespmem:$0x1DF00] =	vst v63  }
0xf8: {  	v4 =	vld [tilespmem:$0x2808];
	_ =	sdelay $0x4  }
0xf9: {  	v5 =	vshll.u32 v4, $0x1  }
0xfa: {  	v4 =	vand.u32 $0x7, v4;
	v5 =	vand.u32 $0xFFFFFFF0, v5  }
0xfb: {  	v4 =	vor.u32 v4, v5  }
0xfc: {  	v5 =	vperm.xlane v4, v0;
	_ =	sdelay $0x1  }
0xfd: {  	v4 =	vperm.xlane v4, v2;
	v5 =	vadd.s32 v1, v5;
	_ =	sdelay $0x1  }
0xfe: {  	v4 =	vadd.s32 v1, v4;
	_ =	sdelay $0x1  }
0xff: {  	s29 =	simm.s32 $0x17700  }
0x100: {  	[tilespmem:s29], [sflag:$0x8] =	stream.indirect_vreg.gather [hbm4b:s5+s2], $0x80, v5, vm0, $0xb8;
	[tilespmem:$0x1DF00] =	vst v63  }
0x101: {  	s30 =	simm.s32 $0x17F00  }
0x102: {  	[tilespmem:s30], [sflag:$0x8] =	stream.indirect_vreg.gather [hbm4b:s5+s2], $0x80, v4, vm0, $0xb8;
	[tilespmem:$0x1DF00] =	vst v63  }
0x103: {  	v4 =	vld.msk [tilespmem:$0x2818], $0xff;
	_ =	sdelay $0x4  }
0x104: {  	v5 =	vshll.u32 v4, $0x1  }
0x105: {  	v4 =	vand.u32 $0x7, v4;
	v5 =	vand.u32 $0xFFFFFFF0, v5  }
0x106: {  	v4 =	vor.u32 v4, v5  }
0x107: {  	v4 =	vperm.xlane v4, v0;
	_ =	sdelay $0x1  }
0x108: {  	v4 =	vadd.s32 v1, v4;
	_ =	sdelay $0x3  }
0x109: {  	s31 =	simm.s32 $0x18700;
	s26 =	simm.s32 $0x0  }
0x10a: {  	[tilespmem:s31], [sflag:$0x8] =	stream.indirect_vreg.gather [hbm4b:s5+s2], $0x80, v4, vm0, $0xb8;
	[tilespmem:$0x1DF00] =	vst v63  }
.LBB2_2:
0x10b: {  	_ =	swait.ge [sflag:s15], $0x2800  }
0x10c: {  	[sflag:s15] =	ssyncset.done $0x0  }
0x10d: {  	[sflag:s15] =	ssyncadd.s32 $0xFFFFD800  }
0x10e: {  	_ =	swait.ge [sflag:s13], $0x2800  }
0x10f: {  	p0 =	seq.s32 s26, $0x0;
	[sflag:s13] =	ssyncset.done $0x0  }
0x110: {  	s1 =	simm.s32 @!p0 $0x9;
	[sflag:s13] =	ssyncadd.s32 $0xFFFFD800  }
0x111: {  	s28 =	simm.s32 $0x0;
	_ =	swait.ge @!p0 [sflag:s1], $0x2800  }
0x112: {  	s29 =	sand.u32 $0x3800, s28;
	s28 =	sand.u32 $0x380, s28;
	[sflag:s1] =	ssyncset.done @!p0 $0x0  }
0x113: {  	s28 =	sor.u32 s28, s29;
	[sflag:s1] =	ssyncadd.s32 @!p0 $0xFFFFD800  }
0x114: {  	v4 =	vld [tilespmem:s28+$0x4F30]  }
0x115: {  	v5 =	vld [tilespmem:s28+$0xEF30];
	_ =	sdelay $0x1  }
0x116: {  	v6 =	vld [tilespmem:s28+$0x4F00]  }
0x117: {  	v7 =	vld [tilespmem:s28+$0xEF00]  }
0x118: {  	v8 =	vld [tilespmem:s28+$0x4F10]  }
0x119: {  	v9 =	vld [tilespmem:s28+$0xEF10];
	v4 =	vadd.bf16 v5, v4  }
0x11a: {  	v10 =	vld [tilespmem:s28+$0x4F20]  }
0x11b: {  	v12 =	vld [tilespmem:s28+$0x4F40];
	v11 =	vmul.bf16 v3, v4  }
0x11c: {  	v5 =	vld [tilespmem:s28+$0xEF20]  }
0x11d: {  	v62 =	vld [tilespmem:s28+$0xEF70];
	v6 =	vadd.bf16 v7, v6;
	v4 =	vmax.bf16 v4, v11  }
0x11e: {  	v7 =	vld [tilespmem:s28+$0xEF40];
	[tilespmem:s28+$0x18F30] =	vst v4;
	v4 =	vadd.bf16 v9, v8  }
0x11f: {  	v13 =	vmul.bf16 v3, v6;
	v11 =	vld [tilespmem:s28+$0x4F50]  }
0x120: {  	v8 =	vld [tilespmem:s28+$0xEF50];
	v61 =	vmul.bf16 v3, v4  }
0x121: {  	v6 =	vmax.bf16 v6, v13;
	v9 =	vld [tilespmem:s28+$0x4F60];
	v5 =	vadd.bf16 v5, v10  }
0x122: {  	[tilespmem:s28+$0x18F00] =	vst v6;
	v6 =	vld [tilespmem:s28+$0xEF60];
	v4 =	vmax.bf16 v4, v61  }
0x123: {  	v10 =	vld [tilespmem:s28+$0x4F70];
	[tilespmem:s28+$0x18F10] =	vst v4;
	v4 =	vmul.bf16 v3, v5  }
0x124: {  	v63 =	vld [tilespmem:s28+$0x5300]  }
0x125: {  	v4 =	vmax.bf16 v5, v4;
	v5 =	vmul.bf16 v8, v11;
	v11 =	vld [tilespmem:s28+$0xF300]  }
0x126: {  	v7 =	vmul.bf16 v7, v12;
	[tilespmem:s28+$0x18F20] =	vst v4;
	v4 =	vld [tilespmem:s28+$0x5310]  }
0x127: {  	[tilespmem:s28+$0x18F50] =	vst v5;
	v5 =	vmul.bf16 v6, v9;
	v6 =	vld [tilespmem:s28+$0xF310]  }
0x128: {  	[tilespmem:s28+$0x18F40] =	vst v7;
	v7 =	vld [tilespmem:s28+$0xF320];
	v8 =	vmul.bf16 v62, v10  }
0x129: {  	s0 =	simm.s32 $0x100;
	s29 =	simm.s32 $0x80;
	[tilespmem:s28+$0x18F60] =	vst v5;
	v5 =	vld [tilespmem:s28+$0x5320]  }
0x12a: {  	s30 =	sand.u32 $0x380, s29;
	s1 =	sand.u32 $0x3800, s0;
	[tilespmem:s28+$0x18F70] =	vst v8;
	v8 =	vld [tilespmem:s28+$0x5330];
	v10 =	vmul.bf16 v11, v63  }
0x12b: {  	s31 =	simm.s32 $0x200;
	s30 =	sor.u32 s30, s1;
	v9 =	vld [tilespmem:s28+$0xF330]  }
.LBB2_3:
0x12c: {  	p1 =	sne.s32 s31, $0x2700;
	v11 =	vld [tilespmem:s30+$0x4F30];
	[tilespmem:s28+$0x19300] =	vst v10;
	v4 =	vmul.bf16 v6, v4  }
0x12d: {  	v6 =	vld [tilespmem:s30+$0xEF30]  }
0x12e: {  	v10 =	vld [tilespmem:s30+$0x4F00];
	[tilespmem:s28+$0x19310] =	vst v4;
	v4 =	vmul.bf16 v7, v5  }
0x12f: {  	v5 =	vld [tilespmem:s30+$0xEF00]  }
0x130: {  	v7 =	vld [tilespmem:s30+$0x4F10];
	[tilespmem:s28+$0x19320] =	vst v4;
	v4 =	vmul.bf16 v9, v8  }
0x131: {  	v8 =	vld [tilespmem:s30+$0xEF10]  }
0x132: {  	v9 =	vld [tilespmem:s30+$0x4F20];
	v6 =	vadd.bf16 v6, v11;
	[tilespmem:s28+$0x19330] =	vst v4;
	s28 =	smov.u32 s30  }
0x133: {  	v4 =	vld [tilespmem:s28+$0xEF20]  }
0x134: {  	v5 =	vadd.bf16 v5, v10;
	v10 =	vmul.bf16 v3, v6;
	v11 =	vld [tilespmem:s28+$0x4F40]  }
0x135: {  	v12 =	vld [tilespmem:s28+$0xEF40]  }
0x136: {  	v13 =	vmul.bf16 v3, v5;
	v7 =	vadd.bf16 v8, v7;
	v6 =	vmax.bf16 v6, v10;
	v8 =	vld [tilespmem:s28+$0x4F50]  }
0x137: {  	[tilespmem:s28+$0x18F30] =	vst v6;
	v6 =	vld [tilespmem:s28+$0xEF50]  }
0x138: {  	v5 =	vmax.bf16 v5, v13;
	v10 =	vmul.bf16 v3, v7;
	v4 =	vadd.bf16 v4, v9;
	v9 =	vld [tilespmem:s28+$0x4F60]  }
0x139: {  	[tilespmem:s28+$0x18F00] =	vst v5;
	v5 =	vld [tilespmem:s28+$0xEF60]  }
0x13a: {  	v7 =	vmax.bf16 v7, v10;
	v10 =	vmul.bf16 v3, v4;
	v11 =	vmul.bf16 v12, v11;
	v12 =	vld [tilespmem:s28+$0x4F70]  }
0x13b: {  	[tilespmem:s28+$0x18F10] =	vst v7;
	v7 =	vld [tilespmem:s28+$0xEF70]  }
0x13c: {  	v4 =	vmax.bf16 v4, v10;
	[tilespmem:s28+$0x18F40] =	vst v11;
	v6 =	vmul.bf16 v6, v8;
	v8 =	vld [tilespmem:s28+$0x5300]  }
0x13d: {  	[tilespmem:s28+$0x18F20] =	vst v4;
	v10 =	vld [tilespmem:s28+$0xF300]  }
0x13e: {  	[tilespmem:s28+$0x18F50] =	vst v6;
	v5 =	vmul.bf16 v5, v9;
	v4 =	vld [tilespmem:s28+$0x5310]  }
.Ltmp0:
0x13f: {  	v6 =	vld [tilespmem:s28+$0xF310];
	(pc) =	sbr.rel @p1 .LBB2_3-.Ltmp0, $4  }
0x140: {  	[tilespmem:s28+$0x18F60] =	vst v5;
	v9 =	vmul.bf16 v7, v12;
	v5 =	vld [tilespmem:s28+$0x5320]  }
0x141: {  	s29 =	sadd.s32 $0x80, s29;
	v7 =	vld [tilespmem:s28+$0xF320]  }
0x142: {  	s1 =	sand.u32 $0x3800, s31;
	s30 =	sand.u32 $0x380, s29;
	[tilespmem:s28+$0x18F70] =	vst v9;
	v10 =	vmul.bf16 v10, v8;
	v8 =	vld [tilespmem:s28+$0x5330]  }
0x143: {  	s31 =	sadd.s32 $0x100, s31;
	s30 =	sor.u32 s30, s1;
	v9 =	vld [tilespmem:s28+$0xF330]  }
0x144: {  	v11 =	vld [tilespmem:s30+$0x4F30];
	[tilespmem:s28+$0x19300] =	vst v10;
	v4 =	vmul.bf16 v6, v4  }
0x145: {  	v6 =	vld [tilespmem:s30+$0xEF30]  }
0x146: {  	v10 =	vld [tilespmem:s30+$0x4F00];
	[tilespmem:s28+$0x19310] =	vst v4;
	v4 =	vmul.bf16 v7, v5  }
0x147: {  	v5 =	vld [tilespmem:s30+$0xEF00]  }
0x148: {  	v7 =	vld [tilespmem:s30+$0x4F10];
	[tilespmem:s28+$0x19320] =	vst v4;
	v4 =	vmul.bf16 v9, v8  }
0x149: {  	v8 =	vld [tilespmem:s30+$0xEF10]  }
0x14a: {  	v9 =	vld [tilespmem:s30+$0x4F20];
	v6 =	vadd.bf16 v6, v11;
	[tilespmem:s28+$0x19330] =	vst v4  }
0x14b: {  	v12 =	vld [tilespmem:s30+$0x4F40]  }
0x14c: {  	v11 =	vmul.bf16 v3, v6;
	v5 =	vadd.bf16 v5, v10;
	v10 =	vld [tilespmem:s30+$0xEF40]  }
0x14d: {  	v4 =	vld [tilespmem:s30+$0xEF20]  }
0x14e: {  	v58 =	vld [tilespmem:s30+$0xEF70];
	v6 =	vmax.bf16 v6, v11  }
0x14f: {  	v11 =	vld [tilespmem:s30+$0x4F50];
	v13 =	vmul.bf16 v3, v5;
	[tilespmem:s30+$0x18F30] =	vst v6;
	v6 =	vadd.bf16 v8, v7  }
0x150: {  	v7 =	vld [tilespmem:s30+$0xEF50]  }
0x151: {  	v8 =	vld [tilespmem:s30+$0x4F60];
	v5 =	vmax.bf16 v5, v13;
	v57 =	vmul.bf16 v3, v6;
	v10 =	vmul.bf16 v10, v12  }
0x152: {  	v4 =	vadd.bf16 v4, v9;
	[tilespmem:s30+$0x18F00] =	vst v5;
	v5 =	vld [tilespmem:s30+$0xEF60]  }
0x153: {  	v9 =	vld [tilespmem:s30+$0x4F70];
	v6 =	vmax.bf16 v6, v57;
	[tilespmem:s30+$0x18F40] =	vst v10  }
0x154: {  	v10 =	vld [tilespmem:s30+$0xF320];
	[tilespmem:s30+$0x18F10] =	vst v6;
	v6 =	vmul.bf16 v3, v4  }
0x155: {  	v7 =	vmul.bf16 v7, v11;
	v11 =	vld [tilespmem:s30+$0xF330]  }
0x156: {  	v4 =	vmax.bf16 v4, v6;
	v6 =	vld [tilespmem:s30+$0x5300]  }
0x157: {  	[tilespmem:s30+$0x18F50] =	vst v7;
	v5 =	vmul.bf16 v5, v8;
	v7 =	vld [tilespmem:s30+$0x5310]  }
0x158: {  	[tilespmem:s30+$0x18F20] =	vst v4;
	v4 =	vld [tilespmem:s30+$0xF300]  }
0x159: {  	v8 =	vld [tilespmem:s30+$0xF310];
	[tilespmem:s30+$0x18F60] =	vst v5;
	v5 =	vmul.bf16 v58, v9  }
0x15a: {  	v9 =	vld [tilespmem:s30+$0x5320]  }
0x15b: {  	[tilespmem:s30+$0x18F70] =	vst v5;
	v5 =	vld [tilespmem:s30+$0x5330];
	_ =	sdelay $0x1  }
0x15c: {  	v4 =	vmul.bf16 v4, v6  }
0x15d: {  	s28 =	smul.u32 $0xA0, s26;
	v6 =	vmul.bf16 v8, v7  }
0x15e: {  	[tilespmem:s30+$0x19300] =	vst v4;
	v4 =	vmul.bf16 v10, v9  }
0x15f: {  	s1 =	sadd.s32 s3, s28;
	[tilespmem:s30+$0x19310] =	vst v6;
	v5 =	vmul.bf16 v11, v5  }
0x160: {  	s1 =	sshll.u32 s1, $0x5;
	[tilespmem:s30+$0x19320] =	vst v4  }
0x161: {  	s1 =	sadd.s32 s6, s1;
	[tilespmem:s30+$0x19330] =	vst v5  }
0x162: {  	[hbm4b:s1+s2] =	stream.linear.scatter [tilespmem:s14], [sflag:$0x9], $0x2800, $0x38;
	[tilespmem:$0x1DF00] =	vst v63  }
0x163: {  	v4 =	vld [tilespmem:s28+$0xA0];
	_ =	sdelay $0x4  }
0x164: {  	v5 =	vshll.u32 v4, $0x1  }
0x165: {  	v4 =	vand.u32 $0x7, v4;
	v5 =	vand.u32 $0xFFFFFFF0, v5  }
0x166: {  	v4 =	vor.u32 v4, v5  }
0x167: {  	v5 =	vperm.xlane v4, v0;
	_ =	sdelay $0x1  }
0x168: {  	v4 =	vperm.xlane v4, v2;
	v5 =	vadd.s32 v1, v5;
	_ =	sdelay $0x1  }
0x169: {  	v4 =	vadd.s32 v1, v4;
	_ =	sdelay $0x1  }
0x16a: {  	s0 =	simm.s32 $0x4F00  }
0x16b: {  	[tilespmem:s0], [sflag:$0x1] =	stream.indirect_vreg.gather [hbm4b:s4+s2], $0x80, v5, vm0, $0xb8;
	[tilespmem:$0x1DF00] =	vst v63  }
0x16c: {  	s1 =	simm.s32 $0x5700  }
0x16d: {  	[tilespmem:s1], [sflag:$0x1] =	stream.indirect_vreg.gather [hbm4b:s4+s2], $0x80, v4, vm0, $0xb8;
	[tilespmem:$0x1DF00] =	vst v63  }
0x16e: {  	v4 =	vld [tilespmem:s28+$0xB0];
	_ =	sdelay $0x4  }
0x16f: {  	v5 =	vshll.u32 v4, $0x1  }
0x170: {  	v4 =	vand.u32 $0x7, v4;
	v5 =	vand.u32 $0xFFFFFFF0, v5  }
0x171: {  	v4 =	vor.u32 v4, v5  }
0x172: {  	v5 =	vperm.xlane v4, v0;
	_ =	sdelay $0x1  }
0x173: {  	v4 =	vperm.xlane v4, v2;
	v5 =	vadd.s32 v1, v5;
	_ =	sdelay $0x1  }
0x174: {  	v4 =	vadd.s32 v1, v4;
	_ =	sdelay $0x1  }
0x175: {  	s1 =	simm.s32 $0x5F00  }
0x176: {  	[tilespmem:s1], [sflag:$0x1] =	stream.indirect_vreg.gather [hbm4b:s4+s2], $0x80, v5, vm0, $0xb8;
	[tilespmem:$0x1DF00] =	vst v63  }
0x177: {  	s1 =	simm.s32 $0x6700  }
0x178: {  	[tilespmem:s1], [sflag:$0x1] =	stream.indirect_vreg.gather [hbm4b:s4+s2], $0x80, v4, vm0, $0xb8;
	[tilespmem:$0x1DF00] =	vst v63  }
0x179: {  	v4 =	vld.msk [tilespmem:s28+$0xC0], $0xff;
	_ =	sdelay $0x4  }
0x17a: {  	v5 =	vshll.u32 v4, $0x1  }
0x17b: {  	v4 =	vand.u32 $0x7, v4;
	v5 =	vand.u32 $0xFFFFFFF0, v5  }
0x17c: {  	v4 =	vor.u32 v4, v5  }
0x17d: {  	v4 =	vperm.xlane v4, v0;
	_ =	sdelay $0x1  }
0x17e: {  	v4 =	vadd.s32 v1, v4;
	_ =	sdelay $0x3  }
0x17f: {  	s1 =	simm.s32 $0x6F00  }
0x180: {  	[tilespmem:s1], [sflag:$0x1] =	stream.indirect_vreg.gather [hbm4b:s4+s2], $0x80, v4, vm0, $0xb8;
	[tilespmem:$0x1DF00] =	vst v63  }
0x181: {  	v4 =	vld [tilespmem:s28+$0x2820];
	_ =	sdelay $0x4  }
0x182: {  	v5 =	vshll.u32 v4, $0x1  }
0x183: {  	v4 =	vand.u32 $0x7, v4;
	v5 =	vand.u32 $0xFFFFFFF0, v5  }
0x184: {  	v4 =	vor.u32 v4, v5  }
0x185: {  	v5 =	vperm.xlane v4, v0;
	_ =	sdelay $0x1  }
0x186: {  	v4 =	vperm.xlane v4, v2;
	v5 =	vadd.s32 v1, v5;
	_ =	sdelay $0x1  }
0x187: {  	v4 =	vadd.s32 v1, v4;
	_ =	sdelay $0x1  }
0x188: {  	s1 =	simm.s32 $0xEF00  }
0x189: {  	[tilespmem:s1], [sflag:$0x5] =	stream.indirect_vreg.gather [hbm4b:s5+s2], $0x80, v5, vm0, $0xb8;
	[tilespmem:$0x1DF00] =	vst v63  }
0x18a: {  	s1 =	simm.s32 $0xF700  }
0x18b: {  	[tilespmem:s1], [sflag:$0x5] =	stream.indirect_vreg.gather [hbm4b:s5+s2], $0x80, v4, vm0, $0xb8;
	[tilespmem:$0x1DF00] =	vst v63  }
0x18c: {  	v4 =	vld [tilespmem:s28+$0x2830];
	_ =	sdelay $0x4  }
0x18d: {  	v5 =	vshll.u32 v4, $0x1  }
0x18e: {  	v4 =	vand.u32 $0x7, v4;
	v5 =	vand.u32 $0xFFFFFFF0, v5  }
0x18f: {  	v4 =	vor.u32 v4, v5  }
0x190: {  	v5 =	vperm.xlane v4, v0;
	_ =	sdelay $0x1  }
0x191: {  	v4 =	vperm.xlane v4, v2;
	v5 =	vadd.s32 v1, v5;
	_ =	sdelay $0x1  }
0x192: {  	v4 =	vadd.s32 v1, v4;
	_ =	sdelay $0x1  }
0x193: {  	s1 =	simm.s32 $0xFF00  }
0x194: {  	[tilespmem:s1], [sflag:$0x5] =	stream.indirect_vreg.gather [hbm4b:s5+s2], $0x80, v5, vm0, $0xb8;
	[tilespmem:$0x1DF00] =	vst v63  }
0x195: {  	s1 =	simm.s32 $0x10700  }
0x196: {  	[tilespmem:s1], [sflag:$0x5] =	stream.indirect_vreg.gather [hbm4b:s5+s2], $0x80, v4, vm0, $0xb8;
	[tilespmem:$0x1DF00] =	vst v63  }
0x197: {  	v4 =	vld.msk [tilespmem:s28+$0x2840], $0xff;
	_ =	sdelay $0x4  }
0x198: {  	v5 =	vshll.u32 v4, $0x1  }
0x199: {  	v4 =	vand.u32 $0x7, v4;
	v5 =	vand.u32 $0xFFFFFFF0, v5  }
0x19a: {  	v4 =	vor.u32 v4, v5  }
0x19b: {  	v4 =	vperm.xlane v4, v0;
	_ =	sdelay $0x1  }
0x19c: {  	v4 =	vadd.s32 v1, v4;
	_ =	sdelay $0x3  }
0x19d: {  	s1 =	simm.s32 $0x10F00  }
0x19e: {  	[tilespmem:s1], [sflag:$0x5] =	stream.indirect_vreg.gather [hbm4b:s5+s2], $0x80, v4, vm0, $0xb8;
	[tilespmem:$0x1DF00] =	vst v63  }
0x19f: {  	_ =	swait.ge [sflag:s17], $0x2800  }
0x1a0: {  	[sflag:s17] =	ssyncset.done $0x0  }
0x1a1: {  	[sflag:s17] =	ssyncadd.s32 $0xFFFFD800  }
0x1a2: {  	_ =	swait.ge [sflag:s18], $0x2800  }
0x1a3: {  	[sflag:s18] =	ssyncset.done $0x0  }
0x1a4: {  	s1 =	simm.s32 @!p0 $0xA;
	[sflag:s18] =	ssyncadd.s32 $0xFFFFD800  }
0x1a5: {  	s29 =	simm.s32 $0x0;
	_ =	swait.ge @!p0 [sflag:s1], $0x2800  }
0x1a6: {  	s30 =	sand.u32 $0x3800, s29;
	s29 =	sand.u32 $0x380, s29;
	[sflag:s1] =	ssyncset.done @!p0 $0x0  }
0x1a7: {  	s29 =	sor.u32 s29, s30;
	[sflag:s1] =	ssyncadd.s32 @!p0 $0xFFFFD800  }
0x1a8: {  	v4 =	vld [tilespmem:s29+$0x7730]  }
0x1a9: {  	v5 =	vld [tilespmem:s29+$0x11730];
	_ =	sdelay $0x1  }
0x1aa: {  	v6 =	vld [tilespmem:s29+$0x7700]  }
0x1ab: {  	v7 =	vld [tilespmem:s29+$0x11700]  }
0x1ac: {  	v8 =	vld [tilespmem:s29+$0x7710]  }
0x1ad: {  	v9 =	vld [tilespmem:s29+$0x11710];
	v4 =	vadd.bf16 v5, v4  }
0x1ae: {  	v10 =	vld [tilespmem:s29+$0x7720]  }
0x1af: {  	v59 =	vld [tilespmem:s29+$0x7740];
	v11 =	vmul.bf16 v3, v4  }
0x1b0: {  	v5 =	vld [tilespmem:s29+$0x11720]  }
0x1b1: {  	v62 =	vld [tilespmem:s29+$0x11770];
	v6 =	vadd.bf16 v7, v6;
	v4 =	vmax.bf16 v4, v11  }
0x1b2: {  	v7 =	vld [tilespmem:s29+$0x11740];
	[tilespmem:s29+$0x1B730] =	vst v4;
	v4 =	vadd.bf16 v9, v8  }
0x1b3: {  	v60 =	vmul.bf16 v3, v6;
	v11 =	vld [tilespmem:s29+$0x7750]  }
0x1b4: {  	v8 =	vld [tilespmem:s29+$0x11750];
	v61 =	vmul.bf16 v3, v4  }
0x1b5: {  	v6 =	vmax.bf16 v6, v60;
	v9 =	vld [tilespmem:s29+$0x7760];
	v5 =	vadd.bf16 v5, v10  }
0x1b6: {  	[tilespmem:s29+$0x1B700] =	vst v6;
	v6 =	vld [tilespmem:s29+$0x11760];
	v4 =	vmax.bf16 v4, v61  }
0x1b7: {  	v10 =	vld [tilespmem:s29+$0x7770];
	[tilespmem:s29+$0x1B710] =	vst v4;
	v4 =	vmul.bf16 v3, v5  }
0x1b8: {  	v63 =	vld [tilespmem:s29+$0x7B00]  }
0x1b9: {  	v4 =	vmax.bf16 v5, v4;
	v5 =	vmul.bf16 v8, v11;
	v11 =	vld [tilespmem:s29+$0x11B00]  }
0x1ba: {  	v7 =	vmul.bf16 v7, v59;
	[tilespmem:s29+$0x1B720] =	vst v4;
	v4 =	vld [tilespmem:s29+$0x7B10]  }
0x1bb: {  	[tilespmem:s29+$0x1B750] =	vst v5;
	v5 =	vmul.bf16 v6, v9;
	v6 =	vld [tilespmem:s29+$0x11B10]  }
0x1bc: {  	[tilespmem:s29+$0x1B740] =	vst v7;
	v7 =	vld [tilespmem:s29+$0x11B20];
	v8 =	vmul.bf16 v62, v10  }
0x1bd: {  	s30 =	simm.s32 $0x80;
	s0 =	simm.s32 $0x100;
	[tilespmem:s29+$0x1B760] =	vst v5;
	v5 =	vld [tilespmem:s29+$0x7B20]  }
0x1be: {  	s31 =	sand.u32 $0x380, s30;
	s1 =	sand.u32 $0x3800, s0;
	[tilespmem:s29+$0x1B770] =	vst v8;
	v8 =	vld [tilespmem:s29+$0x7B30];
	v10 =	vmul.bf16 v11, v63  }
0x1bf: {  	s31 =	sor.u32 s31, s1;
	s1 =	simm.s32 $0x200;
	v9 =	vld [tilespmem:s29+$0x11B30]  }
.LBB2_5:
0x1c0: {  	p0 =	sne.s32 s1, $0x2700;
	v11 =	vld [tilespmem:s31+$0x7730];
	[tilespmem:s29+$0x1BB00] =	vst v10;
	v4 =	vmul.bf16 v6, v4  }
0x1c1: {  	v6 =	vld [tilespmem:s31+$0x11730]  }
0x1c2: {  	v10 =	vld [tilespmem:s31+$0x7700];
	[tilespmem:s29+$0x1BB10] =	vst v4;
	v4 =	vmul.bf16 v7, v5  }
0x1c3: {  	v5 =	vld [tilespmem:s31+$0x11700]  }
0x1c4: {  	v7 =	vld [tilespmem:s31+$0x7710];
	[tilespmem:s29+$0x1BB20] =	vst v4;
	v4 =	vmul.bf16 v9, v8  }
0x1c5: {  	v8 =	vld [tilespmem:s31+$0x11710]  }
0x1c6: {  	v9 =	vld [tilespmem:s31+$0x7720];
	v6 =	vadd.bf16 v6, v11;
	[tilespmem:s29+$0x1BB30] =	vst v4;
	s29 =	smov.u32 s31  }
0x1c7: {  	v4 =	vld [tilespmem:s29+$0x11720]  }
0x1c8: {  	v5 =	vadd.bf16 v5, v10;
	v10 =	vmul.bf16 v3, v6;
	v11 =	vld [tilespmem:s29+$0x7740]  }
0x1c9: {  	v12 =	vld [tilespmem:s29+$0x11740]  }
0x1ca: {  	v13 =	vmul.bf16 v3, v5;
	v7 =	vadd.bf16 v8, v7;
	v6 =	vmax.bf16 v6, v10;
	v8 =	vld [tilespmem:s29+$0x7750]  }
0x1cb: {  	[tilespmem:s29+$0x1B730] =	vst v6;
	v6 =	vld [tilespmem:s29+$0x11750]  }
0x1cc: {  	v5 =	vmax.bf16 v5, v13;
	v10 =	vmul.bf16 v3, v7;
	v4 =	vadd.bf16 v4, v9;
	v9 =	vld [tilespmem:s29+$0x7760]  }
0x1cd: {  	[tilespmem:s29+$0x1B700] =	vst v5;
	v5 =	vld [tilespmem:s29+$0x11760]  }
0x1ce: {  	v7 =	vmax.bf16 v7, v10;
	v10 =	vmul.bf16 v3, v4;
	v11 =	vmul.bf16 v12, v11;
	v12 =	vld [tilespmem:s29+$0x7770]  }
0x1cf: {  	[tilespmem:s29+$0x1B710] =	vst v7;
	v7 =	vld [tilespmem:s29+$0x11770]  }
0x1d0: {  	v4 =	vmax.bf16 v4, v10;
	[tilespmem:s29+$0x1B740] =	vst v11;
	v6 =	vmul.bf16 v6, v8;
	v8 =	vld [tilespmem:s29+$0x7B00]  }
0x1d1: {  	[tilespmem:s29+$0x1B720] =	vst v4;
	v10 =	vld [tilespmem:s29+$0x11B00]  }
0x1d2: {  	[tilespmem:s29+$0x1B750] =	vst v6;
	v5 =	vmul.bf16 v5, v9;
	v4 =	vld [tilespmem:s29+$0x7B10]  }
.Ltmp1:
0x1d3: {  	v6 =	vld [tilespmem:s29+$0x11B10];
	(pc) =	sbr.rel @p0 .LBB2_5-.Ltmp1, $4  }
0x1d4: {  	[tilespmem:s29+$0x1B760] =	vst v5;
	v9 =	vmul.bf16 v7, v12;
	v5 =	vld [tilespmem:s29+$0x7B20]  }
0x1d5: {  	s30 =	sadd.s32 $0x80, s30;
	v7 =	vld [tilespmem:s29+$0x11B20]  }
0x1d6: {  	s0 =	sand.u32 $0x380, s30;
	s31 =	sand.u32 $0x3800, s1;
	[tilespmem:s29+$0x1B770] =	vst v9;
	v10 =	vmul.bf16 v10, v8;
	v8 =	vld [tilespmem:s29+$0x7B30]  }
0x1d7: {  	s1 =	sadd.s32 $0x100, s1;
	s31 =	sor.u32 s0, s31;
	v9 =	vld [tilespmem:s29+$0x11B30]  }
0x1d8: {  	v11 =	vld [tilespmem:s31+$0x7730];
	[tilespmem:s29+$0x1BB00] =	vst v10;
	v4 =	vmul.bf16 v6, v4  }
0x1d9: {  	v6 =	vld [tilespmem:s31+$0x11730]  }
0x1da: {  	v10 =	vld [tilespmem:s31+$0x7700];
	[tilespmem:s29+$0x1BB10] =	vst v4;
	v4 =	vmul.bf16 v7, v5  }
0x1db: {  	v5 =	vld [tilespmem:s31+$0x11700]  }
0x1dc: {  	v7 =	vld [tilespmem:s31+$0x7710];
	[tilespmem:s29+$0x1BB20] =	vst v4;
	v4 =	vmul.bf16 v9, v8  }
0x1dd: {  	v8 =	vld [tilespmem:s31+$0x11710]  }
0x1de: {  	v9 =	vld [tilespmem:s31+$0x7720];
	v6 =	vadd.bf16 v6, v11;
	[tilespmem:s29+$0x1BB30] =	vst v4  }
0x1df: {  	v12 =	vld [tilespmem:s31+$0x7740]  }
0x1e0: {  	v11 =	vmul.bf16 v3, v6;
	v5 =	vadd.bf16 v5, v10;
	v10 =	vld [tilespmem:s31+$0x11740]  }
0x1e1: {  	v4 =	vld [tilespmem:s31+$0x11720]  }
0x1e2: {  	v58 =	vld [tilespmem:s31+$0x11770];
	v6 =	vmax.bf16 v6, v11  }
0x1e3: {  	v11 =	vld [tilespmem:s31+$0x7750];
	v13 =	vmul.bf16 v3, v5;
	[tilespmem:s31+$0x1B730] =	vst v6;
	v6 =	vadd.bf16 v8, v7  }
0x1e4: {  	v7 =	vld [tilespmem:s31+$0x11750]  }
0x1e5: {  	v8 =	vld [tilespmem:s31+$0x7760];
	v5 =	vmax.bf16 v5, v13;
	v57 =	vmul.bf16 v3, v6;
	v10 =	vmul.bf16 v10, v12  }
0x1e6: {  	v4 =	vadd.bf16 v4, v9;
	[tilespmem:s31+$0x1B700] =	vst v5;
	v5 =	vld [tilespmem:s31+$0x11760]  }
0x1e7: {  	v9 =	vld [tilespmem:s31+$0x7770];
	v6 =	vmax.bf16 v6, v57;
	[tilespmem:s31+$0x1B740] =	vst v10  }
0x1e8: {  	v10 =	vld [tilespmem:s31+$0x11B20];
	[tilespmem:s31+$0x1B710] =	vst v6;
	v6 =	vmul.bf16 v3, v4  }
0x1e9: {  	v7 =	vmul.bf16 v7, v11;
	v11 =	vld [tilespmem:s31+$0x11B30]  }
0x1ea: {  	v4 =	vmax.bf16 v4, v6;
	v6 =	vld [tilespmem:s31+$0x7B00]  }
0x1eb: {  	[tilespmem:s31+$0x1B750] =	vst v7;
	v5 =	vmul.bf16 v5, v8;
	v7 =	vld [tilespmem:s31+$0x7B10]  }
0x1ec: {  	[tilespmem:s31+$0x1B720] =	vst v4;
	v4 =	vld [tilespmem:s31+$0x11B00]  }
0x1ed: {  	v8 =	vld [tilespmem:s31+$0x11B10];
	[tilespmem:s31+$0x1B760] =	vst v5;
	v5 =	vmul.bf16 v58, v9  }
0x1ee: {  	v9 =	vld [tilespmem:s31+$0x7B20]  }
0x1ef: {  	[tilespmem:s31+$0x1B770] =	vst v5;
	v5 =	vld [tilespmem:s31+$0x7B30];
	_ =	sdelay $0x1  }
0x1f0: {  	v4 =	vmul.bf16 v4, v6  }
0x1f1: {  	v6 =	vmul.bf16 v8, v7  }
0x1f2: {  	[tilespmem:s31+$0x1BB00] =	vst v4;
	v4 =	vmul.bf16 v10, v9  }
0x1f3: {  	s0 =	sadd.s32 s28, s9;
	[tilespmem:s31+$0x1BB10] =	vst v6;
	v5 =	vmul.bf16 v11, v5  }
0x1f4: {  	s0 =	sshll.u32 s0, $0x5;
	[tilespmem:s31+$0x1BB20] =	vst v4  }
0x1f5: {  	s1 =	simm.s32 $0x0;
	s0 =	sadd.s32 s6, s0;
	[tilespmem:s31+$0x1BB30] =	vst v5  }
0x1f6: {  	[hbm4b:s0+s1] =	stream.linear.scatter [tilespmem:s19], [sflag:$0xA], $0x2800, $0x38;
	[tilespmem:$0x1DF00] =	vst v63  }
0x1f7: {  	v4 =	vld [tilespmem:s28+$0xC8];
	_ =	sdelay $0x4  }
0x1f8: {  	v5 =	vshll.u32 v4, $0x1  }
0x1f9: {  	v4 =	vand.u32 $0x7, v4;
	v5 =	vand.u32 $0xFFFFFFF0, v5  }
0x1fa: {  	v4 =	vor.u32 v4, v5  }
0x1fb: {  	v5 =	vperm.xlane v4, v0;
	_ =	sdelay $0x1  }
0x1fc: {  	v4 =	vperm.xlane v4, v2;
	v5 =	vadd.s32 v1, v5;
	_ =	sdelay $0x1  }
0x1fd: {  	v4 =	vadd.s32 v1, v4;
	_ =	sdelay $0x1  }
0x1fe: {  	s0 =	simm.s32 $0x7700  }
0x1ff: {  	[tilespmem:s0], [sflag:$0x2] =	stream.indirect_vreg.gather [hbm4b:s4+s1], $0x80, v5, vm0, $0xb8;
	[tilespmem:$0x1DF00] =	vst v63  }
0x200: {  	s0 =	simm.s32 $0x7F00  }
0x201: {  	[tilespmem:s0], [sflag:$0x2] =	stream.indirect_vreg.gather [hbm4b:s4+s1], $0x80, v4, vm0, $0xb8;
	[tilespmem:$0x1DF00] =	vst v63  }
0x202: {  	v4 =	vld [tilespmem:s28+$0xD8];
	_ =	sdelay $0x4  }
0x203: {  	v5 =	vshll.u32 v4, $0x1  }
0x204: {  	v4 =	vand.u32 $0x7, v4;
	v5 =	vand.u32 $0xFFFFFFF0, v5  }
0x205: {  	v4 =	vor.u32 v4, v5  }
0x206: {  	v5 =	vperm.xlane v4, v0;
	_ =	sdelay $0x1  }
0x207: {  	v4 =	vperm.xlane v4, v2;
	v5 =	vadd.s32 v1, v5;
	_ =	sdelay $0x1  }
0x208: {  	v4 =	vadd.s32 v1, v4;
	_ =	sdelay $0x1  }
0x209: {  	s0 =	simm.s32 $0x8700  }
0x20a: {  	[tilespmem:s0], [sflag:$0x2] =	stream.indirect_vreg.gather [hbm4b:s4+s1], $0x80, v5, vm0, $0xb8;
	[tilespmem:$0x1DF00] =	vst v63  }
0x20b: {  	s0 =	simm.s32 $0x8F00  }
0x20c: {  	[tilespmem:s0], [sflag:$0x2] =	stream.indirect_vreg.gather [hbm4b:s4+s1], $0x80, v4, vm0, $0xb8;
	[tilespmem:$0x1DF00] =	vst v63  }
0x20d: {  	v4 =	vld.msk [tilespmem:s28+$0xE8], $0xff;
	_ =	sdelay $0x4  }
0x20e: {  	v5 =	vshll.u32 v4, $0x1  }
0x20f: {  	v4 =	vand.u32 $0x7, v4;
	v5 =	vand.u32 $0xFFFFFFF0, v5  }
0x210: {  	v4 =	vor.u32 v4, v5  }
0x211: {  	v4 =	vperm.xlane v4, v0;
	_ =	sdelay $0x1  }
0x212: {  	v4 =	vadd.s32 v1, v4;
	_ =	sdelay $0x3  }
0x213: {  	s0 =	simm.s32 $0x9700  }
0x214: {  	[tilespmem:s0], [sflag:$0x2] =	stream.indirect_vreg.gather [hbm4b:s4+s1], $0x80, v4, vm0, $0xb8;
	[tilespmem:$0x1DF00] =	vst v63  }
0x215: {  	v4 =	vld [tilespmem:s28+$0x2848];
	_ =	sdelay $0x4  }
0x216: {  	v5 =	vshll.u32 v4, $0x1  }
0x217: {  	v4 =	vand.u32 $0x7, v4;
	v5 =	vand.u32 $0xFFFFFFF0, v5  }
0x218: {  	v4 =	vor.u32 v4, v5  }
0x219: {  	v5 =	vperm.xlane v4, v0;
	_ =	sdelay $0x1  }
0x21a: {  	v4 =	vperm.xlane v4, v2;
	v5 =	vadd.s32 v1, v5;
	_ =	sdelay $0x1  }
0x21b: {  	v4 =	vadd.s32 v1, v4;
	_ =	sdelay $0x1  }
0x21c: {  	s0 =	simm.s32 $0x11700  }
0x21d: {  	[tilespmem:s0], [sflag:$0x6] =	stream.indirect_vreg.gather [hbm4b:s5+s1], $0x80, v5, vm0, $0xb8;
	[tilespmem:$0x1DF00] =	vst v63  }
0x21e: {  	_ = 	snop  }
0x21f: {  	[tilespmem:s16], [sflag:$0x6] =	stream.indirect_vreg.gather [hbm4b:s5+s1], $0x80, v4, vm0, $0xb8;
	[tilespmem:$0x1DF00] =	vst v63  }
0x220: {  	v4 =	vld [tilespmem:s28+$0x2858];
	_ =	sdelay $0x4  }
0x221: {  	v5 =	vshll.u32 v4, $0x1  }
0x222: {  	v4 =	vand.u32 $0x7, v4;
	v5 =	vand.u32 $0xFFFFFFF0, v5  }
0x223: {  	v4 =	vor.u32 v4, v5  }
0x224: {  	v5 =	vperm.xlane v4, v0;
	_ =	sdelay $0x1  }
0x225: {  	v4 =	vperm.xlane v4, v2;
	v5 =	vadd.s32 v1, v5;
	_ =	sdelay $0x1  }
0x226: {  	v4 =	vadd.s32 v1, v4;
	_ =	sdelay $0x2  }
0x227: {  	[tilespmem:s7], [sflag:$0x6] =	stream.indirect_vreg.gather [hbm4b:s5+s1], $0x80, v5, vm0, $0xb8;
	[tilespmem:$0x1DF00] =	vst v63  }
0x228: {  	_ = 	snop  }
0x229: {  	[tilespmem:s8], [sflag:$0x6] =	stream.indirect_vreg.gather [hbm4b:s5+s1], $0x80, v4, vm0, $0xb8;
	[tilespmem:$0x1DF00] =	vst v63  }
0x22a: {  	v4 =	vld.msk [tilespmem:s28+$0x2868], $0xff;
	_ =	sdelay $0x4  }
0x22b: {  	v5 =	vshll.u32 v4, $0x1  }
0x22c: {  	v4 =	vand.u32 $0x7, v4;
	v5 =	vand.u32 $0xFFFFFFF0, v5  }
0x22d: {  	v4 =	vor.u32 v4, v5  }
0x22e: {  	v4 =	vperm.xlane v4, v0;
	_ =	sdelay $0x1  }
0x22f: {  	v4 =	vadd.s32 v1, v4;
	_ =	sdelay $0x4  }
0x230: {  	[tilespmem:s12], [sflag:$0x6] =	stream.indirect_vreg.gather [hbm4b:s5+s1], $0x80, v4, vm0, $0xb8;
	[tilespmem:$0x1DF00] =	vst v63  }
0x231: {  	_ =	swait.ge [sflag:s20], $0x2800  }
0x232: {  	[sflag:s20] =	ssyncset.done $0x0  }
0x233: {  	[sflag:s20] =	ssyncadd.s32 $0xFFFFD800  }
0x234: {  	_ =	swait.ge [sflag:s21], $0x2800  }
0x235: {  	[sflag:s21] =	ssyncset.done $0x0  }
0x236: {  	[sflag:s21] =	ssyncadd.s32 $0xFFFFD800  }
0x237: {  	_ =	swait.ge [sflag:s22], $0x2800  }
0x238: {  	s0 =	sand.u32 $0x3800, s1;
	s1 =	sand.u32 $0x380, s1;
	[sflag:s22] =	ssyncset.done $0x0  }
0x239: {  	s29 =	sor.u32 s1, s0;
	[sflag:s22] =	ssyncadd.s32 $0xFFFFD800  }
0x23a: {  	v4 =	vld [tilespmem:s29+$0x9F30]  }
0x23b: {  	v5 =	vld [tilespmem:s29+$0x13F30];
	_ =	sdelay $0x1  }
0x23c: {  	v6 =	vld [tilespmem:s29+$0x9F00]  }
0x23d: {  	v7 =	vld [tilespmem:s29+$0x13F00]  }
0x23e: {  	v8 =	vld [tilespmem:s29+$0x9F10]  }
0x23f: {  	v9 =	vld [tilespmem:s29+$0x13F10];
	v4 =	vadd.bf16 v5, v4  }
0x240: {  	v10 =	vld [tilespmem:s29+$0x9F20]  }
0x241: {  	v59 =	vld [tilespmem:s29+$0x9F40];
	v11 =	vmul.bf16 v3, v4  }
0x242: {  	v5 =	vld [tilespmem:s29+$0x13F20]  }
0x243: {  	v62 =	vld [tilespmem:s29+$0x13F70];
	v6 =	vadd.bf16 v7, v6;
	v4 =	vmax.bf16 v4, v11  }
0x244: {  	v7 =	vld [tilespmem:s29+$0x13F40];
	[tilespmem:s29+$0x18F30] =	vst v4;
	v4 =	vadd.bf16 v9, v8  }
0x245: {  	v60 =	vmul.bf16 v3, v6;
	v11 =	vld [tilespmem:s29+$0x9F50]  }
0x246: {  	v8 =	vld [tilespmem:s29+$0x13F50];
	v61 =	vmul.bf16 v3, v4  }
0x247: {  	v6 =	vmax.bf16 v6, v60;
	v9 =	vld [tilespmem:s29+$0x9F60];
	v5 =	vadd.bf16 v5, v10  }
0x248: {  	[tilespmem:s29+$0x18F00] =	vst v6;
	v6 =	vld [tilespmem:s29+$0x13F60];
	v4 =	vmax.bf16 v4, v61  }
0x249: {  	v10 =	vld [tilespmem:s29+$0x9F70];
	[tilespmem:s29+$0x18F10] =	vst v4;
	v4 =	vmul.bf16 v3, v5  }
0x24a: {  	v63 =	vld [tilespmem:s29+$0xA300]  }
0x24b: {  	v4 =	vmax.bf16 v5, v4;
	v5 =	vmul.bf16 v8, v11;
	v11 =	vld [tilespmem:s29+$0x14300]  }
0x24c: {  	v7 =	vmul.bf16 v7, v59;
	[tilespmem:s29+$0x18F20] =	vst v4;
	v4 =	vld [tilespmem:s29+$0xA310]  }
0x24d: {  	[tilespmem:s29+$0x18F50] =	vst v5;
	v5 =	vmul.bf16 v6, v9;
	v6 =	vld [tilespmem:s29+$0x14310]  }
0x24e: {  	[tilespmem:s29+$0x18F40] =	vst v7;
	v7 =	vld [tilespmem:s29+$0x14320];
	v8 =	vmul.bf16 v62, v10  }
0x24f: {  	s30 =	simm.s32 $0x80;
	s1 =	simm.s32 $0x100;
	[tilespmem:s29+$0x18F60] =	vst v5;
	v5 =	vld [tilespmem:s29+$0xA320]  }
0x250: {  	s0 =	sand.u32 $0x3800, s1;
	s1 =	sand.u32 $0x380, s30;
	[tilespmem:s29+$0x18F70] =	vst v8;
	v8 =	vld [tilespmem:s29+$0xA330];
	v10 =	vmul.bf16 v11, v63  }
0x251: {  	s31 =	sor.u32 s1, s0;
	s1 =	simm.s32 $0x200;
	v9 =	vld [tilespmem:s29+$0x14330]  }
.LBB2_7:
0x252: {  	p0 =	sne.s32 s1, $0x2700;
	v11 =	vld [tilespmem:s31+$0x9F30];
	[tilespmem:s29+$0x19300] =	vst v10;
	v4 =	vmul.bf16 v6, v4  }
0x253: {  	v6 =	vld [tilespmem:s31+$0x13F30]  }
0x254: {  	v10 =	vld [tilespmem:s31+$0x9F00];
	[tilespmem:s29+$0x19310] =	vst v4;
	v4 =	vmul.bf16 v7, v5  }
0x255: {  	v5 =	vld [tilespmem:s31+$0x13F00]  }
0x256: {  	v7 =	vld [tilespmem:s31+$0x9F10];
	[tilespmem:s29+$0x19320] =	vst v4;
	v4 =	vmul.bf16 v9, v8  }
0x257: {  	v8 =	vld [tilespmem:s31+$0x13F10]  }
0x258: {  	v9 =	vld [tilespmem:s31+$0x9F20];
	v6 =	vadd.bf16 v6, v11;
	[tilespmem:s29+$0x19330] =	vst v4;
	s29 =	smov.u32 s31  }
0x259: {  	v4 =	vld [tilespmem:s29+$0x13F20]  }
0x25a: {  	v5 =	vadd.bf16 v5, v10;
	v10 =	vmul.bf16 v3, v6;
	v11 =	vld [tilespmem:s29+$0x9F40]  }
0x25b: {  	v12 =	vld [tilespmem:s29+$0x13F40]  }
0x25c: {  	v13 =	vmul.bf16 v3, v5;
	v7 =	vadd.bf16 v8, v7;
	v6 =	vmax.bf16 v6, v10;
	v8 =	vld [tilespmem:s29+$0x9F50]  }
0x25d: {  	[tilespmem:s29+$0x18F30] =	vst v6;
	v6 =	vld [tilespmem:s29+$0x13F50]  }
0x25e: {  	v5 =	vmax.bf16 v5, v13;
	v10 =	vmul.bf16 v3, v7;
	v4 =	vadd.bf16 v4, v9;
	v9 =	vld [tilespmem:s29+$0x9F60]  }
0x25f: {  	[tilespmem:s29+$0x18F00] =	vst v5;
	v5 =	vld [tilespmem:s29+$0x13F60]  }
0x260: {  	v7 =	vmax.bf16 v7, v10;
	v10 =	vmul.bf16 v3, v4;
	v11 =	vmul.bf16 v12, v11;
	v12 =	vld [tilespmem:s29+$0x9F70]  }
0x261: {  	[tilespmem:s29+$0x18F10] =	vst v7;
	v7 =	vld [tilespmem:s29+$0x13F70]  }
0x262: {  	v4 =	vmax.bf16 v4, v10;
	[tilespmem:s29+$0x18F40] =	vst v11;
	v6 =	vmul.bf16 v6, v8;
	v8 =	vld [tilespmem:s29+$0xA300]  }
0x263: {  	[tilespmem:s29+$0x18F20] =	vst v4;
	v10 =	vld [tilespmem:s29+$0x14300]  }
0x264: {  	[tilespmem:s29+$0x18F50] =	vst v6;
	v5 =	vmul.bf16 v5, v9;
	v4 =	vld [tilespmem:s29+$0xA310]  }
.Ltmp2:
0x265: {  	v6 =	vld [tilespmem:s29+$0x14310];
	(pc) =	sbr.rel @p0 .LBB2_7-.Ltmp2, $4  }
0x266: {  	[tilespmem:s29+$0x18F60] =	vst v5;
	v9 =	vmul.bf16 v7, v12;
	v5 =	vld [tilespmem:s29+$0xA320]  }
0x267: {  	s30 =	sadd.s32 $0x80, s30;
	v7 =	vld [tilespmem:s29+$0x14320]  }
0x268: {  	s0 =	sand.u32 $0x3800, s1;
	s31 =	sand.u32 $0x380, s30;
	[tilespmem:s29+$0x18F70] =	vst v9;
	v10 =	vmul.bf16 v10, v8;
	v8 =	vld [tilespmem:s29+$0xA330]  }
0x269: {  	s1 =	sadd.s32 $0x100, s1;
	s31 =	sor.u32 s31, s0;
	v9 =	vld [tilespmem:s29+$0x14330]  }
0x26a: {  	v11 =	vld [tilespmem:s31+$0x9F30];
	[tilespmem:s29+$0x19300] =	vst v10;
	v4 =	vmul.bf16 v6, v4  }
0x26b: {  	v44 =	vld [tilespmem:s31+$0x13F30]  }
0x26c: {  	v10 =	vld [tilespmem:s31+$0x9F00];
	[tilespmem:s29+$0x19310] =	vst v4;
	v4 =	vmul.bf16 v7, v5  }
0x26d: {  	v5 =	vld [tilespmem:s31+$0x13F00]  }
0x26e: {  	v45 =	vld [tilespmem:s31+$0x9F10];
	[tilespmem:s29+$0x19320] =	vst v4;
	v4 =	vmul.bf16 v9, v8  }
0x26f: {  	v46 =	vld [tilespmem:s31+$0x13F10]  }
0x270: {  	v47 =	vld [tilespmem:s31+$0x9F20];
	[tilespmem:s29+$0x19330] =	vst v4  }
0x271: {  	v4 =	vld [tilespmem:s31+$0x13F20]  }
0x272: {  	v12 =	vld [tilespmem:s31+$0x9F40]  }
0x273: {  	v48 =	vld [tilespmem:s31+$0x13F40];
	v5 =	vadd.bf16 v5, v10  }
0x274: {  	v49 =	vld [tilespmem:s31+$0x9F50]  }
0x275: {  	v51 =	vld [tilespmem:s31+$0x13F50];
	v13 =	vmul.bf16 v3, v5  }
0x276: {  	v52 =	vld [tilespmem:s31+$0x9F60]  }
0x277: {  	v54 =	vld [tilespmem:s31+$0x9F70];
	v5 =	vmax.bf16 v5, v13  }
0x278: {  	[tilespmem:s31+$0x18F00] =	vst v5;
	v5 =	vld [tilespmem:s31+$0x13F60]  }
0x279: {  	v56 =	vld [tilespmem:s31+$0x13F70];
	v4 =	vadd.bf16 v4, v47  }
0x27a: {  	v57 =	vld [tilespmem:s31+$0xA300]  }
0x27b: {  	v6 =	vadd.bf16 v44, v11;
	v58 =	vld [tilespmem:s31+$0xA310];
	v55 =	vmul.bf16 v3, v4  }
0x27c: {  	v59 =	vld [tilespmem:s31+$0x14310]  }
0x27d: {  	v60 =	vld [tilespmem:s31+$0xA320];
	v11 =	vmul.bf16 v3, v6;
	v4 =	vmax.bf16 v4, v55;
	v5 =	vmul.bf16 v5, v52  }
0x27e: {  	[tilespmem:s31+$0x18F20] =	vst v4;
	v4 =	vld [tilespmem:s31+$0x14300]  }
0x27f: {  	v61 =	vld [tilespmem:s31+$0x14320];
	v6 =	vmax.bf16 v6, v11;
	[tilespmem:s31+$0x18F60] =	vst v5;
	v5 =	vmul.bf16 v56, v54  }
0x280: {  	v62 =	vld [tilespmem:s31+$0x14330];
	[tilespmem:s31+$0x18F30] =	vst v6;
	v10 =	vmul.bf16 v48, v12  }
0x281: {  	v50 =	vadd.bf16 v46, v45;
	v7 =	vmul.bf16 v51, v49;
	[tilespmem:s31+$0x18F70] =	vst v5;
	v5 =	vld [tilespmem:s31+$0xA330]  }
0x282: {  	v63 =	vmul.bf16 v59, v58;
	[tilespmem:s31+$0x18F40] =	vst v10  }
0x283: {  	v53 =	vmul.bf16 v3, v50;
	[tilespmem:s31+$0x18F50] =	vst v7;
	v4 =	vmul.bf16 v4, v57  }
0x284: {  	p0 =	seq.s32 s26, $0x3D;
	[tilespmem:s31+$0x19310] =	vst v63  }
.Ltmp3:
0x285: {  	v6 =	vmax.bf16 v50, v53;
	[tilespmem:s31+$0x19300] =	vst v4;
	v4 =	vmul.bf16 v61, v60;
	(pc) =	sbr.rel @p0 .LBB2_10-.Ltmp3, $4  }
0x286: {  	s0 =	sadd.s32 s28, s10;
	[tilespmem:s31+$0x18F10] =	vst v6;
	v5 =	vmul.bf16 v62, v5  }
0x287: {  	s0 =	sshll.u32 s0, $0x5;
	[tilespmem:s31+$0x19320] =	vst v4  }
0x288: {  	s0 =	sadd.s32 s6, s0;
	[tilespmem:s31+$0x19330] =	vst v5  }
0x289: {  	[hbm4b:s0+s2] =	stream.linear.scatter [tilespmem:s14], [sflag:$0x9], $0x2800, $0x38;
	[tilespmem:$0x1DF00] =	vst v63  }
0x28a: {  	v4 =	vld [tilespmem:s28+$0xF0];
	_ =	sdelay $0x4  }
0x28b: {  	v5 =	vshll.u32 v4, $0x1  }
0x28c: {  	v4 =	vand.u32 $0x7, v4;
	v5 =	vand.u32 $0xFFFFFFF0, v5  }
0x28d: {  	v4 =	vor.u32 v4, v5  }
0x28e: {  	v5 =	vperm.xlane v4, v0;
	_ =	sdelay $0x1  }
0x28f: {  	v4 =	vperm.xlane v4, v2;
	v5 =	vadd.s32 v1, v5;
	_ =	sdelay $0x1  }
0x290: {  	v4 =	vadd.s32 v1, v4;
	_ =	sdelay $0x1  }
0x291: {  	s0 =	simm.s32 $0x9F00  }
0x292: {  	[tilespmem:s0], [sflag:$0x3] =	stream.indirect_vreg.gather [hbm4b:s4+s2], $0x80, v5, vm0, $0xb8;
	[tilespmem:$0x1DF00] =	vst v63  }
0x293: {  	s31 =	simm.s32 $0xA700  }
0x294: {  	[tilespmem:s31], [sflag:$0x3] =	stream.indirect_vreg.gather [hbm4b:s4+s2], $0x80, v4, vm0, $0xb8;
	[tilespmem:$0x1DF00] =	vst v63  }
0x295: {  	v4 =	vld [tilespmem:s28+$0x100];
	_ =	sdelay $0x4  }
0x296: {  	v5 =	vshll.u32 v4, $0x1  }
0x297: {  	v4 =	vand.u32 $0x7, v4;
	v5 =	vand.u32 $0xFFFFFFF0, v5  }
0x298: {  	v4 =	vor.u32 v4, v5  }
0x299: {  	v5 =	vperm.xlane v4, v0;
	_ =	sdelay $0x1  }
0x29a: {  	v4 =	vperm.xlane v4, v2;
	v5 =	vadd.s32 v1, v5;
	_ =	sdelay $0x1  }
0x29b: {  	v4 =	vadd.s32 v1, v4;
	_ =	sdelay $0x1  }
0x29c: {  	s1 =	simm.s32 $0xAF00  }
0x29d: {  	[tilespmem:s1], [sflag:$0x3] =	stream.indirect_vreg.gather [hbm4b:s4+s2], $0x80, v5, vm0, $0xb8;
	[tilespmem:$0x1DF00] =	vst v63  }
0x29e: {  	s29 =	simm.s32 $0xB700  }
0x29f: {  	[tilespmem:s29], [sflag:$0x3] =	stream.indirect_vreg.gather [hbm4b:s4+s2], $0x80, v4, vm0, $0xb8;
	[tilespmem:$0x1DF00] =	vst v63  }
0x2a0: {  	v4 =	vld.msk [tilespmem:s28+$0x110], $0xff;
	_ =	sdelay $0x4  }
0x2a1: {  	v5 =	vshll.u32 v4, $0x1  }
0x2a2: {  	v4 =	vand.u32 $0x7, v4;
	v5 =	vand.u32 $0xFFFFFFF0, v5  }
0x2a3: {  	v4 =	vor.u32 v4, v5  }
0x2a4: {  	v4 =	vperm.xlane v4, v0;
	_ =	sdelay $0x1  }
0x2a5: {  	v4 =	vadd.s32 v1, v4;
	_ =	sdelay $0x3  }
0x2a6: {  	s30 =	simm.s32 $0xBF00  }
0x2a7: {  	[tilespmem:s30], [sflag:$0x3] =	stream.indirect_vreg.gather [hbm4b:s4+s2], $0x80, v4, vm0, $0xb8;
	[tilespmem:$0x1DF00] =	vst v63  }
0x2a8: {  	v4 =	vld [tilespmem:s28+$0x2870];
	_ =	sdelay $0x4  }
0x2a9: {  	v5 =	vshll.u32 v4, $0x1  }
0x2aa: {  	v4 =	vand.u32 $0x7, v4;
	v5 =	vand.u32 $0xFFFFFFF0, v5  }
0x2ab: {  	v4 =	vor.u32 v4, v5  }
0x2ac: {  	v5 =	vperm.xlane v4, v0;
	_ =	sdelay $0x1  }
0x2ad: {  	v4 =	vperm.xlane v4, v2;
	v5 =	vadd.s32 v1, v5;
	_ =	sdelay $0x1  }
0x2ae: {  	v4 =	vadd.s32 v1, v4;
	_ =	sdelay $0x1  }
0x2af: {  	s31 =	simm.s32 $0x13F00  }
0x2b0: {  	[tilespmem:s31], [sflag:$0x7] =	stream.indirect_vreg.gather [hbm4b:s5+s2], $0x80, v5, vm0, $0xb8;
	[tilespmem:$0x1DF00] =	vst v63  }
0x2b1: {  	s1 =	simm.s32 $0x14700  }
0x2b2: {  	[tilespmem:s1], [sflag:$0x7] =	stream.indirect_vreg.gather [hbm4b:s5+s2], $0x80, v4, vm0, $0xb8;
	[tilespmem:$0x1DF00] =	vst v63  }
0x2b3: {  	v4 =	vld [tilespmem:s28+$0x2880];
	_ =	sdelay $0x4  }
0x2b4: {  	v5 =	vshll.u32 v4, $0x1  }
0x2b5: {  	v4 =	vand.u32 $0x7, v4;
	v5 =	vand.u32 $0xFFFFFFF0, v5  }
0x2b6: {  	v4 =	vor.u32 v4, v5  }
0x2b7: {  	v5 =	vperm.xlane v4, v0;
	_ =	sdelay $0x1  }
0x2b8: {  	v4 =	vperm.xlane v4, v2;
	v5 =	vadd.s32 v1, v5;
	_ =	sdelay $0x1  }
0x2b9: {  	v4 =	vadd.s32 v1, v4;
	_ =	sdelay $0x1  }
0x2ba: {  	s29 =	simm.s32 $0x14F00  }
0x2bb: {  	[tilespmem:s29], [sflag:$0x7] =	stream.indirect_vreg.gather [hbm4b:s5+s2], $0x80, v5, vm0, $0xb8;
	[tilespmem:$0x1DF00] =	vst v63  }
0x2bc: {  	s30 =	simm.s32 $0x15700  }
0x2bd: {  	[tilespmem:s30], [sflag:$0x7] =	stream.indirect_vreg.gather [hbm4b:s5+s2], $0x80, v4, vm0, $0xb8;
	[tilespmem:$0x1DF00] =	vst v63  }
0x2be: {  	v4 =	vld.msk [tilespmem:s28+$0x2890], $0xff;
	_ =	sdelay $0x4  }
0x2bf: {  	v5 =	vshll.u32 v4, $0x1  }
0x2c0: {  	v4 =	vand.u32 $0x7, v4;
	v5 =	vand.u32 $0xFFFFFFF0, v5  }
0x2c1: {  	v4 =	vor.u32 v4, v5  }
0x2c2: {  	v4 =	vperm.xlane v4, v0;
	_ =	sdelay $0x1  }
0x2c3: {  	v4 =	vadd.s32 v1, v4;
	_ =	sdelay $0x3  }
0x2c4: {  	s31 =	simm.s32 $0x15F00  }
0x2c5: {  	[tilespmem:s31], [sflag:$0x7] =	stream.indirect_vreg.gather [hbm4b:s5+s2], $0x80, v4, vm0, $0xb8;
	[tilespmem:$0x1DF00] =	vst v63  }
.LBB2_10:
0x2c6: {  	_ =	swait.ge [sflag:s23], $0x2800  }
0x2c7: {  	[sflag:s23] =	ssyncset.done $0x0  }
0x2c8: {  	[sflag:s23] =	ssyncadd.s32 $0xFFFFD800  }
0x2c9: {  	_ =	swait.ge [sflag:s24], $0x2800  }
0x2ca: {  	[sflag:s24] =	ssyncset.done $0x0  }
0x2cb: {  	[sflag:s24] =	ssyncadd.s32 $0xFFFFD800  }
0x2cc: {  	s0 =	simm.s32 $0x0;
	_ =	swait.ge [sflag:s25], $0x2800  }
0x2cd: {  	s1 =	sand.u32 $0x3800, s0;
	s0 =	sand.u32 $0x380, s0;
	[sflag:s25] =	ssyncset.done $0x0  }
0x2ce: {  	s29 =	sor.u32 s0, s1;
	[sflag:s25] =	ssyncadd.s32 $0xFFFFD800  }
0x2cf: {  	v4 =	vld [tilespmem:s29+$0xC730]  }
0x2d0: {  	v5 =	vld [tilespmem:s29+$0x16730];
	_ =	sdelay $0x1  }
0x2d1: {  	v6 =	vld [tilespmem:s29+$0xC700]  }
0x2d2: {  	v7 =	vld [tilespmem:s29+$0x16700]  }
0x2d3: {  	v8 =	vld [tilespmem:s29+$0xC710]  }
0x2d4: {  	v9 =	vld [tilespmem:s29+$0x16710];
	v4 =	vadd.bf16 v5, v4  }
0x2d5: {  	v10 =	vld [tilespmem:s29+$0xC720]  }
0x2d6: {  	v12 =	vld [tilespmem:s29+$0xC740];
	v11 =	vmul.bf16 v3, v4  }
0x2d7: {  	v5 =	vld [tilespmem:s29+$0x16720]  }
0x2d8: {  	v62 =	vld [tilespmem:s29+$0x16770];
	v6 =	vadd.bf16 v7, v6;
	v4 =	vmax.bf16 v4, v11  }
0x2d9: {  	v7 =	vld [tilespmem:s29+$0x16740];
	[tilespmem:s29+$0x1B730] =	vst v4;
	v4 =	vadd.bf16 v9, v8  }
0x2da: {  	v13 =	vmul.bf16 v3, v6;
	v11 =	vld [tilespmem:s29+$0xC750]  }
0x2db: {  	v8 =	vld [tilespmem:s29+$0x16750];
	v61 =	vmul.bf16 v3, v4  }
0x2dc: {  	v6 =	vmax.bf16 v6, v13;
	v9 =	vld [tilespmem:s29+$0xC760];
	v5 =	vadd.bf16 v5, v10  }
0x2dd: {  	[tilespmem:s29+$0x1B700] =	vst v6;
	v6 =	vld [tilespmem:s29+$0x16760];
	v4 =	vmax.bf16 v4, v61  }
0x2de: {  	v10 =	vld [tilespmem:s29+$0xC770];
	[tilespmem:s29+$0x1B710] =	vst v4;
	v4 =	vmul.bf16 v3, v5  }
0x2df: {  	v63 =	vld [tilespmem:s29+$0xCB00]  }
0x2e0: {  	v4 =	vmax.bf16 v5, v4;
	v5 =	vmul.bf16 v8, v11;
	v11 =	vld [tilespmem:s29+$0x16B00]  }
0x2e1: {  	v7 =	vmul.bf16 v7, v12;
	[tilespmem:s29+$0x1B720] =	vst v4;
	v4 =	vld [tilespmem:s29+$0xCB10]  }
0x2e2: {  	[tilespmem:s29+$0x1B750] =	vst v5;
	v5 =	vmul.bf16 v6, v9;
	v6 =	vld [tilespmem:s29+$0x16B10]  }
0x2e3: {  	[tilespmem:s29+$0x1B740] =	vst v7;
	v7 =	vld [tilespmem:s29+$0x16B20];
	v8 =	vmul.bf16 v62, v10  }
0x2e4: {  	s30 =	simm.s32 $0x80;
	s1 =	simm.s32 $0x100;
	[tilespmem:s29+$0x1B760] =	vst v5;
	v5 =	vld [tilespmem:s29+$0xCB20]  }
0x2e5: {  	s0 =	sand.u32 $0x3800, s1;
	s1 =	sand.u32 $0x380, s30;
	[tilespmem:s29+$0x1B770] =	vst v8;
	v8 =	vld [tilespmem:s29+$0xCB30];
	v10 =	vmul.bf16 v11, v63  }
0x2e6: {  	s31 =	sor.u32 s1, s0;
	s1 =	simm.s32 $0x200;
	v9 =	vld [tilespmem:s29+$0x16B30]  }
.LBB2_11:
0x2e7: {  	p1 =	sne.s32 s1, $0x2700;
	v11 =	vld [tilespmem:s31+$0xC730];
	[tilespmem:s29+$0x1BB00] =	vst v10;
	v4 =	vmul.bf16 v6, v4  }
0x2e8: {  	v6 =	vld [tilespmem:s31+$0x16730]  }
0x2e9: {  	v10 =	vld [tilespmem:s31+$0xC700];
	[tilespmem:s29+$0x1BB10] =	vst v4;
	v4 =	vmul.bf16 v7, v5  }
0x2ea: {  	v5 =	vld [tilespmem:s31+$0x16700]  }
0x2eb: {  	v7 =	vld [tilespmem:s31+$0xC710];
	[tilespmem:s29+$0x1BB20] =	vst v4;
	v4 =	vmul.bf16 v9, v8  }
0x2ec: {  	v8 =	vld [tilespmem:s31+$0x16710]  }
0x2ed: {  	v9 =	vld [tilespmem:s31+$0xC720];
	v6 =	vadd.bf16 v6, v11;
	[tilespmem:s29+$0x1BB30] =	vst v4;
	s29 =	smov.u32 s31  }
0x2ee: {  	v4 =	vld [tilespmem:s29+$0x16720]  }
0x2ef: {  	v5 =	vadd.bf16 v5, v10;
	v10 =	vmul.bf16 v3, v6;
	v11 =	vld [tilespmem:s29+$0xC740]  }
0x2f0: {  	v12 =	vld [tilespmem:s29+$0x16740]  }
0x2f1: {  	v13 =	vmul.bf16 v3, v5;
	v7 =	vadd.bf16 v8, v7;
	v6 =	vmax.bf16 v6, v10;
	v8 =	vld [tilespmem:s29+$0xC750]  }
0x2f2: {  	[tilespmem:s29+$0x1B730] =	vst v6;
	v6 =	vld [tilespmem:s29+$0x16750]  }
0x2f3: {  	v5 =	vmax.bf16 v5, v13;
	v10 =	vmul.bf16 v3, v7;
	v4 =	vadd.bf16 v4, v9;
	v9 =	vld [tilespmem:s29+$0xC760]  }
0x2f4: {  	[tilespmem:s29+$0x1B700] =	vst v5;
	v5 =	vld [tilespmem:s29+$0x16760]  }
0x2f5: {  	v7 =	vmax.bf16 v7, v10;
	v10 =	vmul.bf16 v3, v4;
	v11 =	vmul.bf16 v12, v11;
	v12 =	vld [tilespmem:s29+$0xC770]  }
0x2f6: {  	[tilespmem:s29+$0x1B710] =	vst v7;
	v7 =	vld [tilespmem:s29+$0x16770]  }
0x2f7: {  	v4 =	vmax.bf16 v4, v10;
	[tilespmem:s29+$0x1B740] =	vst v11;
	v6 =	vmul.bf16 v6, v8;
	v8 =	vld [tilespmem:s29+$0xCB00]  }
0x2f8: {  	[tilespmem:s29+$0x1B720] =	vst v4;
	v10 =	vld [tilespmem:s29+$0x16B00]  }
0x2f9: {  	[tilespmem:s29+$0x1B750] =	vst v6;
	v5 =	vmul.bf16 v5, v9;
	v4 =	vld [tilespmem:s29+$0xCB10]  }
.Ltmp4:
0x2fa: {  	v6 =	vld [tilespmem:s29+$0x16B10];
	(pc) =	sbr.rel @p1 .LBB2_11-.Ltmp4, $4  }
0x2fb: {  	[tilespmem:s29+$0x1B760] =	vst v5;
	v9 =	vmul.bf16 v7, v12;
	v5 =	vld [tilespmem:s29+$0xCB20]  }
0x2fc: {  	s30 =	sadd.s32 $0x80, s30;
	v7 =	vld [tilespmem:s29+$0x16B20]  }
0x2fd: {  	s0 =	sand.u32 $0x3800, s1;
	s31 =	sand.u32 $0x380, s30;
	[tilespmem:s29+$0x1B770] =	vst v9;
	v10 =	vmul.bf16 v10, v8;
	v8 =	vld [tilespmem:s29+$0xCB30]  }
0x2fe: {  	s1 =	sadd.s32 $0x100, s1;
	s31 =	sor.u32 s31, s0;
	v9 =	vld [tilespmem:s29+$0x16B30]  }
0x2ff: {  	v11 =	vld [tilespmem:s31+$0xC730];
	[tilespmem:s29+$0x1BB00] =	vst v10;
	v4 =	vmul.bf16 v6, v4  }
0x300: {  	v44 =	vld [tilespmem:s31+$0x16730]  }
0x301: {  	v10 =	vld [tilespmem:s31+$0xC700];
	[tilespmem:s29+$0x1BB10] =	vst v4;
	v4 =	vmul.bf16 v7, v5  }
0x302: {  	v5 =	vld [tilespmem:s31+$0x16700]  }
0x303: {  	v45 =	vld [tilespmem:s31+$0xC710];
	[tilespmem:s29+$0x1BB20] =	vst v4;
	v4 =	vmul.bf16 v9, v8  }
0x304: {  	v46 =	vld [tilespmem:s31+$0x16710]  }
0x305: {  	v47 =	vld [tilespmem:s31+$0xC720];
	[tilespmem:s29+$0x1BB30] =	vst v4  }
0x306: {  	v4 =	vld [tilespmem:s31+$0x16720]  }
0x307: {  	v12 =	vld [tilespmem:s31+$0xC740]  }
0x308: {  	v48 =	vld [tilespmem:s31+$0x16740];
	v5 =	vadd.bf16 v5, v10  }
0x309: {  	v49 =	vld [tilespmem:s31+$0xC750]  }
0x30a: {  	v51 =	vld [tilespmem:s31+$0x16750];
	v13 =	vmul.bf16 v3, v5  }
0x30b: {  	v52 =	vld [tilespmem:s31+$0xC760]  }
0x30c: {  	v54 =	vld [tilespmem:s31+$0xC770];
	v5 =	vmax.bf16 v5, v13  }
0x30d: {  	[tilespmem:s31+$0x1B700] =	vst v5;
	v5 =	vld [tilespmem:s31+$0x16760]  }
0x30e: {  	v56 =	vld [tilespmem:s31+$0x16770];
	v4 =	vadd.bf16 v4, v47  }
0x30f: {  	v57 =	vld [tilespmem:s31+$0xCB00]  }
0x310: {  	v6 =	vadd.bf16 v44, v11;
	v58 =	vld [tilespmem:s31+$0xCB10];
	v55 =	vmul.bf16 v3, v4  }
0x311: {  	v59 =	vld [tilespmem:s31+$0x16B10]  }
0x312: {  	v60 =	vld [tilespmem:s31+$0xCB20];
	v11 =	vmul.bf16 v3, v6;
	v4 =	vmax.bf16 v4, v55;
	v5 =	vmul.bf16 v5, v52  }
0x313: {  	[tilespmem:s31+$0x1B720] =	vst v4;
	v4 =	vld [tilespmem:s31+$0x16B00]  }
0x314: {  	v61 =	vld [tilespmem:s31+$0x16B20];
	v6 =	vmax.bf16 v6, v11;
	[tilespmem:s31+$0x1B760] =	vst v5;
	v5 =	vmul.bf16 v56, v54  }
0x315: {  	v62 =	vld [tilespmem:s31+$0x16B30];
	[tilespmem:s31+$0x1B730] =	vst v6;
	v10 =	vmul.bf16 v48, v12  }
0x316: {  	v50 =	vadd.bf16 v46, v45;
	v7 =	vmul.bf16 v51, v49;
	[tilespmem:s31+$0x1B770] =	vst v5;
	v5 =	vld [tilespmem:s31+$0xCB30]  }
0x317: {  	v63 =	vmul.bf16 v59, v58;
	[tilespmem:s31+$0x1B740] =	vst v10  }
0x318: {  	v53 =	vmul.bf16 v3, v50;
	[tilespmem:s31+$0x1B750] =	vst v7;
	v4 =	vmul.bf16 v4, v57  }
0x319: {  	[tilespmem:s31+$0x1BB10] =	vst v63  }
.Ltmp5:
0x31a: {  	v6 =	vmax.bf16 v50, v53;
	[tilespmem:s31+$0x1BB00] =	vst v4;
	v4 =	vmul.bf16 v61, v60;
	(pc) =	sbr.rel @p0 .LBB2_14-.Ltmp5, $4  }
0x31b: {  	s0 =	sadd.s32 s28, s11;
	[tilespmem:s31+$0x1B710] =	vst v6;
	v5 =	vmul.bf16 v62, v5  }
0x31c: {  	s0 =	sshll.u32 s0, $0x5;
	[tilespmem:s31+$0x1BB20] =	vst v4  }
0x31d: {  	s0 =	sadd.s32 s6, s0;
	[tilespmem:s31+$0x1BB30] =	vst v5  }
0x31e: {  	[hbm4b:s0+s2] =	stream.linear.scatter [tilespmem:s19], [sflag:$0xA], $0x2800, $0x38;
	[tilespmem:$0x1DF00] =	vst v63  }
0x31f: {  	v4 =	vld [tilespmem:s28+$0x118];
	_ =	sdelay $0x4  }
0x320: {  	v5 =	vshll.u32 v4, $0x1  }
0x321: {  	v4 =	vand.u32 $0x7, v4;
	v5 =	vand.u32 $0xFFFFFFF0, v5  }
0x322: {  	v4 =	vor.u32 v4, v5  }
0x323: {  	v5 =	vperm.xlane v4, v0;
	_ =	sdelay $0x1  }
0x324: {  	v4 =	vperm.xlane v4, v2;
	v5 =	vadd.s32 v1, v5;
	_ =	sdelay $0x1  }
0x325: {  	v4 =	vadd.s32 v1, v4;
	_ =	sdelay $0x1  }
0x326: {  	s0 =	simm.s32 $0xC700  }
0x327: {  	[tilespmem:s0], [sflag:$0x4] =	stream.indirect_vreg.gather [hbm4b:s4+s2], $0x80, v5, vm0, $0xb8;
	[tilespmem:$0x1DF00] =	vst v63  }
0x328: {  	s31 =	simm.s32 $0xCF00  }
0x329: {  	[tilespmem:s31], [sflag:$0x4] =	stream.indirect_vreg.gather [hbm4b:s4+s2], $0x80, v4, vm0, $0xb8;
	[tilespmem:$0x1DF00] =	vst v63  }
0x32a: {  	v4 =	vld [tilespmem:s28+$0x128];
	_ =	sdelay $0x4  }
0x32b: {  	v5 =	vshll.u32 v4, $0x1  }
0x32c: {  	v4 =	vand.u32 $0x7, v4;
	v5 =	vand.u32 $0xFFFFFFF0, v5  }
0x32d: {  	v4 =	vor.u32 v4, v5  }
0x32e: {  	v5 =	vperm.xlane v4, v0;
	_ =	sdelay $0x1  }
0x32f: {  	v4 =	vperm.xlane v4, v2;
	v5 =	vadd.s32 v1, v5;
	_ =	sdelay $0x1  }
0x330: {  	v4 =	vadd.s32 v1, v4;
	_ =	sdelay $0x1  }
0x331: {  	s1 =	simm.s32 $0xD700  }
0x332: {  	[tilespmem:s1], [sflag:$0x4] =	stream.indirect_vreg.gather [hbm4b:s4+s2], $0x80, v5, vm0, $0xb8;
	[tilespmem:$0x1DF00] =	vst v63  }
0x333: {  	s29 =	simm.s32 $0xDF00  }
0x334: {  	[tilespmem:s29], [sflag:$0x4] =	stream.indirect_vreg.gather [hbm4b:s4+s2], $0x80, v4, vm0, $0xb8;
	[tilespmem:$0x1DF00] =	vst v63  }
0x335: {  	v4 =	vld.msk [tilespmem:s28+$0x138], $0xff;
	_ =	sdelay $0x4  }
0x336: {  	v5 =	vshll.u32 v4, $0x1  }
0x337: {  	v4 =	vand.u32 $0x7, v4;
	v5 =	vand.u32 $0xFFFFFFF0, v5  }
0x338: {  	v4 =	vor.u32 v4, v5  }
0x339: {  	v4 =	vperm.xlane v4, v0;
	_ =	sdelay $0x1  }
0x33a: {  	v4 =	vadd.s32 v1, v4;
	_ =	sdelay $0x3  }
0x33b: {  	s30 =	simm.s32 $0xE700  }
0x33c: {  	[tilespmem:s30], [sflag:$0x4] =	stream.indirect_vreg.gather [hbm4b:s4+s2], $0x80, v4, vm0, $0xb8;
	[tilespmem:$0x1DF00] =	vst v63  }
0x33d: {  	v4 =	vld [tilespmem:s28+$0x2898];
	_ =	sdelay $0x4  }
0x33e: {  	v5 =	vshll.u32 v4, $0x1  }
0x33f: {  	v4 =	vand.u32 $0x7, v4;
	v5 =	vand.u32 $0xFFFFFFF0, v5  }
0x340: {  	v4 =	vor.u32 v4, v5  }
0x341: {  	v5 =	vperm.xlane v4, v0;
	_ =	sdelay $0x1  }
0x342: {  	v4 =	vperm.xlane v4, v2;
	v5 =	vadd.s32 v1, v5;
	_ =	sdelay $0x1  }
0x343: {  	v4 =	vadd.s32 v1, v4;
	_ =	sdelay $0x1  }
0x344: {  	s31 =	simm.s32 $0x16700  }
0x345: {  	[tilespmem:s31], [sflag:$0x8] =	stream.indirect_vreg.gather [hbm4b:s5+s2], $0x80, v5, vm0, $0xb8;
	[tilespmem:$0x1DF00] =	vst v63  }
0x346: {  	s1 =	simm.s32 $0x16F00  }
0x347: {  	[tilespmem:s1], [sflag:$0x8] =	stream.indirect_vreg.gather [hbm4b:s5+s2], $0x80, v4, vm0, $0xb8;
	[tilespmem:$0x1DF00] =	vst v63  }
0x348: {  	v4 =	vld [tilespmem:s28+$0x28A8];
	_ =	sdelay $0x4  }
0x349: {  	v5 =	vshll.u32 v4, $0x1  }
0x34a: {  	v4 =	vand.u32 $0x7, v4;
	v5 =	vand.u32 $0xFFFFFFF0, v5  }
0x34b: {  	v4 =	vor.u32 v4, v5  }
0x34c: {  	v5 =	vperm.xlane v4, v0;
	_ =	sdelay $0x1  }
0x34d: {  	v4 =	vperm.xlane v4, v2;
	v5 =	vadd.s32 v1, v5;
	_ =	sdelay $0x1  }
0x34e: {  	v4 =	vadd.s32 v1, v4;
	_ =	sdelay $0x1  }
0x34f: {  	s29 =	simm.s32 $0x17700  }
0x350: {  	[tilespmem:s29], [sflag:$0x8] =	stream.indirect_vreg.gather [hbm4b:s5+s2], $0x80, v5, vm0, $0xb8;
	[tilespmem:$0x1DF00] =	vst v63  }
0x351: {  	s30 =	simm.s32 $0x17F00  }
0x352: {  	[tilespmem:s30], [sflag:$0x8] =	stream.indirect_vreg.gather [hbm4b:s5+s2], $0x80, v4, vm0, $0xb8;
	[tilespmem:$0x1DF00] =	vst v63  }
0x353: {  	v4 =	vld.msk [tilespmem:s28+$0x28B8], $0xff;
	_ =	sdelay $0x4  }
0x354: {  	v5 =	vshll.u32 v4, $0x1  }
0x355: {  	v4 =	vand.u32 $0x7, v4;
	v5 =	vand.u32 $0xFFFFFFF0, v5  }
0x356: {  	v4 =	vor.u32 v4, v5  }
0x357: {  	v4 =	vperm.xlane v4, v0;
	_ =	sdelay $0x1  }
0x358: {  	v4 =	vadd.s32 v1, v4  }
.Ltmp6:
0x359: {  	_ = 	snop;
	(pc) =	sbr.rel .LBB2_2-.Ltmp6, $3  }
0x35a: {  	_ =	sdelay $0x1  }
0x35b: {  	s26 =	sadd.s32 $0x1, s26;
	s31 =	simm.s32 $0x18700  }
0x35c: {  	[tilespmem:s31], [sflag:$0x8] =	stream.indirect_vreg.gather [hbm4b:s5+s2], $0x80, v4, vm0, $0xb8;
	[tilespmem:$0x1DF00] =	vst v63  }
.LBB2_14:
0x35d: {  	_ =	swait.ge [sflag:s15], $0x2800  }
0x35e: {  	[sflag:s15] =	ssyncset.done $0x0  }
0x35f: {  	[sflag:s15] =	ssyncadd.s32 $0xFFFFD800  }
0x360: {  	_ =	swait.ge [sflag:s13], $0x2800  }
0x361: {  	[sflag:s13] =	ssyncset.done $0x0  }
0x362: {  	[sflag:s13] =	ssyncadd.s32 $0xFFFFD800  }
0x363: {  	s0 =	simm.s32 $0x0;
	_ =	swait.ge [sflag:s22], $0x2800  }
0x364: {  	s1 =	sand.u32 $0x3800, s0;
	s0 =	sand.u32 $0x380, s0;
	[sflag:s22] =	ssyncset.done $0x0  }
0x365: {  	s26 =	sor.u32 s0, s1;
	[sflag:s22] =	ssyncadd.s32 $0xFFFFD800  }
0x366: {  	v4 =	vld [tilespmem:s26+$0x4F30]  }
0x367: {  	v5 =	vld [tilespmem:s26+$0xEF30];
	_ =	sdelay $0x1  }
0x368: {  	v6 =	vld [tilespmem:s26+$0x4F00]  }
0x369: {  	v7 =	vld [tilespmem:s26+$0xEF00]  }
0x36a: {  	v8 =	vld [tilespmem:s26+$0x4F10]  }
0x36b: {  	v9 =	vld [tilespmem:s26+$0xEF10];
	v4 =	vadd.bf16 v5, v4  }
0x36c: {  	v10 =	vld [tilespmem:s26+$0x4F20]  }
0x36d: {  	v12 =	vld [tilespmem:s26+$0x4F40];
	v11 =	vmul.bf16 v3, v4  }
0x36e: {  	v5 =	vld [tilespmem:s26+$0xEF20]  }
0x36f: {  	v62 =	vld [tilespmem:s26+$0xEF70];
	v6 =	vadd.bf16 v7, v6;
	v4 =	vmax.bf16 v4, v11  }
0x370: {  	v7 =	vld [tilespmem:s26+$0xEF40];
	[tilespmem:s26+$0x18F30] =	vst v4;
	v4 =	vadd.bf16 v9, v8  }
0x371: {  	v13 =	vmul.bf16 v3, v6;
	v11 =	vld [tilespmem:s26+$0x4F50]  }
0x372: {  	v8 =	vld [tilespmem:s26+$0xEF50];
	v61 =	vmul.bf16 v3, v4  }
0x373: {  	v6 =	vmax.bf16 v6, v13;
	v9 =	vld [tilespmem:s26+$0x4F60];
	v5 =	vadd.bf16 v5, v10  }
0x374: {  	[tilespmem:s26+$0x18F00] =	vst v6;
	v6 =	vld [tilespmem:s26+$0xEF60];
	v4 =	vmax.bf16 v4, v61  }
0x375: {  	v10 =	vld [tilespmem:s26+$0x4F70];
	[tilespmem:s26+$0x18F10] =	vst v4;
	v4 =	vmul.bf16 v3, v5  }
0x376: {  	v63 =	vld [tilespmem:s26+$0x5300]  }
0x377: {  	v4 =	vmax.bf16 v5, v4;
	v5 =	vmul.bf16 v8, v11;
	v11 =	vld [tilespmem:s26+$0xF300]  }
0x378: {  	v7 =	vmul.bf16 v7, v12;
	[tilespmem:s26+$0x18F20] =	vst v4;
	v4 =	vld [tilespmem:s26+$0x5310]  }
0x379: {  	[tilespmem:s26+$0x18F50] =	vst v5;
	v5 =	vmul.bf16 v6, v9;
	v6 =	vld [tilespmem:s26+$0xF310]  }
0x37a: {  	[tilespmem:s26+$0x18F40] =	vst v7;
	v7 =	vld [tilespmem:s26+$0xF320];
	v8 =	vmul.bf16 v62, v10  }
0x37b: {  	s30 =	simm.s32 $0x100;
	s28 =	simm.s32 $0x80;
	[tilespmem:s26+$0x18F60] =	vst v5;
	v5 =	vld [tilespmem:s26+$0x5320]  }
0x37c: {  	s31 =	sand.u32 $0x380, s28;
	s0 =	sand.u32 $0x3800, s30;
	[tilespmem:s26+$0x18F70] =	vst v8;
	v8 =	vld [tilespmem:s26+$0x5330];
	v10 =	vmul.bf16 v11, v63  }
0x37d: {  	s1 =	simm.s32 $0x200;
	s29 =	sor.u32 s31, s0;
	v9 =	vld [tilespmem:s26+$0xF330]  }
.LBB2_15:
0x37e: {  	p0 =	sne.s32 s1, $0x2700;
	v11 =	vld [tilespmem:s29+$0x4F30];
	[tilespmem:s26+$0x19300] =	vst v10;
	v4 =	vmul.bf16 v6, v4  }
0x37f: {  	v6 =	vld [tilespmem:s29+$0xEF30]  }
0x380: {  	v10 =	vld [tilespmem:s29+$0x4F00];
	[tilespmem:s26+$0x19310] =	vst v4;
	v4 =	vmul.bf16 v7, v5  }
0x381: {  	v5 =	vld [tilespmem:s29+$0xEF00]  }
0x382: {  	v7 =	vld [tilespmem:s29+$0x4F10];
	[tilespmem:s26+$0x19320] =	vst v4;
	v4 =	vmul.bf16 v9, v8  }
0x383: {  	v8 =	vld [tilespmem:s29+$0xEF10]  }
0x384: {  	v9 =	vld [tilespmem:s29+$0x4F20];
	v6 =	vadd.bf16 v6, v11;
	[tilespmem:s26+$0x19330] =	vst v4;
	s26 =	smov.u32 s29  }
0x385: {  	v4 =	vld [tilespmem:s26+$0xEF20]  }
0x386: {  	v5 =	vadd.bf16 v5, v10;
	v10 =	vmul.bf16 v3, v6;
	v11 =	vld [tilespmem:s26+$0x4F40]  }
0x387: {  	v12 =	vld [tilespmem:s26+$0xEF40]  }
0x388: {  	v13 =	vmul.bf16 v3, v5;
	v7 =	vadd.bf16 v8, v7;
	v6 =	vmax.bf16 v6, v10;
	v8 =	vld [tilespmem:s26+$0x4F50]  }
0x389: {  	[tilespmem:s26+$0x18F30] =	vst v6;
	v6 =	vld [tilespmem:s26+$0xEF50]  }
0x38a: {  	v5 =	vmax.bf16 v5, v13;
	v10 =	vmul.bf16 v3, v7;
	v4 =	vadd.bf16 v4, v9;
	v9 =	vld [tilespmem:s26+$0x4F60]  }
0x38b: {  	[tilespmem:s26+$0x18F00] =	vst v5;
	v5 =	vld [tilespmem:s26+$0xEF60]  }
0x38c: {  	v7 =	vmax.bf16 v7, v10;
	v10 =	vmul.bf16 v3, v4;
	v11 =	vmul.bf16 v12, v11;
	v12 =	vld [tilespmem:s26+$0x4F70]  }
0x38d: {  	[tilespmem:s26+$0x18F10] =	vst v7;
	v7 =	vld [tilespmem:s26+$0xEF70]  }
0x38e: {  	v4 =	vmax.bf16 v4, v10;
	[tilespmem:s26+$0x18F40] =	vst v11;
	v6 =	vmul.bf16 v6, v8;
	v8 =	vld [tilespmem:s26+$0x5300]  }
0x38f: {  	[tilespmem:s26+$0x18F20] =	vst v4;
	v10 =	vld [tilespmem:s26+$0xF300]  }
0x390: {  	[tilespmem:s26+$0x18F50] =	vst v6;
	v5 =	vmul.bf16 v5, v9;
	v4 =	vld [tilespmem:s26+$0x5310]  }
.Ltmp7:
0x391: {  	v6 =	vld [tilespmem:s26+$0xF310];
	(pc) =	sbr.rel @p0 .LBB2_15-.Ltmp7, $4  }
0x392: {  	[tilespmem:s26+$0x18F60] =	vst v5;
	v9 =	vmul.bf16 v7, v12;
	v5 =	vld [tilespmem:s26+$0x5320]  }
0x393: {  	s28 =	sadd.s32 $0x80, s28;
	v7 =	vld [tilespmem:s26+$0xF320]  }
0x394: {  	s0 =	sand.u32 $0x3800, s1;
	s29 =	sand.u32 $0x380, s28;
	[tilespmem:s26+$0x18F70] =	vst v9;
	v10 =	vmul.bf16 v10, v8;
	v8 =	vld [tilespmem:s26+$0x5330]  }
0x395: {  	s1 =	sadd.s32 $0x100, s1;
	s29 =	sor.u32 s29, s0;
	v9 =	vld [tilespmem:s26+$0xF330]  }
0x396: {  	v11 =	vld [tilespmem:s29+$0x4F30];
	[tilespmem:s26+$0x19300] =	vst v10;
	v4 =	vmul.bf16 v6, v4  }
0x397: {  	v6 =	vld [tilespmem:s29+$0xEF30]  }
0x398: {  	v10 =	vld [tilespmem:s29+$0x4F00];
	[tilespmem:s26+$0x19310] =	vst v4;
	v4 =	vmul.bf16 v7, v5  }
0x399: {  	v5 =	vld [tilespmem:s29+$0xEF00]  }
0x39a: {  	v7 =	vld [tilespmem:s29+$0x4F10];
	[tilespmem:s26+$0x19320] =	vst v4;
	v4 =	vmul.bf16 v9, v8  }
0x39b: {  	v8 =	vld [tilespmem:s29+$0xEF10]  }
0x39c: {  	v9 =	vld [tilespmem:s29+$0x4F20];
	v6 =	vadd.bf16 v6, v11;
	[tilespmem:s26+$0x19330] =	vst v4  }
0x39d: {  	v12 =	vld [tilespmem:s29+$0x4F40]  }
0x39e: {  	v11 =	vmul.bf16 v3, v6;
	v5 =	vadd.bf16 v5, v10;
	v10 =	vld [tilespmem:s29+$0xEF40]  }
0x39f: {  	v4 =	vld [tilespmem:s29+$0xEF20]  }
0x3a0: {  	v58 =	vld [tilespmem:s29+$0xEF70];
	v6 =	vmax.bf16 v6, v11  }
0x3a1: {  	v11 =	vld [tilespmem:s29+$0x4F50];
	v13 =	vmul.bf16 v3, v5;
	[tilespmem:s29+$0x18F30] =	vst v6;
	v6 =	vadd.bf16 v8, v7  }
0x3a2: {  	v7 =	vld [tilespmem:s29+$0xEF50]  }
0x3a3: {  	v8 =	vld [tilespmem:s29+$0x4F60];
	v5 =	vmax.bf16 v5, v13;
	v57 =	vmul.bf16 v3, v6;
	v10 =	vmul.bf16 v10, v12  }
0x3a4: {  	v4 =	vadd.bf16 v4, v9;
	[tilespmem:s29+$0x18F00] =	vst v5;
	v5 =	vld [tilespmem:s29+$0xEF60]  }
0x3a5: {  	v9 =	vld [tilespmem:s29+$0x4F70];
	v6 =	vmax.bf16 v6, v57;
	[tilespmem:s29+$0x18F40] =	vst v10  }
0x3a6: {  	v10 =	vld [tilespmem:s29+$0xF320];
	[tilespmem:s29+$0x18F10] =	vst v6;
	v6 =	vmul.bf16 v3, v4  }
0x3a7: {  	v7 =	vmul.bf16 v7, v11;
	v11 =	vld [tilespmem:s29+$0xF330]  }
0x3a8: {  	v4 =	vmax.bf16 v4, v6;
	v6 =	vld [tilespmem:s29+$0x5300]  }
0x3a9: {  	[tilespmem:s29+$0x18F50] =	vst v7;
	v5 =	vmul.bf16 v5, v8;
	v7 =	vld [tilespmem:s29+$0x5310]  }
0x3aa: {  	[tilespmem:s29+$0x18F20] =	vst v4;
	v4 =	vld [tilespmem:s29+$0xF300]  }
0x3ab: {  	v8 =	vld [tilespmem:s29+$0xF310];
	[tilespmem:s29+$0x18F60] =	vst v5;
	v5 =	vmul.bf16 v58, v9  }
0x3ac: {  	v9 =	vld [tilespmem:s29+$0x5320]  }
0x3ad: {  	[tilespmem:s29+$0x18F70] =	vst v5;
	v5 =	vld [tilespmem:s29+$0x5330];
	_ =	sdelay $0x1  }
0x3ae: {  	v4 =	vmul.bf16 v4, v6  }
0x3af: {  	v6 =	vmul.bf16 v8, v7  }
0x3b0: {  	[tilespmem:s29+$0x19300] =	vst v4;
	v4 =	vmul.bf16 v10, v9  }
0x3b1: {  	[tilespmem:s29+$0x19310] =	vst v6;
	v5 =	vmul.bf16 v11, v5  }
0x3b2: {  	[tilespmem:s29+$0x19320] =	vst v4  }
0x3b3: {  	s0 =	simm.s32 $0x0;
	s1 =	rddreg [dreg:$0x4];
	[tilespmem:s29+$0x19330] =	vst v5  }
0x3b4: {  	[hbm4b:s1+s0] =	stream.linear.scatter [tilespmem:s14], [sflag:$0x9], $0x2800, $0x38;
	[tilespmem:$0x1DF00] =	vst v63  }
0x3b5: {  	_ =	swait.ge [sflag:s17], $0x2800  }
0x3b6: {  	[sflag:s17] =	ssyncset.done $0x0  }
0x3b7: {  	[sflag:s17] =	ssyncadd.s32 $0xFFFFD800  }
0x3b8: {  	_ =	swait.ge [sflag:s18], $0x2800  }
0x3b9: {  	[sflag:s18] =	ssyncset.done $0x0  }
0x3ba: {  	[sflag:s18] =	ssyncadd.s32 $0xFFFFD800  }
0x3bb: {  	_ =	swait.ge [sflag:s25], $0x2800  }
0x3bc: {  	s26 =	sand.u32 $0x3800, s0;
	s0 =	sand.u32 $0x380, s0;
	[sflag:s25] =	ssyncset.done $0x0  }
0x3bd: {  	s26 =	sor.u32 s0, s26;
	[sflag:s25] =	ssyncadd.s32 $0xFFFFD800  }
0x3be: {  	v4 =	vld [tilespmem:s26+$0x7730]  }
0x3bf: {  	v5 =	vld [tilespmem:s26+$0x11730];
	_ =	sdelay $0x1  }
0x3c0: {  	v6 =	vld [tilespmem:s26+$0x7700]  }
0x3c1: {  	v7 =	vld [tilespmem:s26+$0x11700]  }
0x3c2: {  	v8 =	vld [tilespmem:s26+$0x7710]  }
0x3c3: {  	v9 =	vld [tilespmem:s26+$0x11710];
	v4 =	vadd.bf16 v5, v4  }
0x3c4: {  	v10 =	vld [tilespmem:s26+$0x7720]  }
0x3c5: {  	v59 =	vld [tilespmem:s26+$0x7740];
	v11 =	vmul.bf16 v3, v4  }
0x3c6: {  	v5 =	vld [tilespmem:s26+$0x11720]  }
0x3c7: {  	v62 =	vld [tilespmem:s26+$0x11770];
	v6 =	vadd.bf16 v7, v6;
	v4 =	vmax.bf16 v4, v11  }
0x3c8: {  	v7 =	vld [tilespmem:s26+$0x11740];
	[tilespmem:s26+$0x1B730] =	vst v4;
	v4 =	vadd.bf16 v9, v8  }
0x3c9: {  	v60 =	vmul.bf16 v3, v6;
	v11 =	vld [tilespmem:s26+$0x7750]  }
0x3ca: {  	v8 =	vld [tilespmem:s26+$0x11750];
	v61 =	vmul.bf16 v3, v4  }
0x3cb: {  	v6 =	vmax.bf16 v6, v60;
	v9 =	vld [tilespmem:s26+$0x7760];
	v5 =	vadd.bf16 v5, v10  }
0x3cc: {  	[tilespmem:s26+$0x1B700] =	vst v6;
	v6 =	vld [tilespmem:s26+$0x11760];
	v4 =	vmax.bf16 v4, v61  }
0x3cd: {  	v10 =	vld [tilespmem:s26+$0x7770];
	[tilespmem:s26+$0x1B710] =	vst v4;
	v4 =	vmul.bf16 v3, v5  }
0x3ce: {  	v63 =	vld [tilespmem:s26+$0x7B00]  }
0x3cf: {  	v4 =	vmax.bf16 v5, v4;
	v5 =	vmul.bf16 v8, v11;
	v11 =	vld [tilespmem:s26+$0x11B00]  }
0x3d0: {  	v7 =	vmul.bf16 v7, v59;
	[tilespmem:s26+$0x1B720] =	vst v4;
	v4 =	vld [tilespmem:s26+$0x7B10]  }
0x3d1: {  	[tilespmem:s26+$0x1B750] =	vst v5;
	v5 =	vmul.bf16 v6, v9;
	v6 =	vld [tilespmem:s26+$0x11B10]  }
0x3d2: {  	[tilespmem:s26+$0x1B740] =	vst v7;
	v7 =	vld [tilespmem:s26+$0x11B20];
	v8 =	vmul.bf16 v62, v10  }
0x3d3: {  	s30 =	simm.s32 $0x100;
	s28 =	simm.s32 $0x80;
	[tilespmem:s26+$0x1B760] =	vst v5;
	v5 =	vld [tilespmem:s26+$0x7B20]  }
0x3d4: {  	s31 =	sand.u32 $0x380, s28;
	s0 =	sand.u32 $0x3800, s30;
	[tilespmem:s26+$0x1B770] =	vst v8;
	v8 =	vld [tilespmem:s26+$0x7B30];
	v10 =	vmul.bf16 v11, v63  }
0x3d5: {  	s1 =	simm.s32 $0x200;
	s29 =	sor.u32 s31, s0;
	v9 =	vld [tilespmem:s26+$0x11B30]  }
.LBB2_17:
0x3d6: {  	p0 =	sne.s32 s1, $0x2700;
	v11 =	vld [tilespmem:s29+$0x7730];
	[tilespmem:s26+$0x1BB00] =	vst v10;
	v4 =	vmul.bf16 v6, v4  }
0x3d7: {  	v6 =	vld [tilespmem:s29+$0x11730]  }
0x3d8: {  	v10 =	vld [tilespmem:s29+$0x7700];
	[tilespmem:s26+$0x1BB10] =	vst v4;
	v4 =	vmul.bf16 v7, v5  }
0x3d9: {  	v5 =	vld [tilespmem:s29+$0x11700]  }
0x3da: {  	v7 =	vld [tilespmem:s29+$0x7710];
	[tilespmem:s26+$0x1BB20] =	vst v4;
	v4 =	vmul.bf16 v9, v8  }
0x3db: {  	v8 =	vld [tilespmem:s29+$0x11710]  }
0x3dc: {  	v9 =	vld [tilespmem:s29+$0x7720];
	v6 =	vadd.bf16 v6, v11;
	[tilespmem:s26+$0x1BB30] =	vst v4;
	s26 =	smov.u32 s29  }
0x3dd: {  	v4 =	vld [tilespmem:s26+$0x11720]  }
0x3de: {  	v5 =	vadd.bf16 v5, v10;
	v10 =	vmul.bf16 v3, v6;
	v11 =	vld [tilespmem:s26+$0x7740]  }
0x3df: {  	v12 =	vld [tilespmem:s26+$0x11740]  }
0x3e0: {  	v13 =	vmul.bf16 v3, v5;
	v7 =	vadd.bf16 v8, v7;
	v6 =	vmax.bf16 v6, v10;
	v8 =	vld [tilespmem:s26+$0x7750]  }
0x3e1: {  	[tilespmem:s26+$0x1B730] =	vst v6;
	v6 =	vld [tilespmem:s26+$0x11750]  }
0x3e2: {  	v5 =	vmax.bf16 v5, v13;
	v10 =	vmul.bf16 v3, v7;
	v4 =	vadd.bf16 v4, v9;
	v9 =	vld [tilespmem:s26+$0x7760]  }
0x3e3: {  	[tilespmem:s26+$0x1B700] =	vst v5;
	v5 =	vld [tilespmem:s26+$0x11760]  }
0x3e4: {  	v7 =	vmax.bf16 v7, v10;
	v10 =	vmul.bf16 v3, v4;
	v11 =	vmul.bf16 v12, v11;
	v12 =	vld [tilespmem:s26+$0x7770]  }
0x3e5: {  	[tilespmem:s26+$0x1B710] =	vst v7;
	v7 =	vld [tilespmem:s26+$0x11770]  }
0x3e6: {  	v4 =	vmax.bf16 v4, v10;
	[tilespmem:s26+$0x1B740] =	vst v11;
	v6 =	vmul.bf16 v6, v8;
	v8 =	vld [tilespmem:s26+$0x7B00]  }
0x3e7: {  	[tilespmem:s26+$0x1B720] =	vst v4;
	v10 =	vld [tilespmem:s26+$0x11B00]  }
0x3e8: {  	[tilespmem:s26+$0x1B750] =	vst v6;
	v5 =	vmul.bf16 v5, v9;
	v4 =	vld [tilespmem:s26+$0x7B10]  }
.Ltmp8:
0x3e9: {  	v6 =	vld [tilespmem:s26+$0x11B10];
	(pc) =	sbr.rel @p0 .LBB2_17-.Ltmp8, $4  }
0x3ea: {  	[tilespmem:s26+$0x1B760] =	vst v5;
	v9 =	vmul.bf16 v7, v12;
	v5 =	vld [tilespmem:s26+$0x7B20]  }
0x3eb: {  	s28 =	sadd.s32 $0x80, s28;
	v7 =	vld [tilespmem:s26+$0x11B20]  }
0x3ec: {  	s0 =	sand.u32 $0x3800, s1;
	s29 =	sand.u32 $0x380, s28;
	[tilespmem:s26+$0x1B770] =	vst v9;
	v10 =	vmul.bf16 v10, v8;
	v8 =	vld [tilespmem:s26+$0x7B30]  }
0x3ed: {  	s1 =	sadd.s32 $0x100, s1;
	s29 =	sor.u32 s29, s0;
	v9 =	vld [tilespmem:s26+$0x11B30]  }
0x3ee: {  	v11 =	vld [tilespmem:s29+$0x7730];
	[tilespmem:s26+$0x1BB00] =	vst v10;
	v4 =	vmul.bf16 v6, v4  }
0x3ef: {  	v44 =	vld [tilespmem:s29+$0x11730]  }
0x3f0: {  	v10 =	vld [tilespmem:s29+$0x7700];
	[tilespmem:s26+$0x1BB10] =	vst v4;
	v4 =	vmul.bf16 v7, v5  }
0x3f1: {  	v5 =	vld [tilespmem:s29+$0x11700]  }
0x3f2: {  	v45 =	vld [tilespmem:s29+$0x7710];
	[tilespmem:s26+$0x1BB20] =	vst v4;
	v4 =	vmul.bf16 v9, v8  }
0x3f3: {  	v46 =	vld [tilespmem:s29+$0x11710]  }
0x3f4: {  	v47 =	vld [tilespmem:s29+$0x7720];
	[tilespmem:s26+$0x1BB30] =	vst v4  }
0x3f5: {  	v4 =	vld [tilespmem:s29+$0x11720]  }
0x3f6: {  	v12 =	vld [tilespmem:s29+$0x7740]  }
0x3f7: {  	v48 =	vld [tilespmem:s29+$0x11740];
	v5 =	vadd.bf16 v5, v10  }
0x3f8: {  	v49 =	vld [tilespmem:s29+$0x7750]  }
0x3f9: {  	v51 =	vld [tilespmem:s29+$0x11750];
	v13 =	vmul.bf16 v3, v5  }
0x3fa: {  	v52 =	vld [tilespmem:s29+$0x7760]  }
0x3fb: {  	v54 =	vld [tilespmem:s29+$0x7770];
	v5 =	vmax.bf16 v5, v13  }
0x3fc: {  	[tilespmem:s29+$0x1B700] =	vst v5;
	v5 =	vld [tilespmem:s29+$0x11760]  }
0x3fd: {  	v56 =	vld [tilespmem:s29+$0x11770];
	v4 =	vadd.bf16 v4, v47  }
0x3fe: {  	v57 =	vld [tilespmem:s29+$0x7B00]  }
0x3ff: {  	v6 =	vadd.bf16 v44, v11;
	v58 =	vld [tilespmem:s29+$0x7B10];
	v55 =	vmul.bf16 v3, v4  }
0x400: {  	v59 =	vld [tilespmem:s29+$0x11B10]  }
0x401: {  	v60 =	vld [tilespmem:s29+$0x7B20];
	v11 =	vmul.bf16 v3, v6;
	v4 =	vmax.bf16 v4, v55;
	v5 =	vmul.bf16 v5, v52  }
0x402: {  	[tilespmem:s29+$0x1B720] =	vst v4;
	v4 =	vld [tilespmem:s29+$0x11B00]  }
0x403: {  	v61 =	vld [tilespmem:s29+$0x11B20];
	v6 =	vmax.bf16 v6, v11;
	[tilespmem:s29+$0x1B760] =	vst v5;
	v5 =	vmul.bf16 v56, v54  }
0x404: {  	v62 =	vld [tilespmem:s29+$0x11B30];
	[tilespmem:s29+$0x1B730] =	vst v6;
	v10 =	vmul.bf16 v48, v12  }
0x405: {  	v50 =	vadd.bf16 v46, v45;
	v7 =	vmul.bf16 v51, v49;
	[tilespmem:s29+$0x1B770] =	vst v5;
	v5 =	vld [tilespmem:s29+$0x7B30]  }
0x406: {  	v63 =	vmul.bf16 v59, v58;
	[tilespmem:s29+$0x1B740] =	vst v10  }
0x407: {  	v53 =	vmul.bf16 v3, v50;
	[tilespmem:s29+$0x1B750] =	vst v7;
	v4 =	vmul.bf16 v4, v57  }
0x408: {  	[tilespmem:s29+$0x1BB10] =	vst v63  }
0x409: {  	v6 =	vmax.bf16 v50, v53;
	[tilespmem:s29+$0x1BB00] =	vst v4;
	v4 =	vmul.bf16 v61, v60  }
0x40a: {  	[tilespmem:s29+$0x1B710] =	vst v6;
	v5 =	vmul.bf16 v62, v5  }
0x40b: {  	[tilespmem:s29+$0x1BB20] =	vst v4  }
0x40c: {  	s0 =	rddreg [dreg:$0x5];
	[tilespmem:s29+$0x1BB30] =	vst v5  }
0x40d: {  	[hbm4b:s0+s2] =	stream.linear.scatter [tilespmem:s19], [sflag:$0xA], $0x2800, $0x38;
	[tilespmem:$0x1DF00] =	vst v63  }
0x40e: {  	_ =	swait.ge [sflag:s22], $0x2800  }
0x40f: {  	[sflag:s22] =	ssyncset.done $0x0  }
0x410: {  	[sflag:s22] =	ssyncadd.s32 $0xFFFFD800  }
0x411: {  	_ =	swait.ge [sflag:s25], $0x2800  }
0x412: {  	s1 =	rddreg [dreg:$0x7]  }
0x413: {  	s31 =	rddreg [dreg:$0x6];
	s1 =	sadd.s32 $0x1, s1  }
0x414: {  	p0 =	sne.s32 s1, s31  }
.Ltmp9:
0x415: {  	_ = 	snop;
	(pc) =	sbr.rel @p0 .LBB2_1-.Ltmp9, $3  }
0x416: {  	_ =	sdelay $0x1  }
0x417: {  	[sflag:s25] =	ssyncset.done $0x0  }
0x418: {  	[sflag:s25] =	ssyncadd.s32 $0xFFFFD800  }
0x419: {  	_ =	sfence.sel $0x180000  }
0x41a: {  	[bflag:$0x0] =	sbarrier.arrive $0xFFFF  }
0x41b: {  	_ =	strace $0x90000047  }
0x41c: {  	s0 =	stileid.u32;
	[bflag:$0x2] =	sbarrier.arrive $0xFFFF  }
0x41d: {  	p0 =	sne.s32 s0, $0x0;
	s0 =	rddreg [dreg:$0x1]  }
0x41e: {  	s0 =	sadd.s32 @!p0 $0x100000, s0  }
0x41f: {  	[sflag:s0] =	ssyncadd.tile.s32 @!p0 $0x1;
	_ =	shalt  }
.Lfunc_end2:
_tile_overlayer_lowered:
.L_overlay_start_2:
0x420: {  	(tag) =	ssettag $0x2  }
0x421: {  	s0 =	rddreg [dreg:$0x0];
	s2 =	stileid.u32  }
0x422: {  	s1 =	rddreg [dreg:$0x1];
	p0 =	sne.s32 s2, $0x0  }
0x423: {  	s3 =	rddreg [dreg:$0x2];
	[bflag:$0x3] =	sbarrier.arrive $0xFFFF;
	s2 =	simm.s32 @!p0 $0x1C0B  }
0x424: {  	[timem:s3], [sflag:s2] =	dma.local @!p0 [hbm:s0], s1  }
0x425: {  	s0 =	simm.s32 @!p0 $0xB  }
0x426: {  	_ =	swait.ge @!p0 [sflag:s0], s1  }
0x427: {  	s1 =	ssub.s32 @!p0 $0x0, s1;
	[sflag:s0] =	ssyncset.done @!p0 $0x0  }
0x428: {  	[sflag:s0] =	ssyncadd.s32 @!p0 s1  }
0x429: {  	[bflag:$0x3] =	sbarrier.arrive $0xFFFF  }
0x42a: {  	_ =	shalt  }

</sc_bundles>
